<compile_context>
chip_gen: v7x
topology: tpu7x:2x2x1
jax: 0.10.2.dev20260603
libtpu: 0.0.44.dev20260713+nightly
codegen_flags: <defaults>
</compile_context>

<pallas_src>
import functools

import jax
import jax.numpy as jnp
from jax import lax
from jax.experimental import pallas as pl
from jax.experimental.pallas import tpu as pltpu
from jax.experimental.pallas import tpu_sc as plsc


def _make_sc_agg(n_pad: int, d: int, nc: int, ns: int,
                 nsup: int, g: int, ch: int):
    nw = nc * ns
    rows_per_tile = n_pad // ns
    mesh = plsc.VectorSubcoreMesh(core_axis_name="c", subcore_axis_name="s")

    @functools.partial(
        pl.kernel,
        mesh=mesh,
        out_type=jax.ShapeDtypeStruct((nc, n_pad, d), jnp.float32),
        scratch_types=[
            pltpu.VMEM((g, ch), jnp.int32),
            pltpu.VMEM((g, ch), jnp.int32),
            pltpu.VMEM((g, ch), jnp.int32),
            pltpu.VMEM((g, ch), jnp.int32),
            pltpu.VMEM((ch, d), jnp.float32),
            pltpu.VMEM((ch, d), jnp.float32),
            pltpu.VMEM_SHARED((n_pad, d), jnp.float32),
            pltpu.SemaphoreType.DMA,
            pltpu.SemaphoreType.DMA,
            pltpu.SemaphoreType.DMA,
        ],
    )
    def sc_agg(x_hbm, src_hbm, dst_hbm, zeros_hbm, out_hbm,
               sw0, sw1, dw0, dw1, rows0, rows1, acc, sem_g, sem_s, sem_i):
        c = lax.axis_index("c")
        s = lax.axis_index("s")
        wid = s * nc + c
        r0 = s * rows_per_tile
        pltpu.sync_copy(zeros_hbm.at[pl.ds(r0, rows_per_tile)],
                        acc.at[pl.ds(r0, rows_per_tile)])
        plsc.subcore_barrier()

        sw = (sw0, sw1)
        dw = (dw0, dw1)
        rows = (rows0, rows1)

        pltpu.sync_copy(src_hbm.at[wid, 0], sw[0])
        pltpu.sync_copy(dst_hbm.at[wid, 0], dw[0])

        for k in range(nsup):
            w = k % 2
            if k > 0:
                pltpu.make_async_copy(src_hbm.at[wid, k], sw[w],
                                      sem_i).wait()
                pltpu.make_async_copy(dst_hbm.at[wid, k], dw[w],
                                      sem_i).wait()
            if k + 1 < nsup:
                pltpu.async_copy(src_hbm.at[wid, k + 1], sw[1 - w], sem_i)
                pltpu.async_copy(dst_hbm.at[wid, k + 1], dw[1 - w], sem_i)
            swin, dwin = sw[w], dw[w]

            def start_g(j, b):
                pltpu.async_copy(x_hbm.at[swin.at[j]], rows[b], sem_g)

            def wait_g(j, b):
                pltpu.make_async_copy(x_hbm.at[swin.at[j]], rows[b],
                                      sem_g).wait()

            def start_s(j, b):
                pltpu.async_copy(rows[b], acc.at[dwin.at[j]], sem_s,
                                 add=True)

            def wait_s(j, b):
                pltpu.make_async_copy(rows[b], acc.at[dwin.at[j]],
                                      sem_s).wait()

            start_g(0, 0)
            start_g(1, 1)
            wait_g(0, 0)
            start_s(0, 0)

            def body(t, carry):
                j1 = 2 * t + 1
                wait_s(j1 - 1, 0)
                start_g(j1 + 1, 0)
                wait_g(j1, 1)
                start_s(j1, 1)
                j2 = j1 + 1
                wait_s(j2 - 1, 1)
                start_g(j2 + 1, 1)
                wait_g(j2, 0)
                start_s(j2, 0)
                return carry

            lax.fori_loop(0, (g - 2) // 2, body, 0)
            jl = g - 1
            wait_s(jl - 1, 0)
            wait_g(jl, 1)
            start_s(jl, 1)
            wait_s(jl, 1)

        plsc.subcore_barrier()
        pltpu.sync_copy(acc.at[pl.ds(r0, rows_per_tile)],
                        out_hbm.at[c, pl.ds(r0, rows_per_tile)])

    return sc_agg


def _mlp_body(x_ref, p0_ref, p1_ref, w1_ref, b1_ref, w2_ref, b2_ref, o_ref):
    h = x_ref[...] + p0_ref[...] + p1_ref[...]
    h = jnp.maximum(
        jnp.dot(h, w1_ref[...], preferred_element_type=jnp.float32)
        + b1_ref[...], 0.0)
    o_ref[...] = (
        jnp.dot(h, w2_ref[...], preferred_element_type=jnp.float32)
        + b2_ref[...])


def kernel(x, edge_index, W1, b1, W2, b2):
    n, d = x.shape
    e = edge_index.shape[1]

    info = plsc.get_sparse_core_info()
    nc, ns = info.num_cores, info.num_subcores
    nw = nc * ns

    ch = 128
    g = 16
    nsup = -(-e // (nw * g * ch))
    epw = nsup * g * ch
    e_pad = nw * epw
    n_pad = -(-n // (ns * 8)) * (ns * 8)

    src = edge_index[0]
    dst = edge_index[1]
    pad = e_pad - e
    if pad:
        src = jnp.concatenate([src, jnp.zeros((pad,), jnp.int32)])
        dst = jnp.concatenate([dst, jnp.full((pad,), n, jnp.int32)])
    src4 = src.reshape(nw, nsup, g, ch)
    dst4 = dst.reshape(nw, nsup, g, ch)
    zeros = jnp.zeros((n_pad, d), jnp.float32)

    sc_agg = _make_sc_agg(n_pad, d, nc, ns, nsup, g, ch)
    parts = sc_agg(x, src4, dst4, zeros)

    blk = 400
    grid = (-(-n // blk),)
    out = pl.pallas_call(
        _mlp_body,
        grid=grid,
        in_specs=[
            pl.BlockSpec((blk, d), lambda i: (i, 0)),
            pl.BlockSpec((blk, d), lambda i: (i, 0)),
            pl.BlockSpec((blk, d), lambda i: (i, 0)),
            pl.BlockSpec((d, d), lambda i: (0, 0)),
            pl.BlockSpec((1, d), lambda i: (0, 0)),
            pl.BlockSpec((d, d), lambda i: (0, 0)),
            pl.BlockSpec((1, d), lambda i: (0, 0)),
        ],
        out_specs=pl.BlockSpec((blk, d), lambda i: (i, 0)),
        out_shape=jax.ShapeDtypeStruct((n, d), jnp.float32),
    )(x, parts[0, :n], parts[1, :n], W1, b1.reshape(1, d), W2,
      b2.reshape(1, d))
    return out

# --- scband reference (transcript-rebuilt; emitter-appended) ---
"""Pipeline reference for scband-ginconv-5059471475172 (READ-ONLY COPY).

The authoritative reference and input builder live on the scoring server;
editing this copy changes nothing except your own understanding.
"""

import jax, jax.numpy as jnp
import numpy as np

N = 10000
E = 320000
D = 128


def setup_inputs(seed: int = 0) -> dict:
    key = jax.random.key(seed)
    k1, k2, k3, k4, k5, k6 = jax.random.split(key, 6)
    x = jax.random.normal(k1, (N, D), dtype=jnp.float32)
    edge_index = jax.random.randint(k2, (2, E), 0, N, dtype=jnp.int32)
    scale = 1.0 / np.sqrt(D)
    W1 = jax.random.normal(k3, (D, D), dtype=jnp.float32) * scale
    b1 = jnp.zeros((D,), dtype=jnp.float32)
    W2 = jax.random.normal(k4, (D, D), dtype=jnp.float32) * scale
    b2 = jnp.zeros((D,), dtype=jnp.float32)
    return {"x": x, "edge_index": edge_index, "W1": W1, "b1": b1, "W2": W2, "b2": b2}


def reference(x, edge_index, W1, b1, W2, b2):
    # GINConv: out = MLP((1 + eps) * x + sum_{j in N(i)} x_j), eps = 0
    src = edge_index[0]
    dst = edge_index[1]
    msgs = jnp.take(x, src, axis=0)                         # gather  [E, D]
    agg = jax.ops.segment_sum(msgs, dst, num_segments=N)    # scatter-add [N, D]
    h = x + agg
    # 2-layer MLP (size_list = [D, D, D]): Linear -> ReLU -> Linear
    h = jnp.maximum(jnp.dot(h, W1) + b1, 0.0)
    out = jnp.dot(h, W2) + b2
    return out

if __name__ == "__main__":
    import jax
    _d = setup_inputs()
    print(jax.jit(kernel)(*tuple(_d.values())))

</pallas_src>

<mosaic_0001>
#map = affine_map<(d0, d1) -> (0, 0)>
#map1 = affine_map<(d0, d1) -> (0, 0, 0, 0)>
#map2 = affine_map<(d0, d1) -> (0, 0, 0)>
module attributes {stable_mosaic.version = 14 : i64} {
  func.func @sc_agg(%arg0: i32, %arg1: i32, %arg2: memref<10000x128xf32, #tpu.memory_space<hbm>>, %arg3: memref<32x5x16x128xi32, #tpu.memory_space<hbm>>, %arg4: memref<32x5x16x128xi32, #tpu.memory_space<hbm>>, %arg5: memref<10112x128xf32, #tpu.memory_space<hbm>>, %arg6: memref<2x10112x128xf32, #tpu.memory_space<hbm>>, %arg7: memref<16x128xi32, #tpu.memory_space<vmem>>, %arg8: memref<16x128xi32, #tpu.memory_space<vmem>>, %arg9: memref<16x128xi32, #tpu.memory_space<vmem>>, %arg10: memref<16x128xi32, #tpu.memory_space<vmem>>, %arg11: memref<128x128xf32, #tpu.memory_space<vmem>>, %arg12: memref<128x128xf32, #tpu.memory_space<vmem>>, %arg13: memref<10112x128xf32, #tpu.memory_space<vmem_shared>>, %arg14: memref<!tpu.dma_semaphore, #tpu.memory_space<semaphore_mem>>, %arg15: memref<!tpu.dma_semaphore, #tpu.memory_space<semaphore_mem>>, %arg16: memref<!tpu.dma_semaphore, #tpu.memory_space<semaphore_mem>>) attributes {dimension_semantics = [#tpu.dimension_semantics<core_parallel>, #tpu.dimension_semantics<subcore_parallel>], iteration_bounds = array<i64: 2, 16>, scalar_prefetch = 0 : i64, scratch_operands = 10 : i64, tpu.core_type = #tpu.core_type<sc_vector_subcore>, window_params = [{transform_indices = #map}, {transform_indices = #map1}, {transform_indices = #map1}, {transform_indices = #map}, {transform_indices = #map2}]} {
    %mul3A = arith.constant 2 : i32
    %mul3A_0 = arith.muli %arg1, %mul3A : i32
    %add3A = arith.addi %mul3A_0, %arg0 : i32
    %mul3A_1 = arith.constant 632 : i32
    %mul3A_2 = arith.muli %arg1, %mul3A_1 : i32
    "tpu.region"() ({
      %run_scoped3A_456 = tpu.sem_alloc : memref<!tpu.dma_semaphore, #tpu.memory_space<semaphore_mem>>
      %dma_start3A_457 = arith.constant 0 : i32
      %dma_start3A_458 = tpu.memref_slice %arg13[%mul3A_2, %dma_start3A_457] : memref<10112x128xf32, #tpu.memory_space<vmem_shared>> -> memref<632x128xf32, #tpu.memory_space<vmem_shared>>
      %dma_start3A_459 = arith.constant 0 : i32
      %dma_start3A_460 = tpu.memref_slice %arg5[%mul3A_2, %dma_start3A_459] : memref<10112x128xf32, #tpu.memory_space<hbm>> -> memref<632x128xf32, #tpu.memory_space<hbm>>
      tpu.enqueue_dma source(%dma_start3A_460 : memref<632x128xf32, #tpu.memory_space<hbm>>) target(%dma_start3A_458 : memref<632x128xf32, #tpu.memory_space<vmem_shared>>) target_semaphore(%run_scoped3A_456 : memref<!tpu.dma_semaphore, #tpu.memory_space<semaphore_mem>>)
      %dma_wait3A_461 = arith.constant 0 : i32
      %dma_wait3A_462 = tpu.memref_slice %arg13[%mul3A_2, %dma_wait3A_461] : memref<10112x128xf32, #tpu.memory_space<vmem_shared>> -> memref<632x128xf32, #tpu.memory_space<vmem_shared>>
      %dma_wait3A_463 = arith.constant 0 : i32
      %dma_wait3A_464 = tpu.memref_slice %arg5[%mul3A_2, %dma_wait3A_463] : memref<10112x128xf32, #tpu.memory_space<hbm>> -> memref<632x128xf32, #tpu.memory_space<hbm>>
      tpu.wait_dma2 semaphore(%run_scoped3A_456 : memref<!tpu.dma_semaphore, #tpu.memory_space<semaphore_mem>>) src(%dma_wait3A_464 : memref<632x128xf32, #tpu.memory_space<hbm>>) dst(%dma_wait3A_462 : memref<632x128xf32, #tpu.memory_space<vmem_shared>>)
      tpu.yield
    }) : () -> ()
    %barrier3A = arith.constant 0 : index
    tpu.barrier barrier_id(%barrier3A)
    %run_scoped3A = arith.constant 0 : i32
    "tpu.region"() ({
      %run_scoped3A_456 = tpu.sem_alloc : memref<!tpu.dma_semaphore, #tpu.memory_space<semaphore_mem>>
      %dma_start3A_457 = arith.constant 0 : i32
      %dma_start3A_458 = arith.constant 0 : i32
      %dma_start3A_459 = tpu.memref_slice %arg3[%add3A, %run_scoped3A, %dma_start3A_457, %dma_start3A_458] : memref<32x5x16x128xi32, #tpu.memory_space<hbm>> -> memref<1x1x16x128xi32, #tpu.memory_space<hbm>>
      %dma_start3A_460 = tpu.memref_squeeze %dma_start3A_459 : memref<1x1x16x128xi32, #tpu.memory_space<hbm>> -> memref<16x128xi32, #tpu.memory_space<hbm>>
      %dma_start3A_461 = arith.constant 0 : i32
      %dma_start3A_462 = arith.constant 0 : i32
      %dma_start3A_463 = tpu.memref_slice %arg3[%add3A, %run_scoped3A, %dma_start3A_461, %dma_start3A_462] : memref<32x5x16x128xi32, #tpu.memory_space<hbm>> -> memref<1x1x16x128xi32, #tpu.memory_space<hbm>>
      %dma_start3A_464 = tpu.memref_squeeze %dma_start3A_463 : memref<1x1x16x128xi32, #tpu.memory_space<hbm>> -> memref<16x128xi32, #tpu.memory_space<hbm>>
      tpu.enqueue_dma source(%dma_start3A_464 : memref<16x128xi32, #tpu.memory_space<hbm>>) target(%arg7 : memref<16x128xi32, #tpu.memory_space<vmem>>) target_semaphore(%run_scoped3A_456 : memref<!tpu.dma_semaphore, #tpu.memory_space<semaphore_mem>>)
      %dma_wait3A_465 = arith.constant 0 : i32
      %dma_wait3A_466 = arith.constant 0 : i32
      %dma_wait3A_467 = tpu.memref_slice %arg3[%add3A, %run_scoped3A, %dma_wait3A_465, %dma_wait3A_466] : memref<32x5x16x128xi32, #tpu.memory_space<hbm>> -> memref<1x1x16x128xi32, #tpu.memory_space<hbm>>
      %dma_wait3A_468 = tpu.memref_squeeze %dma_wait3A_467 : memref<1x1x16x128xi32, #tpu.memory_space<hbm>> -> memref<16x128xi32, #tpu.memory_space<hbm>>
      %dma_wait3A_469 = arith.constant 0 : i32
      %dma_wait3A_470 = arith.constant 0 : i32
      %dma_wait3A_471 = tpu.memref_slice %arg3[%add3A, %run_scoped3A, %dma_wait3A_469, %dma_wait3A_470] : memref<32x5x16x128xi32, #tpu.memory_space<hbm>> -> memref<1x1x16x128xi32, #tpu.memory_space<hbm>>
      %dma_wait3A_472 = tpu.memref_squeeze %dma_wait3A_471 : memref<1x1x16x128xi32, #tpu.memory_space<hbm>> -> memref<16x128xi32, #tpu.memory_space<hbm>>
      tpu.wait_dma2 semaphore(%run_scoped3A_456 : memref<!tpu.dma_semaphore, #tpu.memory_space<semaphore_mem>>) src(%dma_wait3A_472 : memref<16x128xi32, #tpu.memory_space<hbm>>) dst(%arg7 : memref<16x128xi32, #tpu.memory_space<vmem>>)
      tpu.yield
    }) : () -> ()
    %run_scoped3A_3 = arith.constant 0 : i32
    "tpu.region"() ({
      %run_scoped3A_456 = tpu.sem_alloc : memref<!tpu.dma_semaphore, #tpu.memory_space<semaphore_mem>>
      %dma_start3A_457 = arith.constant 0 : i32
      %dma_start3A_458 = arith.constant 0 : i32
      %dma_start3A_459 = tpu.memref_slice %arg4[%add3A, %run_scoped3A_3, %dma_start3A_457, %dma_start3A_458] : memref<32x5x16x128xi32, #tpu.memory_space<hbm>> -> memref<1x1x16x128xi32, #tpu.memory_space<hbm>>
      %dma_start3A_460 = tpu.memref_squeeze %dma_start3A_459 : memref<1x1x16x128xi32, #tpu.memory_space<hbm>> -> memref<16x128xi32, #tpu.memory_space<hbm>>
      %dma_start3A_461 = arith.constant 0 : i32
      %dma_start3A_462 = arith.constant 0 : i32
      %dma_start3A_463 = tpu.memref_slice %arg4[%add3A, %run_scoped3A_3, %dma_start3A_461, %dma_start3A_462] : memref<32x5x16x128xi32, #tpu.memory_space<hbm>> -> memref<1x1x16x128xi32, #tpu.memory_space<hbm>>
      %dma_start3A_464 = tpu.memref_squeeze %dma_start3A_463 : memref<1x1x16x128xi32, #tpu.memory_space<hbm>> -> memref<16x128xi32, #tpu.memory_space<hbm>>
      tpu.enqueue_dma source(%dma_start3A_464 : memref<16x128xi32, #tpu.memory_space<hbm>>) target(%arg9 : memref<16x128xi32, #tpu.memory_space<vmem>>) target_semaphore(%run_scoped3A_456 : memref<!tpu.dma_semaphore, #tpu.memory_space<semaphore_mem>>)
      %dma_wait3A_465 = arith.constant 0 : i32
      %dma_wait3A_466 = arith.constant 0 : i32
      %dma_wait3A_467 = tpu.memref_slice %arg4[%add3A, %run_scoped3A_3, %dma_wait3A_465, %dma_wait3A_466] : memref<32x5x16x128xi32, #tpu.memory_space<hbm>> -> memref<1x1x16x128xi32, #tpu.memory_space<hbm>>
      %dma_wait3A_468 = tpu.memref_squeeze %dma_wait3A_467 : memref<1x1x16x128xi32, #tpu.memory_space<hbm>> -> memref<16x128xi32, #tpu.memory_space<hbm>>
      %dma_wait3A_469 = arith.constant 0 : i32
      %dma_wait3A_470 = arith.constant 0 : i32
      %dma_wait3A_471 = tpu.memref_slice %arg4[%add3A, %run_scoped3A_3, %dma_wait3A_469, %dma_wait3A_470] : memref<32x5x16x128xi32, #tpu.memory_space<hbm>> -> memref<1x1x16x128xi32, #tpu.memory_space<hbm>>
      %dma_wait3A_472 = tpu.memref_squeeze %dma_wait3A_471 : memref<1x1x16x128xi32, #tpu.memory_space<hbm>> -> memref<16x128xi32, #tpu.memory_space<hbm>>
      tpu.wait_dma2 semaphore(%run_scoped3A_456 : memref<!tpu.dma_semaphore, #tpu.memory_space<semaphore_mem>>) src(%dma_wait3A_472 : memref<16x128xi32, #tpu.memory_space<hbm>>) dst(%arg9 : memref<16x128xi32, #tpu.memory_space<vmem>>)
      tpu.yield
    }) : () -> ()
    %dma_start3A = arith.constant 1 : i32
    %dma_start3A_4 = arith.constant 0 : i32
    %dma_start3A_5 = arith.constant 0 : i32
    %dma_start3A_6 = tpu.memref_slice %arg3[%add3A, %dma_start3A, %dma_start3A_4, %dma_start3A_5] : memref<32x5x16x128xi32, #tpu.memory_space<hbm>> -> memref<1x1x16x128xi32, #tpu.memory_space<hbm>>
    %dma_start3A_7 = tpu.memref_squeeze %dma_start3A_6 : memref<1x1x16x128xi32, #tpu.memory_space<hbm>> -> memref<16x128xi32, #tpu.memory_space<hbm>>
    %dma_start3A_8 = arith.constant 0 : i32
    %dma_start3A_9 = arith.constant 0 : i32
    %dma_start3A_10 = tpu.memref_slice %arg3[%add3A, %dma_start3A, %dma_start3A_8, %dma_start3A_9] : memref<32x5x16x128xi32, #tpu.memory_space<hbm>> -> memref<1x1x16x128xi32, #tpu.memory_space<hbm>>
    %dma_start3A_11 = tpu.memref_squeeze %dma_start3A_10 : memref<1x1x16x128xi32, #tpu.memory_space<hbm>> -> memref<16x128xi32, #tpu.memory_space<hbm>>
    tpu.enqueue_dma source(%dma_start3A_11 : memref<16x128xi32, #tpu.memory_space<hbm>>) target(%arg8 : memref<16x128xi32, #tpu.memory_space<vmem>>) target_semaphore(%arg16 : memref<!tpu.dma_semaphore, #tpu.memory_space<semaphore_mem>>)
    %dma_start3A_12 = arith.constant 1 : i32
    %dma_start3A_13 = arith.constant 0 : i32
    %dma_start3A_14 = arith.constant 0 : i32
    %dma_start3A_15 = tpu.memref_slice %arg4[%add3A, %dma_start3A_12, %dma_start3A_13, %dma_start3A_14] : memref<32x5x16x128xi32, #tpu.memory_space<hbm>> -> memref<1x1x16x128xi32, #tpu.memory_space<hbm>>
    %dma_start3A_16 = tpu.memref_squeeze %dma_start3A_15 : memref<1x1x16x128xi32, #tpu.memory_space<hbm>> -> memref<16x128xi32, #tpu.memory_space<hbm>>
    %dma_start3A_17 = arith.constant 0 : i32
    %dma_start3A_18 = arith.constant 0 : i32
    %dma_start3A_19 = tpu.memref_slice %arg4[%add3A, %dma_start3A_12, %dma_start3A_17, %dma_start3A_18] : memref<32x5x16x128xi32, #tpu.memory_space<hbm>> -> memref<1x1x16x128xi32, #tpu.memory_space<hbm>>
    %dma_start3A_20 = tpu.memref_squeeze %dma_start3A_19 : memref<1x1x16x128xi32, #tpu.memory_space<hbm>> -> memref<16x128xi32, #tpu.memory_space<hbm>>
    tpu.enqueue_dma source(%dma_start3A_20 : memref<16x128xi32, #tpu.memory_space<hbm>>) target(%arg10 : memref<16x128xi32, #tpu.memory_space<vmem>>) target_semaphore(%arg16 : memref<!tpu.dma_semaphore, #tpu.memory_space<semaphore_mem>>)
    %dma_start3A_21 = arith.constant 0 : i32
    %dma_start3A_22 = arith.constant 0 : i32
    %dma_start3A_23 = tpu.memref_slice %arg7[%dma_start3A_21, %dma_start3A_22] : memref<16x128xi32, #tpu.memory_space<vmem>> -> memref<1x128xi32, #tpu.memory_space<vmem>>
    %dma_start3A_24 = tpu.memref_squeeze %dma_start3A_23 : memref<1x128xi32, #tpu.memory_space<vmem>> -> memref<128xi32, #tpu.memory_space<vmem>>
    %dma_start3A_25 = arith.constant 0 : i32
    %dma_start3A_26 = arith.constant 0 : i32
    %dma_start3A_27 = tpu.memref_slice %arg2[%dma_start3A_25, %dma_start3A_26] : memref<10000x128xf32, #tpu.memory_space<hbm>> -> memref<10000x128xf32, #tpu.memory_space<hbm>>
    tpu.enqueue_indirect_dma source(%dma_start3A_27 : memref<10000x128xf32, #tpu.memory_space<hbm>>) target(%arg11 : memref<128x128xf32, #tpu.memory_space<vmem>>) offsets(%dma_start3A_24 : memref<128xi32, #tpu.memory_space<vmem>>) semaphore(%arg14 : memref<!tpu.dma_semaphore, #tpu.memory_space<semaphore_mem>>)
    %dma_start3A_28 = arith.constant 1 : i32
    %dma_start3A_29 = arith.constant 0 : i32
    %dma_start3A_30 = tpu.memref_slice %arg7[%dma_start3A_28, %dma_start3A_29] : memref<16x128xi32, #tpu.memory_space<vmem>> -> memref<1x128xi32, #tpu.memory_space<vmem>>
    %dma_start3A_31 = tpu.memref_squeeze %dma_start3A_30 : memref<1x128xi32, #tpu.memory_space<vmem>> -> memref<128xi32, #tpu.memory_space<vmem>>
    %dma_start3A_32 = arith.constant 0 : i32
    %dma_start3A_33 = arith.constant 0 : i32
    %dma_start3A_34 = tpu.memref_slice %arg2[%dma_start3A_32, %dma_start3A_33] : memref<10000x128xf32, #tpu.memory_space<hbm>> -> memref<10000x128xf32, #tpu.memory_space<hbm>>
    tpu.enqueue_indirect_dma source(%dma_start3A_34 : memref<10000x128xf32, #tpu.memory_space<hbm>>) target(%arg12 : memref<128x128xf32, #tpu.memory_space<vmem>>) offsets(%dma_start3A_31 : memref<128xi32, #tpu.memory_space<vmem>>) semaphore(%arg14 : memref<!tpu.dma_semaphore, #tpu.memory_space<semaphore_mem>>)
    %dma_wait3A = arith.constant 0 : i32
    %dma_wait3A_35 = arith.constant 0 : i32
    %dma_wait3A_36 = tpu.memref_slice %arg7[%dma_wait3A, %dma_wait3A_35] : memref<16x128xi32, #tpu.memory_space<vmem>> -> memref<1x128xi32, #tpu.memory_space<vmem>>
    %dma_wait3A_37 = tpu.memref_squeeze %dma_wait3A_36 : memref<1x128xi32, #tpu.memory_space<vmem>> -> memref<128xi32, #tpu.memory_space<vmem>>
    %dma_wait3A_38 = arith.constant 0 : i32
    %dma_wait3A_39 = arith.constant 0 : i32
    %dma_wait3A_40 = tpu.memref_slice %arg2[%dma_wait3A_38, %dma_wait3A_39] : memref<10000x128xf32, #tpu.memory_space<hbm>> -> memref<10000x128xf32, #tpu.memory_space<hbm>>
    tpu.wait_indirect_dma semaphore(%arg14 : memref<!tpu.dma_semaphore, #tpu.memory_space<semaphore_mem>>) src(%dma_wait3A_40 : memref<10000x128xf32, #tpu.memory_space<hbm>>) dst(%arg11 : memref<128x128xf32, #tpu.memory_space<vmem>>)
    %dma_start3A_41 = arith.constant 0 : i32
    %dma_start3A_42 = arith.constant 0 : i32
    %dma_start3A_43 = tpu.memref_slice %arg9[%dma_start3A_41, %dma_start3A_42] : memref<16x128xi32, #tpu.memory_space<vmem>> -> memref<1x128xi32, #tpu.memory_space<vmem>>
    %dma_start3A_44 = tpu.memref_squeeze %dma_start3A_43 : memref<1x128xi32, #tpu.memory_space<vmem>> -> memref<128xi32, #tpu.memory_space<vmem>>
    %dma_start3A_45 = arith.constant 0 : i32
    %dma_start3A_46 = arith.constant 0 : i32
    %dma_start3A_47 = tpu.memref_slice %arg13[%dma_start3A_45, %dma_start3A_46] : memref<10112x128xf32, #tpu.memory_space<vmem_shared>> -> memref<10112x128xf32, #tpu.memory_space<vmem_shared>>
    tpu.enqueue_indirect_dma source(%arg11 : memref<128x128xf32, #tpu.memory_space<vmem>>) target(%dma_start3A_47 : memref<10112x128xf32, #tpu.memory_space<vmem_shared>>) offsets(%dma_start3A_44 : memref<128xi32, #tpu.memory_space<vmem>>) semaphore(%arg15 : memref<!tpu.dma_semaphore, #tpu.memory_space<semaphore_mem>>) {add = true}
    %scan3A = arith.constant 0 : i32
    %scan3A_48 = arith.constant 0 : i32
    %scan3A_49 = arith.constant 7 : i32
    %scan3A_50 = arith.addi %scan3A_48, %scan3A_49 : i32
    %scan3A_51 = arith.constant 1 : i32
    scf.for %scan3A_456 = %scan3A_48 to %scan3A_50 step %scan3A_51  : i32 {
      %mul3A_457 = arith.constant 2 : i32
      %mul3A_458 = arith.muli %mul3A_457, %scan3A_456 : i32
      %add3A_459 = arith.constant 1 : i32
      %add3A_460 = arith.addi %mul3A_458, %add3A_459 : i32
      %sub3A = arith.constant 1 : i32
      %sub3A_461 = arith.subi %add3A_460, %sub3A : i32
      %dma_wait3A_462 = arith.constant 0 : i32
      %dma_wait3A_463 = tpu.memref_slice %arg9[%sub3A_461, %dma_wait3A_462] : memref<16x128xi32, #tpu.memory_space<vmem>> -> memref<1x128xi32, #tpu.memory_space<vmem>>
      %dma_wait3A_464 = tpu.memref_squeeze %dma_wait3A_463 : memref<1x128xi32, #tpu.memory_space<vmem>> -> memref<128xi32, #tpu.memory_space<vmem>>
      %dma_wait3A_465 = arith.constant 0 : i32
      %dma_wait3A_466 = arith.constant 0 : i32
      %dma_wait3A_467 = tpu.memref_slice %arg13[%dma_wait3A_465, %dma_wait3A_466] : memref<10112x128xf32, #tpu.memory_space<vmem_shared>> -> memref<10112x128xf32, #tpu.memory_space<vmem_shared>>
      tpu.wait_indirect_dma semaphore(%arg15 : memref<!tpu.dma_semaphore, #tpu.memory_space<semaphore_mem>>) src(%arg11 : memref<128x128xf32, #tpu.memory_space<vmem>>) dst(%dma_wait3A_467 : memref<10112x128xf32, #tpu.memory_space<vmem_shared>>)
      %add3A_468 = arith.constant 1 : i32
      %add3A_469 = arith.addi %add3A_460, %add3A_468 : i32
      %dma_start3A_470 = arith.constant 0 : i32
      %dma_start3A_471 = tpu.memref_slice %arg7[%add3A_469, %dma_start3A_470] : memref<16x128xi32, #tpu.memory_space<vmem>> -> memref<1x128xi32, #tpu.memory_space<vmem>>
      %dma_start3A_472 = tpu.memref_squeeze %dma_start3A_471 : memref<1x128xi32, #tpu.memory_space<vmem>> -> memref<128xi32, #tpu.memory_space<vmem>>
      %dma_start3A_473 = arith.constant 0 : i32
      %dma_start3A_474 = arith.constant 0 : i32
      %dma_start3A_475 = tpu.memref_slice %arg2[%dma_start3A_473, %dma_start3A_474] : memref<10000x128xf32, #tpu.memory_space<hbm>> -> memref<10000x128xf32, #tpu.memory_space<hbm>>
      tpu.enqueue_indirect_dma source(%dma_start3A_475 : memref<10000x128xf32, #tpu.memory_space<hbm>>) target(%arg11 : memref<128x128xf32, #tpu.memory_space<vmem>>) offsets(%dma_start3A_472 : memref<128xi32, #tpu.memory_space<vmem>>) semaphore(%arg14 : memref<!tpu.dma_semaphore, #tpu.memory_space<semaphore_mem>>)
      %dma_wait3A_476 = arith.constant 0 : i32
      %dma_wait3A_477 = tpu.memref_slice %arg7[%add3A_460, %dma_wait3A_476] : memref<16x128xi32, #tpu.memory_space<vmem>> -> memref<1x128xi32, #tpu.memory_space<vmem>>
      %dma_wait3A_478 = tpu.memref_squeeze %dma_wait3A_477 : memref<1x128xi32, #tpu.memory_space<vmem>> -> memref<128xi32, #tpu.memory_space<vmem>>
      %dma_wait3A_479 = arith.constant 0 : i32
      %dma_wait3A_480 = arith.constant 0 : i32
      %dma_wait3A_481 = tpu.memref_slice %arg2[%dma_wait3A_479, %dma_wait3A_480] : memref<10000x128xf32, #tpu.memory_space<hbm>> -> memref<10000x128xf32, #tpu.memory_space<hbm>>
      tpu.wait_indirect_dma semaphore(%arg14 : memref<!tpu.dma_semaphore, #tpu.memory_space<semaphore_mem>>) src(%dma_wait3A_481 : memref<10000x128xf32, #tpu.memory_space<hbm>>) dst(%arg12 : memref<128x128xf32, #tpu.memory_space<vmem>>)
      %dma_start3A_482 = arith.constant 0 : i32
      %dma_start3A_483 = tpu.memref_slice %arg9[%add3A_460, %dma_start3A_482] : memref<16x128xi32, #tpu.memory_space<vmem>> -> memref<1x128xi32, #tpu.memory_space<vmem>>
      %dma_start3A_484 = tpu.memref_squeeze %dma_start3A_483 : memref<1x128xi32, #tpu.memory_space<vmem>> -> memref<128xi32, #tpu.memory_space<vmem>>
      %dma_start3A_485 = arith.constant 0 : i32
      %dma_start3A_486 = arith.constant 0 : i32
      %dma_start3A_487 = tpu.memref_slice %arg13[%dma_start3A_485, %dma_start3A_486] : memref<10112x128xf32, #tpu.memory_space<vmem_shared>> -> memref<10112x128xf32, #tpu.memory_space<vmem_shared>>
      tpu.enqueue_indirect_dma source(%arg12 : memref<128x128xf32, #tpu.memory_space<vmem>>) target(%dma_start3A_487 : memref<10112x128xf32, #tpu.memory_space<vmem_shared>>) offsets(%dma_start3A_484 : memref<128xi32, #tpu.memory_space<vmem>>) semaphore(%arg15 : memref<!tpu.dma_semaphore, #tpu.memory_space<semaphore_mem>>) {add = true}
      %add3A_488 = arith.constant 1 : i32
      %add3A_489 = arith.addi %add3A_460, %add3A_488 : i32
      %sub3A_490 = arith.constant 1 : i32
      %sub3A_491 = arith.subi %add3A_489, %sub3A_490 : i32
      %dma_wait3A_492 = arith.constant 0 : i32
      %dma_wait3A_493 = tpu.memref_slice %arg9[%sub3A_491, %dma_wait3A_492] : memref<16x128xi32, #tpu.memory_space<vmem>> -> memref<1x128xi32, #tpu.memory_space<vmem>>
      %dma_wait3A_494 = tpu.memref_squeeze %dma_wait3A_493 : memref<1x128xi32, #tpu.memory_space<vmem>> -> memref<128xi32, #tpu.memory_space<vmem>>
      %dma_wait3A_495 = arith.constant 0 : i32
      %dma_wait3A_496 = arith.constant 0 : i32
      %dma_wait3A_497 = tpu.memref_slice %arg13[%dma_wait3A_495, %dma_wait3A_496] : memref<10112x128xf32, #tpu.memory_space<vmem_shared>> -> memref<10112x128xf32, #tpu.memory_space<vmem_shared>>
      tpu.wait_indirect_dma semaphore(%arg15 : memref<!tpu.dma_semaphore, #tpu.memory_space<semaphore_mem>>) src(%arg12 : memref<128x128xf32, #tpu.memory_space<vmem>>) dst(%dma_wait3A_497 : memref<10112x128xf32, #tpu.memory_space<vmem_shared>>)
      %add3A_498 = arith.constant 1 : i32
      %add3A_499 = arith.addi %add3A_489, %add3A_498 : i32
      %dma_start3A_500 = arith.constant 0 : i32
      %dma_start3A_501 = tpu.memref_slice %arg7[%add3A_499, %dma_start3A_500] : memref<16x128xi32, #tpu.memory_space<vmem>> -> memref<1x128xi32, #tpu.memory_space<vmem>>
      %dma_start3A_502 = tpu.memref_squeeze %dma_start3A_501 : memref<1x128xi32, #tpu.memory_space<vmem>> -> memref<128xi32, #tpu.memory_space<vmem>>
      %dma_start3A_503 = arith.constant 0 : i32
      %dma_start3A_504 = arith.constant 0 : i32
      %dma_start3A_505 = tpu.memref_slice %arg2[%dma_start3A_503, %dma_start3A_504] : memref<10000x128xf32, #tpu.memory_space<hbm>> -> memref<10000x128xf32, #tpu.memory_space<hbm>>
      tpu.enqueue_indirect_dma source(%dma_start3A_505 : memref<10000x128xf32, #tpu.memory_space<hbm>>) target(%arg12 : memref<128x128xf32, #tpu.memory_space<vmem>>) offsets(%dma_start3A_502 : memref<128xi32, #tpu.memory_space<vmem>>) semaphore(%arg14 : memref<!tpu.dma_semaphore, #tpu.memory_space<semaphore_mem>>)
      %dma_wait3A_506 = arith.constant 0 : i32
      %dma_wait3A_507 = tpu.memref_slice %arg7[%add3A_489, %dma_wait3A_506] : memref<16x128xi32, #tpu.memory_space<vmem>> -> memref<1x128xi32, #tpu.memory_space<vmem>>
      %dma_wait3A_508 = tpu.memref_squeeze %dma_wait3A_507 : memref<1x128xi32, #tpu.memory_space<vmem>> -> memref<128xi32, #tpu.memory_space<vmem>>
      %dma_wait3A_509 = arith.constant 0 : i32
      %dma_wait3A_510 = arith.constant 0 : i32
      %dma_wait3A_511 = tpu.memref_slice %arg2[%dma_wait3A_509, %dma_wait3A_510] : memref<10000x128xf32, #tpu.memory_space<hbm>> -> memref<10000x128xf32, #tpu.memory_space<hbm>>
      tpu.wait_indirect_dma semaphore(%arg14 : memref<!tpu.dma_semaphore, #tpu.memory_space<semaphore_mem>>) src(%dma_wait3A_511 : memref<10000x128xf32, #tpu.memory_space<hbm>>) dst(%arg11 : memref<128x128xf32, #tpu.memory_space<vmem>>)
      %dma_start3A_512 = arith.constant 0 : i32
      %dma_start3A_513 = tpu.memref_slice %arg9[%add3A_489, %dma_start3A_512] : memref<16x128xi32, #tpu.memory_space<vmem>> -> memref<1x128xi32, #tpu.memory_space<vmem>>
      %dma_start3A_514 = tpu.memref_squeeze %dma_start3A_513 : memref<1x128xi32, #tpu.memory_space<vmem>> -> memref<128xi32, #tpu.memory_space<vmem>>
      %dma_start3A_515 = arith.constant 0 : i32
      %dma_start3A_516 = arith.constant 0 : i32
      %dma_start3A_517 = tpu.memref_slice %arg13[%dma_start3A_515, %dma_start3A_516] : memref<10112x128xf32, #tpu.memory_space<vmem_shared>> -> memref<10112x128xf32, #tpu.memory_space<vmem_shared>>
      tpu.enqueue_indirect_dma source(%arg11 : memref<128x128xf32, #tpu.memory_space<vmem>>) target(%dma_start3A_517 : memref<10112x128xf32, #tpu.memory_space<vmem_shared>>) offsets(%dma_start3A_514 : memref<128xi32, #tpu.memory_space<vmem>>) semaphore(%arg15 : memref<!tpu.dma_semaphore, #tpu.memory_space<semaphore_mem>>) {add = true}
    }
    %scan3A_52 = arith.constant 7 : i32
    %dma_wait3A_53 = arith.constant 14 : i32
    %dma_wait3A_54 = arith.constant 0 : i32
    %dma_wait3A_55 = tpu.memref_slice %arg9[%dma_wait3A_53, %dma_wait3A_54] : memref<16x128xi32, #tpu.memory_space<vmem>> -> memref<1x128xi32, #tpu.memory_space<vmem>>
    %dma_wait3A_56 = tpu.memref_squeeze %dma_wait3A_55 : memref<1x128xi32, #tpu.memory_space<vmem>> -> memref<128xi32, #tpu.memory_space<vmem>>
    %dma_wait3A_57 = arith.constant 0 : i32
    %dma_wait3A_58 = arith.constant 0 : i32
    %dma_wait3A_59 = tpu.memref_slice %arg13[%dma_wait3A_57, %dma_wait3A_58] : memref<10112x128xf32, #tpu.memory_space<vmem_shared>> -> memref<10112x128xf32, #tpu.memory_space<vmem_shared>>
    tpu.wait_indirect_dma semaphore(%arg15 : memref<!tpu.dma_semaphore, #tpu.memory_space<semaphore_mem>>) src(%arg11 : memref<128x128xf32, #tpu.memory_space<vmem>>) dst(%dma_wait3A_59 : memref<10112x128xf32, #tpu.memory_space<vmem_shared>>)
    %dma_wait3A_60 = arith.constant 15 : i32
    %dma_wait3A_61 = arith.constant 0 : i32
    %dma_wait3A_62 = tpu.memref_slice %arg7[%dma_wait3A_60, %dma_wait3A_61] : memref<16x128xi32, #tpu.memory_space<vmem>> -> memref<1x128xi32, #tpu.memory_space<vmem>>
    %dma_wait3A_63 = tpu.memref_squeeze %dma_wait3A_62 : memref<1x128xi32, #tpu.memory_space<vmem>> -> memref<128xi32, #tpu.memory_space<vmem>>
    %dma_wait3A_64 = arith.constant 0 : i32
    %dma_wait3A_65 = arith.constant 0 : i32
    %dma_wait3A_66 = tpu.memref_slice %arg2[%dma_wait3A_64, %dma_wait3A_65] : memref<10000x128xf32, #tpu.memory_space<hbm>> -> memref<10000x128xf32, #tpu.memory_space<hbm>>
    tpu.wait_indirect_dma semaphore(%arg14 : memref<!tpu.dma_semaphore, #tpu.memory_space<semaphore_mem>>) src(%dma_wait3A_66 : memref<10000x128xf32, #tpu.memory_space<hbm>>) dst(%arg12 : memref<128x128xf32, #tpu.memory_space<vmem>>)
    %dma_start3A_67 = arith.constant 15 : i32
    %dma_start3A_68 = arith.constant 0 : i32
    %dma_start3A_69 = tpu.memref_slice %arg9[%dma_start3A_67, %dma_start3A_68] : memref<16x128xi32, #tpu.memory_space<vmem>> -> memref<1x128xi32, #tpu.memory_space<vmem>>
    %dma_start3A_70 = tpu.memref_squeeze %dma_start3A_69 : memref<1x128xi32, #tpu.memory_space<vmem>> -> memref<128xi32, #tpu.memory_space<vmem>>
    %dma_start3A_71 = arith.constant 0 : i32
    %dma_start3A_72 = arith.constant 0 : i32
    %dma_start3A_73 = tpu.memref_slice %arg13[%dma_start3A_71, %dma_start3A_72] : memref<10112x128xf32, #tpu.memory_space<vmem_shared>> -> memref<10112x128xf32, #tpu.memory_space<vmem_shared>>
    tpu.enqueue_indirect_dma source(%arg12 : memref<128x128xf32, #tpu.memory_space<vmem>>) target(%dma_start3A_73 : memref<10112x128xf32, #tpu.memory_space<vmem_shared>>) offsets(%dma_start3A_70 : memref<128xi32, #tpu.memory_space<vmem>>) semaphore(%arg15 : memref<!tpu.dma_semaphore, #tpu.memory_space<semaphore_mem>>) {add = true}
    %dma_wait3A_74 = arith.constant 15 : i32
    %dma_wait3A_75 = arith.constant 0 : i32
    %dma_wait3A_76 = tpu.memref_slice %arg9[%dma_wait3A_74, %dma_wait3A_75] : memref<16x128xi32, #tpu.memory_space<vmem>> -> memref<1x128xi32, #tpu.memory_space<vmem>>
    %dma_wait3A_77 = tpu.memref_squeeze %dma_wait3A_76 : memref<1x128xi32, #tpu.memory_space<vmem>> -> memref<128xi32, #tpu.memory_space<vmem>>
    %dma_wait3A_78 = arith.constant 0 : i32
    %dma_wait3A_79 = arith.constant 0 : i32
    %dma_wait3A_80 = tpu.memref_slice %arg13[%dma_wait3A_78, %dma_wait3A_79] : memref<10112x128xf32, #tpu.memory_space<vmem_shared>> -> memref<10112x128xf32, #tpu.memory_space<vmem_shared>>
    tpu.wait_indirect_dma semaphore(%arg15 : memref<!tpu.dma_semaphore, #tpu.memory_space<semaphore_mem>>) src(%arg12 : memref<128x128xf32, #tpu.memory_space<vmem>>) dst(%dma_wait3A_80 : memref<10112x128xf32, #tpu.memory_space<vmem_shared>>)
    %dma_wait3A_81 = arith.constant 1 : i32
    %dma_wait3A_82 = arith.constant 0 : i32
    %dma_wait3A_83 = arith.constant 0 : i32
    %dma_wait3A_84 = tpu.memref_slice %arg3[%add3A, %dma_wait3A_81, %dma_wait3A_82, %dma_wait3A_83] : memref<32x5x16x128xi32, #tpu.memory_space<hbm>> -> memref<1x1x16x128xi32, #tpu.memory_space<hbm>>
    %dma_wait3A_85 = tpu.memref_squeeze %dma_wait3A_84 : memref<1x1x16x128xi32, #tpu.memory_space<hbm>> -> memref<16x128xi32, #tpu.memory_space<hbm>>
    %dma_wait3A_86 = arith.constant 0 : i32
    %dma_wait3A_87 = arith.constant 0 : i32
    %dma_wait3A_88 = tpu.memref_slice %arg3[%add3A, %dma_wait3A_81, %dma_wait3A_86, %dma_wait3A_87] : memref<32x5x16x128xi32, #tpu.memory_space<hbm>> -> memref<1x1x16x128xi32, #tpu.memory_space<hbm>>
    %dma_wait3A_89 = tpu.memref_squeeze %dma_wait3A_88 : memref<1x1x16x128xi32, #tpu.memory_space<hbm>> -> memref<16x128xi32, #tpu.memory_space<hbm>>
    tpu.wait_dma2 semaphore(%arg16 : memref<!tpu.dma_semaphore, #tpu.memory_space<semaphore_mem>>) src(%dma_wait3A_89 : memref<16x128xi32, #tpu.memory_space<hbm>>) dst(%arg8 : memref<16x128xi32, #tpu.memory_space<vmem>>)
    %dma_wait3A_90 = arith.constant 1 : i32
    %dma_wait3A_91 = arith.constant 0 : i32
    %dma_wait3A_92 = arith.constant 0 : i32
    %dma_wait3A_93 = tpu.memref_slice %arg4[%add3A, %dma_wait3A_90, %dma_wait3A_91, %dma_wait3A_92] : memref<32x5x16x128xi32, #tpu.memory_space<hbm>> -> memref<1x1x16x128xi32, #tpu.memory_space<hbm>>
    %dma_wait3A_94 = tpu.memref_squeeze %dma_wait3A_93 : memref<1x1x16x128xi32, #tpu.memory_space<hbm>> -> memref<16x128xi32, #tpu.memory_space<hbm>>
    %dma_wait3A_95 = arith.constant 0 : i32
    %dma_wait3A_96 = arith.constant 0 : i32
    %dma_wait3A_97 = tpu.memref_slice %arg4[%add3A, %dma_wait3A_90, %dma_wait3A_95, %dma_wait3A_96] : memref<32x5x16x128xi32, #tpu.memory_space<hbm>> -> memref<1x1x16x128xi32, #tpu.memory_space<hbm>>
    %dma_wait3A_98 = tpu.memref_squeeze %dma_wait3A_97 : memref<1x1x16x128xi32, #tpu.memory_space<hbm>> -> memref<16x128xi32, #tpu.memory_space<hbm>>
    tpu.wait_dma2 semaphore(%arg16 : memref<!tpu.dma_semaphore, #tpu.memory_space<semaphore_mem>>) src(%dma_wait3A_98 : memref<16x128xi32, #tpu.memory_space<hbm>>) dst(%arg10 : memref<16x128xi32, #tpu.memory_space<vmem>>)
    %dma_start3A_99 = arith.constant 2 : i32
    %dma_start3A_100 = arith.constant 0 : i32
    %dma_start3A_101 = arith.constant 0 : i32
    %dma_start3A_102 = tpu.memref_slice %arg3[%add3A, %dma_start3A_99, %dma_start3A_100, %dma_start3A_101] : memref<32x5x16x128xi32, #tpu.memory_space<hbm>> -> memref<1x1x16x128xi32, #tpu.memory_space<hbm>>
    %dma_start3A_103 = tpu.memref_squeeze %dma_start3A_102 : memref<1x1x16x128xi32, #tpu.memory_space<hbm>> -> memref<16x128xi32, #tpu.memory_space<hbm>>
    %dma_start3A_104 = arith.constant 0 : i32
    %dma_start3A_105 = arith.constant 0 : i32
    %dma_start3A_106 = tpu.memref_slice %arg3[%add3A, %dma_start3A_99, %dma_start3A_104, %dma_start3A_105] : memref<32x5x16x128xi32, #tpu.memory_space<hbm>> -> memref<1x1x16x128xi32, #tpu.memory_space<hbm>>
    %dma_start3A_107 = tpu.memref_squeeze %dma_start3A_106 : memref<1x1x16x128xi32, #tpu.memory_space<hbm>> -> memref<16x128xi32, #tpu.memory_space<hbm>>
    tpu.enqueue_dma source(%dma_start3A_107 : memref<16x128xi32, #tpu.memory_space<hbm>>) target(%arg7 : memref<16x128xi32, #tpu.memory_space<vmem>>) target_semaphore(%arg16 : memref<!tpu.dma_semaphore, #tpu.memory_space<semaphore_mem>>)
    %dma_start3A_108 = arith.constant 2 : i32
    %dma_start3A_109 = arith.constant 0 : i32
    %dma_start3A_110 = arith.constant 0 : i32
    %dma_start3A_111 = tpu.memref_slice %arg4[%add3A, %dma_start3A_108, %dma_start3A_109, %dma_start3A_110] : memref<32x5x16x128xi32, #tpu.memory_space<hbm>> -> memref<1x1x16x128xi32, #tpu.memory_space<hbm>>
    %dma_start3A_112 = tpu.memref_squeeze %dma_start3A_111 : memref<1x1x16x128xi32, #tpu.memory_space<hbm>> -> memref<16x128xi32, #tpu.memory_space<hbm>>
    %dma_start3A_113 = arith.constant 0 : i32
    %dma_start3A_114 = arith.constant 0 : i32
    %dma_start3A_115 = tpu.memref_slice %arg4[%add3A, %dma_start3A_108, %dma_start3A_113, %dma_start3A_114] : memref<32x5x16x128xi32, #tpu.memory_space<hbm>> -> memref<1x1x16x128xi32, #tpu.memory_space<hbm>>
    %dma_start3A_116 = tpu.memref_squeeze %dma_start3A_115 : memref<1x1x16x128xi32, #tpu.memory_space<hbm>> -> memref<16x128xi32, #tpu.memory_space<hbm>>
    tpu.enqueue_dma source(%dma_start3A_116 : memref<16x128xi32, #tpu.memory_space<hbm>>) target(%arg9 : memref<16x128xi32, #tpu.memory_space<vmem>>) target_semaphore(%arg16 : memref<!tpu.dma_semaphore, #tpu.memory_space<semaphore_mem>>)
    %dma_start3A_117 = arith.constant 0 : i32
    %dma_start3A_118 = arith.constant 0 : i32
    %dma_start3A_119 = tpu.memref_slice %arg8[%dma_start3A_117, %dma_start3A_118] : memref<16x128xi32, #tpu.memory_space<vmem>> -> memref<1x128xi32, #tpu.memory_space<vmem>>
    %dma_start3A_120 = tpu.memref_squeeze %dma_start3A_119 : memref<1x128xi32, #tpu.memory_space<vmem>> -> memref<128xi32, #tpu.memory_space<vmem>>
    %dma_start3A_121 = arith.constant 0 : i32
    %dma_start3A_122 = arith.constant 0 : i32
    %dma_start3A_123 = tpu.memref_slice %arg2[%dma_start3A_121, %dma_start3A_122] : memref<10000x128xf32, #tpu.memory_space<hbm>> -> memref<10000x128xf32, #tpu.memory_space<hbm>>
    tpu.enqueue_indirect_dma source(%dma_start3A_123 : memref<10000x128xf32, #tpu.memory_space<hbm>>) target(%arg11 : memref<128x128xf32, #tpu.memory_space<vmem>>) offsets(%dma_start3A_120 : memref<128xi32, #tpu.memory_space<vmem>>) semaphore(%arg14 : memref<!tpu.dma_semaphore, #tpu.memory_space<semaphore_mem>>)
    %dma_start3A_124 = arith.constant 1 : i32
    %dma_start3A_125 = arith.constant 0 : i32
    %dma_start3A_126 = tpu.memref_slice %arg8[%dma_start3A_124, %dma_start3A_125] : memref<16x128xi32, #tpu.memory_space<vmem>> -> memref<1x128xi32, #tpu.memory_space<vmem>>
    %dma_start3A_127 = tpu.memref_squeeze %dma_start3A_126 : memref<1x128xi32, #tpu.memory_space<vmem>> -> memref<128xi32, #tpu.memory_space<vmem>>
    %dma_start3A_128 = arith.constant 0 : i32
    %dma_start3A_129 = arith.constant 0 : i32
    %dma_start3A_130 = tpu.memref_slice %arg2[%dma_start3A_128, %dma_start3A_129] : memref<10000x128xf32, #tpu.memory_space<hbm>> -> memref<10000x128xf32, #tpu.memory_space<hbm>>
    tpu.enqueue_indirect_dma source(%dma_start3A_130 : memref<10000x128xf32, #tpu.memory_space<hbm>>) target(%arg12 : memref<128x128xf32, #tpu.memory_space<vmem>>) offsets(%dma_start3A_127 : memref<128xi32, #tpu.memory_space<vmem>>) semaphore(%arg14 : memref<!tpu.dma_semaphore, #tpu.memory_space<semaphore_mem>>)
    %dma_wait3A_131 = arith.constant 0 : i32
    %dma_wait3A_132 = arith.constant 0 : i32
    %dma_wait3A_133 = tpu.memref_slice %arg8[%dma_wait3A_131, %dma_wait3A_132] : memref<16x128xi32, #tpu.memory_space<vmem>> -> memref<1x128xi32, #tpu.memory_space<vmem>>
    %dma_wait3A_134 = tpu.memref_squeeze %dma_wait3A_133 : memref<1x128xi32, #tpu.memory_space<vmem>> -> memref<128xi32, #tpu.memory_space<vmem>>
    %dma_wait3A_135 = arith.constant 0 : i32
    %dma_wait3A_136 = arith.constant 0 : i32
    %dma_wait3A_137 = tpu.memref_slice %arg2[%dma_wait3A_135, %dma_wait3A_136] : memref<10000x128xf32, #tpu.memory_space<hbm>> -> memref<10000x128xf32, #tpu.memory_space<hbm>>
    tpu.wait_indirect_dma semaphore(%arg14 : memref<!tpu.dma_semaphore, #tpu.memory_space<semaphore_mem>>) src(%dma_wait3A_137 : memref<10000x128xf32, #tpu.memory_space<hbm>>) dst(%arg11 : memref<128x128xf32, #tpu.memory_space<vmem>>)
    %dma_start3A_138 = arith.constant 0 : i32
    %dma_start3A_139 = arith.constant 0 : i32
    %dma_start3A_140 = tpu.memref_slice %arg10[%dma_start3A_138, %dma_start3A_139] : memref<16x128xi32, #tpu.memory_space<vmem>> -> memref<1x128xi32, #tpu.memory_space<vmem>>
    %dma_start3A_141 = tpu.memref_squeeze %dma_start3A_140 : memref<1x128xi32, #tpu.memory_space<vmem>> -> memref<128xi32, #tpu.memory_space<vmem>>
    %dma_start3A_142 = arith.constant 0 : i32
    %dma_start3A_143 = arith.constant 0 : i32
    %dma_start3A_144 = tpu.memref_slice %arg13[%dma_start3A_142, %dma_start3A_143] : memref<10112x128xf32, #tpu.memory_space<vmem_shared>> -> memref<10112x128xf32, #tpu.memory_space<vmem_shared>>
    tpu.enqueue_indirect_dma source(%arg11 : memref<128x128xf32, #tpu.memory_space<vmem>>) target(%dma_start3A_144 : memref<10112x128xf32, #tpu.memory_space<vmem_shared>>) offsets(%dma_start3A_141 : memref<128xi32, #tpu.memory_space<vmem>>) semaphore(%arg15 : memref<!tpu.dma_semaphore, #tpu.memory_space<semaphore_mem>>) {add = true}
    %scan3A_145 = arith.constant 0 : i32
    %scan3A_146 = arith.constant 0 : i32
    %scan3A_147 = arith.constant 7 : i32
    %scan3A_148 = arith.addi %scan3A_146, %scan3A_147 : i32
    %scan3A_149 = arith.constant 1 : i32
    scf.for %scan3A_456 = %scan3A_146 to %scan3A_148 step %scan3A_149  : i32 {
      %mul3A_457 = arith.constant 2 : i32
      %mul3A_458 = arith.muli %mul3A_457, %scan3A_456 : i32
      %add3A_459 = arith.constant 1 : i32
      %add3A_460 = arith.addi %mul3A_458, %add3A_459 : i32
      %sub3A = arith.constant 1 : i32
      %sub3A_461 = arith.subi %add3A_460, %sub3A : i32
      %dma_wait3A_462 = arith.constant 0 : i32
      %dma_wait3A_463 = tpu.memref_slice %arg10[%sub3A_461, %dma_wait3A_462] : memref<16x128xi32, #tpu.memory_space<vmem>> -> memref<1x128xi32, #tpu.memory_space<vmem>>
      %dma_wait3A_464 = tpu.memref_squeeze %dma_wait3A_463 : memref<1x128xi32, #tpu.memory_space<vmem>> -> memref<128xi32, #tpu.memory_space<vmem>>
      %dma_wait3A_465 = arith.constant 0 : i32
      %dma_wait3A_466 = arith.constant 0 : i32
      %dma_wait3A_467 = tpu.memref_slice %arg13[%dma_wait3A_465, %dma_wait3A_466] : memref<10112x128xf32, #tpu.memory_space<vmem_shared>> -> memref<10112x128xf32, #tpu.memory_space<vmem_shared>>
      tpu.wait_indirect_dma semaphore(%arg15 : memref<!tpu.dma_semaphore, #tpu.memory_space<semaphore_mem>>) src(%arg11 : memref<128x128xf32, #tpu.memory_space<vmem>>) dst(%dma_wait3A_467 : memref<10112x128xf32, #tpu.memory_space<vmem_shared>>)
      %add3A_468 = arith.constant 1 : i32
      %add3A_469 = arith.addi %add3A_460, %add3A_468 : i32
      %dma_start3A_470 = arith.constant 0 : i32
      %dma_start3A_471 = tpu.memref_slice %arg8[%add3A_469, %dma_start3A_470] : memref<16x128xi32, #tpu.memory_space<vmem>> -> memref<1x128xi32, #tpu.memory_space<vmem>>
      %dma_start3A_472 = tpu.memref_squeeze %dma_start3A_471 : memref<1x128xi32, #tpu.memory_space<vmem>> -> memref<128xi32, #tpu.memory_space<vmem>>
      %dma_start3A_473 = arith.constant 0 : i32
      %dma_start3A_474 = arith.constant 0 : i32
      %dma_start3A_475 = tpu.memref_slice %arg2[%dma_start3A_473, %dma_start3A_474] : memref<10000x128xf32, #tpu.memory_space<hbm>> -> memref<10000x128xf32, #tpu.memory_space<hbm>>
      tpu.enqueue_indirect_dma source(%dma_start3A_475 : memref<10000x128xf32, #tpu.memory_space<hbm>>) target(%arg11 : memref<128x128xf32, #tpu.memory_space<vmem>>) offsets(%dma_start3A_472 : memref<128xi32, #tpu.memory_space<vmem>>) semaphore(%arg14 : memref<!tpu.dma_semaphore, #tpu.memory_space<semaphore_mem>>)
      %dma_wait3A_476 = arith.constant 0 : i32
      %dma_wait3A_477 = tpu.memref_slice %arg8[%add3A_460, %dma_wait3A_476] : memref<16x128xi32, #tpu.memory_space<vmem>> -> memref<1x128xi32, #tpu.memory_space<vmem>>
      %dma_wait3A_478 = tpu.memref_squeeze %dma_wait3A_477 : memref<1x128xi32, #tpu.memory_space<vmem>> -> memref<128xi32, #tpu.memory_space<vmem>>
      %dma_wait3A_479 = arith.constant 0 : i32
      %dma_wait3A_480 = arith.constant 0 : i32
      %dma_wait3A_481 = tpu.memref_slice %arg2[%dma_wait3A_479, %dma_wait3A_480] : memref<10000x128xf32, #tpu.memory_space<hbm>> -> memref<10000x128xf32, #tpu.memory_space<hbm>>
      tpu.wait_indirect_dma semaphore(%arg14 : memref<!tpu.dma_semaphore, #tpu.memory_space<semaphore_mem>>) src(%dma_wait3A_481 : memref<10000x128xf32, #tpu.memory_space<hbm>>) dst(%arg12 : memref<128x128xf32, #tpu.memory_space<vmem>>)
      %dma_start3A_482 = arith.constant 0 : i32
      %dma_start3A_483 = tpu.memref_slice %arg10[%add3A_460, %dma_start3A_482] : memref<16x128xi32, #tpu.memory_space<vmem>> -> memref<1x128xi32, #tpu.memory_space<vmem>>
      %dma_start3A_484 = tpu.memref_squeeze %dma_start3A_483 : memref<1x128xi32, #tpu.memory_space<vmem>> -> memref<128xi32, #tpu.memory_space<vmem>>
      %dma_start3A_485 = arith.constant 0 : i32
      %dma_start3A_486 = arith.constant 0 : i32
      %dma_start3A_487 = tpu.memref_slice %arg13[%dma_start3A_485, %dma_start3A_486] : memref<10112x128xf32, #tpu.memory_space<vmem_shared>> -> memref<10112x128xf32, #tpu.memory_space<vmem_shared>>
      tpu.enqueue_indirect_dma source(%arg12 : memref<128x128xf32, #tpu.memory_space<vmem>>) target(%dma_start3A_487 : memref<10112x128xf32, #tpu.memory_space<vmem_shared>>) offsets(%dma_start3A_484 : memref<128xi32, #tpu.memory_space<vmem>>) semaphore(%arg15 : memref<!tpu.dma_semaphore, #tpu.memory_space<semaphore_mem>>) {add = true}
      %add3A_488 = arith.constant 1 : i32
      %add3A_489 = arith.addi %add3A_460, %add3A_488 : i32
      %sub3A_490 = arith.constant 1 : i32
      %sub3A_491 = arith.subi %add3A_489, %sub3A_490 : i32
      %dma_wait3A_492 = arith.constant 0 : i32
      %dma_wait3A_493 = tpu.memref_slice %arg10[%sub3A_491, %dma_wait3A_492] : memref<16x128xi32, #tpu.memory_space<vmem>> -> memref<1x128xi32, #tpu.memory_space<vmem>>
      %dma_wait3A_494 = tpu.memref_squeeze %dma_wait3A_493 : memref<1x128xi32, #tpu.memory_space<vmem>> -> memref<128xi32, #tpu.memory_space<vmem>>
      %dma_wait3A_495 = arith.constant 0 : i32
      %dma_wait3A_496 = arith.constant 0 : i32
      %dma_wait3A_497 = tpu.memref_slice %arg13[%dma_wait3A_495, %dma_wait3A_496] : memref<10112x128xf32, #tpu.memory_space<vmem_shared>> -> memref<10112x128xf32, #tpu.memory_space<vmem_shared>>
      tpu.wait_indirect_dma semaphore(%arg15 : memref<!tpu.dma_semaphore, #tpu.memory_space<semaphore_mem>>) src(%arg12 : memref<128x128xf32, #tpu.memory_space<vmem>>) dst(%dma_wait3A_497 : memref<10112x128xf32, #tpu.memory_space<vmem_shared>>)
      %add3A_498 = arith.constant 1 : i32
      %add3A_499 = arith.addi %add3A_489, %add3A_498 : i32
      %dma_start3A_500 = arith.constant 0 : i32
      %dma_start3A_501 = tpu.memref_slice %arg8[%add3A_499, %dma_start3A_500] : memref<16x128xi32, #tpu.memory_space<vmem>> -> memref<1x128xi32, #tpu.memory_space<vmem>>
      %dma_start3A_502 = tpu.memref_squeeze %dma_start3A_501 : memref<1x128xi32, #tpu.memory_space<vmem>> -> memref<128xi32, #tpu.memory_space<vmem>>
      %dma_start3A_503 = arith.constant 0 : i32
      %dma_start3A_504 = arith.constant 0 : i32
      %dma_start3A_505 = tpu.memref_slice %arg2[%dma_start3A_503, %dma_start3A_504] : memref<10000x128xf32, #tpu.memory_space<hbm>> -> memref<10000x128xf32, #tpu.memory_space<hbm>>
      tpu.enqueue_indirect_dma source(%dma_start3A_505 : memref<10000x128xf32, #tpu.memory_space<hbm>>) target(%arg12 : memref<128x128xf32, #tpu.memory_space<vmem>>) offsets(%dma_start3A_502 : memref<128xi32, #tpu.memory_space<vmem>>) semaphore(%arg14 : memref<!tpu.dma_semaphore, #tpu.memory_space<semaphore_mem>>)
      %dma_wait3A_506 = arith.constant 0 : i32
      %dma_wait3A_507 = tpu.memref_slice %arg8[%add3A_489, %dma_wait3A_506] : memref<16x128xi32, #tpu.memory_space<vmem>> -> memref<1x128xi32, #tpu.memory_space<vmem>>
      %dma_wait3A_508 = tpu.memref_squeeze %dma_wait3A_507 : memref<1x128xi32, #tpu.memory_space<vmem>> -> memref<128xi32, #tpu.memory_space<vmem>>
      %dma_wait3A_509 = arith.constant 0 : i32
      %dma_wait3A_510 = arith.constant 0 : i32
      %dma_wait3A_511 = tpu.memref_slice %arg2[%dma_wait3A_509, %dma_wait3A_510] : memref<10000x128xf32, #tpu.memory_space<hbm>> -> memref<10000x128xf32, #tpu.memory_space<hbm>>
      tpu.wait_indirect_dma semaphore(%arg14 : memref<!tpu.dma_semaphore, #tpu.memory_space<semaphore_mem>>) src(%dma_wait3A_511 : memref<10000x128xf32, #tpu.memory_space<hbm>>) dst(%arg11 : memref<128x128xf32, #tpu.memory_space<vmem>>)
      %dma_start3A_512 = arith.constant 0 : i32
      %dma_start3A_513 = tpu.memref_slice %arg10[%add3A_489, %dma_start3A_512] : memref<16x128xi32, #tpu.memory_space<vmem>> -> memref<1x128xi32, #tpu.memory_space<vmem>>
      %dma_start3A_514 = tpu.memref_squeeze %dma_start3A_513 : memref<1x128xi32, #tpu.memory_space<vmem>> -> memref<128xi32, #tpu.memory_space<vmem>>
      %dma_start3A_515 = arith.constant 0 : i32
      %dma_start3A_516 = arith.constant 0 : i32
      %dma_start3A_517 = tpu.memref_slice %arg13[%dma_start3A_515, %dma_start3A_516] : memref<10112x128xf32, #tpu.memory_space<vmem_shared>> -> memref<10112x128xf32, #tpu.memory_space<vmem_shared>>
      tpu.enqueue_indirect_dma source(%arg11 : memref<128x128xf32, #tpu.memory_space<vmem>>) target(%dma_start3A_517 : memref<10112x128xf32, #tpu.memory_space<vmem_shared>>) offsets(%dma_start3A_514 : memref<128xi32, #tpu.memory_space<vmem>>) semaphore(%arg15 : memref<!tpu.dma_semaphore, #tpu.memory_space<semaphore_mem>>) {add = true}
    }
    %scan3A_150 = arith.constant 7 : i32
    %dma_wait3A_151 = arith.constant 14 : i32
    %dma_wait3A_152 = arith.constant 0 : i32
    %dma_wait3A_153 = tpu.memref_slice %arg10[%dma_wait3A_151, %dma_wait3A_152] : memref<16x128xi32, #tpu.memory_space<vmem>> -> memref<1x128xi32, #tpu.memory_space<vmem>>
    %dma_wait3A_154 = tpu.memref_squeeze %dma_wait3A_153 : memref<1x128xi32, #tpu.memory_space<vmem>> -> memref<128xi32, #tpu.memory_space<vmem>>
    %dma_wait3A_155 = arith.constant 0 : i32
    %dma_wait3A_156 = arith.constant 0 : i32
    %dma_wait3A_157 = tpu.memref_slice %arg13[%dma_wait3A_155, %dma_wait3A_156] : memref<10112x128xf32, #tpu.memory_space<vmem_shared>> -> memref<10112x128xf32, #tpu.memory_space<vmem_shared>>
    tpu.wait_indirect_dma semaphore(%arg15 : memref<!tpu.dma_semaphore, #tpu.memory_space<semaphore_mem>>) src(%arg11 : memref<128x128xf32, #tpu.memory_space<vmem>>) dst(%dma_wait3A_157 : memref<10112x128xf32, #tpu.memory_space<vmem_shared>>)
    %dma_wait3A_158 = arith.constant 15 : i32
    %dma_wait3A_159 = arith.constant 0 : i32
    %dma_wait3A_160 = tpu.memref_slice %arg8[%dma_wait3A_158, %dma_wait3A_159] : memref<16x128xi32, #tpu.memory_space<vmem>> -> memref<1x128xi32, #tpu.memory_space<vmem>>
    %dma_wait3A_161 = tpu.memref_squeeze %dma_wait3A_160 : memref<1x128xi32, #tpu.memory_space<vmem>> -> memref<128xi32, #tpu.memory_space<vmem>>
    %dma_wait3A_162 = arith.constant 0 : i32
    %dma_wait3A_163 = arith.constant 0 : i32
    %dma_wait3A_164 = tpu.memref_slice %arg2[%dma_wait3A_162, %dma_wait3A_163] : memref<10000x128xf32, #tpu.memory_space<hbm>> -> memref<10000x128xf32, #tpu.memory_space<hbm>>
    tpu.wait_indirect_dma semaphore(%arg14 : memref<!tpu.dma_semaphore, #tpu.memory_space<semaphore_mem>>) src(%dma_wait3A_164 : memref<10000x128xf32, #tpu.memory_space<hbm>>) dst(%arg12 : memref<128x128xf32, #tpu.memory_space<vmem>>)
    %dma_start3A_165 = arith.constant 15 : i32
    %dma_start3A_166 = arith.constant 0 : i32
    %dma_start3A_167 = tpu.memref_slice %arg10[%dma_start3A_165, %dma_start3A_166] : memref<16x128xi32, #tpu.memory_space<vmem>> -> memref<1x128xi32, #tpu.memory_space<vmem>>
    %dma_start3A_168 = tpu.memref_squeeze %dma_start3A_167 : memref<1x128xi32, #tpu.memory_space<vmem>> -> memref<128xi32, #tpu.memory_space<vmem>>
    %dma_start3A_169 = arith.constant 0 : i32
    %dma_start3A_170 = arith.constant 0 : i32
    %dma_start3A_171 = tpu.memref_slice %arg13[%dma_start3A_169, %dma_start3A_170] : memref<10112x128xf32, #tpu.memory_space<vmem_shared>> -> memref<10112x128xf32, #tpu.memory_space<vmem_shared>>
    tpu.enqueue_indirect_dma source(%arg12 : memref<128x128xf32, #tpu.memory_space<vmem>>) target(%dma_start3A_171 : memref<10112x128xf32, #tpu.memory_space<vmem_shared>>) offsets(%dma_start3A_168 : memref<128xi32, #tpu.memory_space<vmem>>) semaphore(%arg15 : memref<!tpu.dma_semaphore, #tpu.memory_space<semaphore_mem>>) {add = true}
    %dma_wait3A_172 = arith.constant 15 : i32
    %dma_wait3A_173 = arith.constant 0 : i32
    %dma_wait3A_174 = tpu.memref_slice %arg10[%dma_wait3A_172, %dma_wait3A_173] : memref<16x128xi32, #tpu.memory_space<vmem>> -> memref<1x128xi32, #tpu.memory_space<vmem>>
    %dma_wait3A_175 = tpu.memref_squeeze %dma_wait3A_174 : memref<1x128xi32, #tpu.memory_space<vmem>> -> memref<128xi32, #tpu.memory_space<vmem>>
    %dma_wait3A_176 = arith.constant 0 : i32
    %dma_wait3A_177 = arith.constant 0 : i32
    %dma_wait3A_178 = tpu.memref_slice %arg13[%dma_wait3A_176, %dma_wait3A_177] : memref<10112x128xf32, #tpu.memory_space<vmem_shared>> -> memref<10112x128xf32, #tpu.memory_space<vmem_shared>>
    tpu.wait_indirect_dma semaphore(%arg15 : memref<!tpu.dma_semaphore, #tpu.memory_space<semaphore_mem>>) src(%arg12 : memref<128x128xf32, #tpu.memory_space<vmem>>) dst(%dma_wait3A_178 : memref<10112x128xf32, #tpu.memory_space<vmem_shared>>)
    %dma_wait3A_179 = arith.constant 2 : i32
    %dma_wait3A_180 = arith.constant 0 : i32
    %dma_wait3A_181 = arith.constant 0 : i32
    %dma_wait3A_182 = tpu.memref_slice %arg3[%add3A, %dma_wait3A_179, %dma_wait3A_180, %dma_wait3A_181] : memref<32x5x16x128xi32, #tpu.memory_space<hbm>> -> memref<1x1x16x128xi32, #tpu.memory_space<hbm>>
    %dma_wait3A_183 = tpu.memref_squeeze %dma_wait3A_182 : memref<1x1x16x128xi32, #tpu.memory_space<hbm>> -> memref<16x128xi32, #tpu.memory_space<hbm>>
    %dma_wait3A_184 = arith.constant 0 : i32
    %dma_wait3A_185 = arith.constant 0 : i32
    %dma_wait3A_186 = tpu.memref_slice %arg3[%add3A, %dma_wait3A_179, %dma_wait3A_184, %dma_wait3A_185] : memref<32x5x16x128xi32, #tpu.memory_space<hbm>> -> memref<1x1x16x128xi32, #tpu.memory_space<hbm>>
    %dma_wait3A_187 = tpu.memref_squeeze %dma_wait3A_186 : memref<1x1x16x128xi32, #tpu.memory_space<hbm>> -> memref<16x128xi32, #tpu.memory_space<hbm>>
    tpu.wait_dma2 semaphore(%arg16 : memref<!tpu.dma_semaphore, #tpu.memory_space<semaphore_mem>>) src(%dma_wait3A_187 : memref<16x128xi32, #tpu.memory_space<hbm>>) dst(%arg7 : memref<16x128xi32, #tpu.memory_space<vmem>>)
    %dma_wait3A_188 = arith.constant 2 : i32
    %dma_wait3A_189 = arith.constant 0 : i32
    %dma_wait3A_190 = arith.constant 0 : i32
    %dma_wait3A_191 = tpu.memref_slice %arg4[%add3A, %dma_wait3A_188, %dma_wait3A_189, %dma_wait3A_190] : memref<32x5x16x128xi32, #tpu.memory_space<hbm>> -> memref<1x1x16x128xi32, #tpu.memory_space<hbm>>
    %dma_wait3A_192 = tpu.memref_squeeze %dma_wait3A_191 : memref<1x1x16x128xi32, #tpu.memory_space<hbm>> -> memref<16x128xi32, #tpu.memory_space<hbm>>
    %dma_wait3A_193 = arith.constant 0 : i32
    %dma_wait3A_194 = arith.constant 0 : i32
    %dma_wait3A_195 = tpu.memref_slice %arg4[%add3A, %dma_wait3A_188, %dma_wait3A_193, %dma_wait3A_194] : memref<32x5x16x128xi32, #tpu.memory_space<hbm>> -> memref<1x1x16x128xi32, #tpu.memory_space<hbm>>
    %dma_wait3A_196 = tpu.memref_squeeze %dma_wait3A_195 : memref<1x1x16x128xi32, #tpu.memory_space<hbm>> -> memref<16x128xi32, #tpu.memory_space<hbm>>
    tpu.wait_dma2 semaphore(%arg16 : memref<!tpu.dma_semaphore, #tpu.memory_space<semaphore_mem>>) src(%dma_wait3A_196 : memref<16x128xi32, #tpu.memory_space<hbm>>) dst(%arg9 : memref<16x128xi32, #tpu.memory_space<vmem>>)
    %dma_start3A_197 = arith.constant 3 : i32
    %dma_start3A_198 = arith.constant 0 : i32
    %dma_start3A_199 = arith.constant 0 : i32
    %dma_start3A_200 = tpu.memref_slice %arg3[%add3A, %dma_start3A_197, %dma_start3A_198, %dma_start3A_199] : memref<32x5x16x128xi32, #tpu.memory_space<hbm>> -> memref<1x1x16x128xi32, #tpu.memory_space<hbm>>
    %dma_start3A_201 = tpu.memref_squeeze %dma_start3A_200 : memref<1x1x16x128xi32, #tpu.memory_space<hbm>> -> memref<16x128xi32, #tpu.memory_space<hbm>>
    %dma_start3A_202 = arith.constant 0 : i32
    %dma_start3A_203 = arith.constant 0 : i32
    %dma_start3A_204 = tpu.memref_slice %arg3[%add3A, %dma_start3A_197, %dma_start3A_202, %dma_start3A_203] : memref<32x5x16x128xi32, #tpu.memory_space<hbm>> -> memref<1x1x16x128xi32, #tpu.memory_space<hbm>>
    %dma_start3A_205 = tpu.memref_squeeze %dma_start3A_204 : memref<1x1x16x128xi32, #tpu.memory_space<hbm>> -> memref<16x128xi32, #tpu.memory_space<hbm>>
    tpu.enqueue_dma source(%dma_start3A_205 : memref<16x128xi32, #tpu.memory_space<hbm>>) target(%arg8 : memref<16x128xi32, #tpu.memory_space<vmem>>) target_semaphore(%arg16 : memref<!tpu.dma_semaphore, #tpu.memory_space<semaphore_mem>>)
    %dma_start3A_206 = arith.constant 3 : i32
    %dma_start3A_207 = arith.constant 0 : i32
    %dma_start3A_208 = arith.constant 0 : i32
    %dma_start3A_209 = tpu.memref_slice %arg4[%add3A, %dma_start3A_206, %dma_start3A_207, %dma_start3A_208] : memref<32x5x16x128xi32, #tpu.memory_space<hbm>> -> memref<1x1x16x128xi32, #tpu.memory_space<hbm>>
    %dma_start3A_210 = tpu.memref_squeeze %dma_start3A_209 : memref<1x1x16x128xi32, #tpu.memory_space<hbm>> -> memref<16x128xi32, #tpu.memory_space<hbm>>
    %dma_start3A_211 = arith.constant 0 : i32
    %dma_start3A_212 = arith.constant 0 : i32
    %dma_start3A_213 = tpu.memref_slice %arg4[%add3A, %dma_start3A_206, %dma_start3A_211, %dma_start3A_212] : memref<32x5x16x128xi32, #tpu.memory_space<hbm>> -> memref<1x1x16x128xi32, #tpu.memory_space<hbm>>
    %dma_start3A_214 = tpu.memref_squeeze %dma_start3A_213 : memref<1x1x16x128xi32, #tpu.memory_space<hbm>> -> memref<16x128xi32, #tpu.memory_space<hbm>>
    tpu.enqueue_dma source(%dma_start3A_214 : memref<16x128xi32, #tpu.memory_space<hbm>>) target(%arg10 : memref<16x128xi32, #tpu.memory_space<vmem>>) target_semaphore(%arg16 : memref<!tpu.dma_semaphore, #tpu.memory_space<semaphore_mem>>)
    %dma_start3A_215 = arith.constant 0 : i32
    %dma_start3A_216 = arith.constant 0 : i32
    %dma_start3A_217 = tpu.memref_slice %arg7[%dma_start3A_215, %dma_start3A_216] : memref<16x128xi32, #tpu.memory_space<vmem>> -> memref<1x128xi32, #tpu.memory_space<vmem>>
    %dma_start3A_218 = tpu.memref_squeeze %dma_start3A_217 : memref<1x128xi32, #tpu.memory_space<vmem>> -> memref<128xi32, #tpu.memory_space<vmem>>
    %dma_start3A_219 = arith.constant 0 : i32
    %dma_start3A_220 = arith.constant 0 : i32
    %dma_start3A_221 = tpu.memref_slice %arg2[%dma_start3A_219, %dma_start3A_220] : memref<10000x128xf32, #tpu.memory_space<hbm>> -> memref<10000x128xf32, #tpu.memory_space<hbm>>
    tpu.enqueue_indirect_dma source(%dma_start3A_221 : memref<10000x128xf32, #tpu.memory_space<hbm>>) target(%arg11 : memref<128x128xf32, #tpu.memory_space<vmem>>) offsets(%dma_start3A_218 : memref<128xi32, #tpu.memory_space<vmem>>) semaphore(%arg14 : memref<!tpu.dma_semaphore, #tpu.memory_space<semaphore_mem>>)
    %dma_start3A_222 = arith.constant 1 : i32
    %dma_start3A_223 = arith.constant 0 : i32
    %dma_start3A_224 = tpu.memref_slice %arg7[%dma_start3A_222, %dma_start3A_223] : memref<16x128xi32, #tpu.memory_space<vmem>> -> memref<1x128xi32, #tpu.memory_space<vmem>>
    %dma_start3A_225 = tpu.memref_squeeze %dma_start3A_224 : memref<1x128xi32, #tpu.memory_space<vmem>> -> memref<128xi32, #tpu.memory_space<vmem>>
    %dma_start3A_226 = arith.constant 0 : i32
    %dma_start3A_227 = arith.constant 0 : i32
    %dma_start3A_228 = tpu.memref_slice %arg2[%dma_start3A_226, %dma_start3A_227] : memref<10000x128xf32, #tpu.memory_space<hbm>> -> memref<10000x128xf32, #tpu.memory_space<hbm>>
    tpu.enqueue_indirect_dma source(%dma_start3A_228 : memref<10000x128xf32, #tpu.memory_space<hbm>>) target(%arg12 : memref<128x128xf32, #tpu.memory_space<vmem>>) offsets(%dma_start3A_225 : memref<128xi32, #tpu.memory_space<vmem>>) semaphore(%arg14 : memref<!tpu.dma_semaphore, #tpu.memory_space<semaphore_mem>>)
    %dma_wait3A_229 = arith.constant 0 : i32
    %dma_wait3A_230 = arith.constant 0 : i32
    %dma_wait3A_231 = tpu.memref_slice %arg7[%dma_wait3A_229, %dma_wait3A_230] : memref<16x128xi32, #tpu.memory_space<vmem>> -> memref<1x128xi32, #tpu.memory_space<vmem>>
    %dma_wait3A_232 = tpu.memref_squeeze %dma_wait3A_231 : memref<1x128xi32, #tpu.memory_space<vmem>> -> memref<128xi32, #tpu.memory_space<vmem>>
    %dma_wait3A_233 = arith.constant 0 : i32
    %dma_wait3A_234 = arith.constant 0 : i32
    %dma_wait3A_235 = tpu.memref_slice %arg2[%dma_wait3A_233, %dma_wait3A_234] : memref<10000x128xf32, #tpu.memory_space<hbm>> -> memref<10000x128xf32, #tpu.memory_space<hbm>>
    tpu.wait_indirect_dma semaphore(%arg14 : memref<!tpu.dma_semaphore, #tpu.memory_space<semaphore_mem>>) src(%dma_wait3A_235 : memref<10000x128xf32, #tpu.memory_space<hbm>>) dst(%arg11 : memref<128x128xf32, #tpu.memory_space<vmem>>)
    %dma_start3A_236 = arith.constant 0 : i32
    %dma_start3A_237 = arith.constant 0 : i32
    %dma_start3A_238 = tpu.memref_slice %arg9[%dma_start3A_236, %dma_start3A_237] : memref<16x128xi32, #tpu.memory_space<vmem>> -> memref<1x128xi32, #tpu.memory_space<vmem>>
    %dma_start3A_239 = tpu.memref_squeeze %dma_start3A_238 : memref<1x128xi32, #tpu.memory_space<vmem>> -> memref<128xi32, #tpu.memory_space<vmem>>
    %dma_start3A_240 = arith.constant 0 : i32
    %dma_start3A_241 = arith.constant 0 : i32
    %dma_start3A_242 = tpu.memref_slice %arg13[%dma_start3A_240, %dma_start3A_241] : memref<10112x128xf32, #tpu.memory_space<vmem_shared>> -> memref<10112x128xf32, #tpu.memory_space<vmem_shared>>
    tpu.enqueue_indirect_dma source(%arg11 : memref<128x128xf32, #tpu.memory_space<vmem>>) target(%dma_start3A_242 : memref<10112x128xf32, #tpu.memory_space<vmem_shared>>) offsets(%dma_start3A_239 : memref<128xi32, #tpu.memory_space<vmem>>) semaphore(%arg15 : memref<!tpu.dma_semaphore, #tpu.memory_space<semaphore_mem>>) {add = true}
    %scan3A_243 = arith.constant 0 : i32
    %scan3A_244 = arith.constant 0 : i32
    %scan3A_245 = arith.constant 7 : i32
    %scan3A_246 = arith.addi %scan3A_244, %scan3A_245 : i32
    %scan3A_247 = arith.constant 1 : i32
    scf.for %scan3A_456 = %scan3A_244 to %scan3A_246 step %scan3A_247  : i32 {
      %mul3A_457 = arith.constant 2 : i32
      %mul3A_458 = arith.muli %mul3A_457, %scan3A_456 : i32
      %add3A_459 = arith.constant 1 : i32
      %add3A_460 = arith.addi %mul3A_458, %add3A_459 : i32
      %sub3A = arith.constant 1 : i32
      %sub3A_461 = arith.subi %add3A_460, %sub3A : i32
      %dma_wait3A_462 = arith.constant 0 : i32
      %dma_wait3A_463 = tpu.memref_slice %arg9[%sub3A_461, %dma_wait3A_462] : memref<16x128xi32, #tpu.memory_space<vmem>> -> memref<1x128xi32, #tpu.memory_space<vmem>>
      %dma_wait3A_464 = tpu.memref_squeeze %dma_wait3A_463 : memref<1x128xi32, #tpu.memory_space<vmem>> -> memref<128xi32, #tpu.memory_space<vmem>>
      %dma_wait3A_465 = arith.constant 0 : i32
      %dma_wait3A_466 = arith.constant 0 : i32
      %dma_wait3A_467 = tpu.memref_slice %arg13[%dma_wait3A_465, %dma_wait3A_466] : memref<10112x128xf32, #tpu.memory_space<vmem_shared>> -> memref<10112x128xf32, #tpu.memory_space<vmem_shared>>
      tpu.wait_indirect_dma semaphore(%arg15 : memref<!tpu.dma_semaphore, #tpu.memory_space<semaphore_mem>>) src(%arg11 : memref<128x128xf32, #tpu.memory_space<vmem>>) dst(%dma_wait3A_467 : memref<10112x128xf32, #tpu.memory_space<vmem_shared>>)
      %add3A_468 = arith.constant 1 : i32
      %add3A_469 = arith.addi %add3A_460, %add3A_468 : i32
      %dma_start3A_470 = arith.constant 0 : i32
      %dma_start3A_471 = tpu.memref_slice %arg7[%add3A_469, %dma_start3A_470] : memref<16x128xi32, #tpu.memory_space<vmem>> -> memref<1x128xi32, #tpu.memory_space<vmem>>
      %dma_start3A_472 = tpu.memref_squeeze %dma_start3A_471 : memref<1x128xi32, #tpu.memory_space<vmem>> -> memref<128xi32, #tpu.memory_space<vmem>>
      %dma_start3A_473 = arith.constant 0 : i32
      %dma_start3A_474 = arith.constant 0 : i32
      %dma_start3A_475 = tpu.memref_slice %arg2[%dma_start3A_473, %dma_start3A_474] : memref<10000x128xf32, #tpu.memory_space<hbm>> -> memref<10000x128xf32, #tpu.memory_space<hbm>>
      tpu.enqueue_indirect_dma source(%dma_start3A_475 : memref<10000x128xf32, #tpu.memory_space<hbm>>) target(%arg11 : memref<128x128xf32, #tpu.memory_space<vmem>>) offsets(%dma_start3A_472 : memref<128xi32, #tpu.memory_space<vmem>>) semaphore(%arg14 : memref<!tpu.dma_semaphore, #tpu.memory_space<semaphore_mem>>)
      %dma_wait3A_476 = arith.constant 0 : i32
      %dma_wait3A_477 = tpu.memref_slice %arg7[%add3A_460, %dma_wait3A_476] : memref<16x128xi32, #tpu.memory_space<vmem>> -> memref<1x128xi32, #tpu.memory_space<vmem>>
      %dma_wait3A_478 = tpu.memref_squeeze %dma_wait3A_477 : memref<1x128xi32, #tpu.memory_space<vmem>> -> memref<128xi32, #tpu.memory_space<vmem>>
      %dma_wait3A_479 = arith.constant 0 : i32
      %dma_wait3A_480 = arith.constant 0 : i32
      %dma_wait3A_481 = tpu.memref_slice %arg2[%dma_wait3A_479, %dma_wait3A_480] : memref<10000x128xf32, #tpu.memory_space<hbm>> -> memref<10000x128xf32, #tpu.memory_space<hbm>>
      tpu.wait_indirect_dma semaphore(%arg14 : memref<!tpu.dma_semaphore, #tpu.memory_space<semaphore_mem>>) src(%dma_wait3A_481 : memref<10000x128xf32, #tpu.memory_space<hbm>>) dst(%arg12 : memref<128x128xf32, #tpu.memory_space<vmem>>)
      %dma_start3A_482 = arith.constant 0 : i32
      %dma_start3A_483 = tpu.memref_slice %arg9[%add3A_460, %dma_start3A_482] : memref<16x128xi32, #tpu.memory_space<vmem>> -> memref<1x128xi32, #tpu.memory_space<vmem>>
      %dma_start3A_484 = tpu.memref_squeeze %dma_start3A_483 : memref<1x128xi32, #tpu.memory_space<vmem>> -> memref<128xi32, #tpu.memory_space<vmem>>
      %dma_start3A_485 = arith.constant 0 : i32
      %dma_start3A_486 = arith.constant 0 : i32
      %dma_start3A_487 = tpu.memref_slice %arg13[%dma_start3A_485, %dma_start3A_486] : memref<10112x128xf32, #tpu.memory_space<vmem_shared>> -> memref<10112x128xf32, #tpu.memory_space<vmem_shared>>
      tpu.enqueue_indirect_dma source(%arg12 : memref<128x128xf32, #tpu.memory_space<vmem>>) target(%dma_start3A_487 : memref<10112x128xf32, #tpu.memory_space<vmem_shared>>) offsets(%dma_start3A_484 : memref<128xi32, #tpu.memory_space<vmem>>) semaphore(%arg15 : memref<!tpu.dma_semaphore, #tpu.memory_space<semaphore_mem>>) {add = true}
      %add3A_488 = arith.constant 1 : i32
      %add3A_489 = arith.addi %add3A_460, %add3A_488 : i32
      %sub3A_490 = arith.constant 1 : i32
      %sub3A_491 = arith.subi %add3A_489, %sub3A_490 : i32
      %dma_wait3A_492 = arith.constant 0 : i32
      %dma_wait3A_493 = tpu.memref_slice %arg9[%sub3A_491, %dma_wait3A_492] : memref<16x128xi32, #tpu.memory_space<vmem>> -> memref<1x128xi32, #tpu.memory_space<vmem>>
      %dma_wait3A_494 = tpu.memref_squeeze %dma_wait3A_493 : memref<1x128xi32, #tpu.memory_space<vmem>> -> memref<128xi32, #tpu.memory_space<vmem>>
      %dma_wait3A_495 = arith.constant 0 : i32
      %dma_wait3A_496 = arith.constant 0 : i32
      %dma_wait3A_497 = tpu.memref_slice %arg13[%dma_wait3A_495, %dma_wait3A_496] : memref<10112x128xf32, #tpu.memory_space<vmem_shared>> -> memref<10112x128xf32, #tpu.memory_space<vmem_shared>>
      tpu.wait_indirect_dma semaphore(%arg15 : memref<!tpu.dma_semaphore, #tpu.memory_space<semaphore_mem>>) src(%arg12 : memref<128x128xf32, #tpu.memory_space<vmem>>) dst(%dma_wait3A_497 : memref<10112x128xf32, #tpu.memory_space<vmem_shared>>)
      %add3A_498 = arith.constant 1 : i32
      %add3A_499 = arith.addi %add3A_489, %add3A_498 : i32
      %dma_start3A_500 = arith.constant 0 : i32
      %dma_start3A_501 = tpu.memref_slice %arg7[%add3A_499, %dma_start3A_500] : memref<16x128xi32, #tpu.memory_space<vmem>> -> memref<1x128xi32, #tpu.memory_space<vmem>>
      %dma_start3A_502 = tpu.memref_squeeze %dma_start3A_501 : memref<1x128xi32, #tpu.memory_space<vmem>> -> memref<128xi32, #tpu.memory_space<vmem>>
      %dma_start3A_503 = arith.constant 0 : i32
      %dma_start3A_504 = arith.constant 0 : i32
      %dma_start3A_505 = tpu.memref_slice %arg2[%dma_start3A_503, %dma_start3A_504] : memref<10000x128xf32, #tpu.memory_space<hbm>> -> memref<10000x128xf32, #tpu.memory_space<hbm>>
      tpu.enqueue_indirect_dma source(%dma_start3A_505 : memref<10000x128xf32, #tpu.memory_space<hbm>>) target(%arg12 : memref<128x128xf32, #tpu.memory_space<vmem>>) offsets(%dma_start3A_502 : memref<128xi32, #tpu.memory_space<vmem>>) semaphore(%arg14 : memref<!tpu.dma_semaphore, #tpu.memory_space<semaphore_mem>>)
      %dma_wait3A_506 = arith.constant 0 : i32
      %dma_wait3A_507 = tpu.memref_slice %arg7[%add3A_489, %dma_wait3A_506] : memref<16x128xi32, #tpu.memory_space<vmem>> -> memref<1x128xi32, #tpu.memory_space<vmem>>
      %dma_wait3A_508 = tpu.memref_squeeze %dma_wait3A_507 : memref<1x128xi32, #tpu.memory_space<vmem>> -> memref<128xi32, #tpu.memory_space<vmem>>
      %dma_wait3A_509 = arith.constant 0 : i32
      %dma_wait3A_510 = arith.constant 0 : i32
      %dma_wait3A_511 = tpu.memref_slice %arg2[%dma_wait3A_509, %dma_wait3A_510] : memref<10000x128xf32, #tpu.memory_space<hbm>> -> memref<10000x128xf32, #tpu.memory_space<hbm>>
      tpu.wait_indirect_dma semaphore(%arg14 : memref<!tpu.dma_semaphore, #tpu.memory_space<semaphore_mem>>) src(%dma_wait3A_511 : memref<10000x128xf32, #tpu.memory_space<hbm>>) dst(%arg11 : memref<128x128xf32, #tpu.memory_space<vmem>>)
      %dma_start3A_512 = arith.constant 0 : i32
      %dma_start3A_513 = tpu.memref_slice %arg9[%add3A_489, %dma_start3A_512] : memref<16x128xi32, #tpu.memory_space<vmem>> -> memref<1x128xi32, #tpu.memory_space<vmem>>
      %dma_start3A_514 = tpu.memref_squeeze %dma_start3A_513 : memref<1x128xi32, #tpu.memory_space<vmem>> -> memref<128xi32, #tpu.memory_space<vmem>>
      %dma_start3A_515 = arith.constant 0 : i32
      %dma_start3A_516 = arith.constant 0 : i32
      %dma_start3A_517 = tpu.memref_slice %arg13[%dma_start3A_515, %dma_start3A_516] : memref<10112x128xf32, #tpu.memory_space<vmem_shared>> -> memref<10112x128xf32, #tpu.memory_space<vmem_shared>>
      tpu.enqueue_indirect_dma source(%arg11 : memref<128x128xf32, #tpu.memory_space<vmem>>) target(%dma_start3A_517 : memref<10112x128xf32, #tpu.memory_space<vmem_shared>>) offsets(%dma_start3A_514 : memref<128xi32, #tpu.memory_space<vmem>>) semaphore(%arg15 : memref<!tpu.dma_semaphore, #tpu.memory_space<semaphore_mem>>) {add = true}
    }
    %scan3A_248 = arith.constant 7 : i32
    %dma_wait3A_249 = arith.constant 14 : i32
    %dma_wait3A_250 = arith.constant 0 : i32
    %dma_wait3A_251 = tpu.memref_slice %arg9[%dma_wait3A_249, %dma_wait3A_250] : memref<16x128xi32, #tpu.memory_space<vmem>> -> memref<1x128xi32, #tpu.memory_space<vmem>>
    %dma_wait3A_252 = tpu.memref_squeeze %dma_wait3A_251 : memref<1x128xi32, #tpu.memory_space<vmem>> -> memref<128xi32, #tpu.memory_space<vmem>>
    %dma_wait3A_253 = arith.constant 0 : i32
    %dma_wait3A_254 = arith.constant 0 : i32
    %dma_wait3A_255 = tpu.memref_slice %arg13[%dma_wait3A_253, %dma_wait3A_254] : memref<10112x128xf32, #tpu.memory_space<vmem_shared>> -> memref<10112x128xf32, #tpu.memory_space<vmem_shared>>
    tpu.wait_indirect_dma semaphore(%arg15 : memref<!tpu.dma_semaphore, #tpu.memory_space<semaphore_mem>>) src(%arg11 : memref<128x128xf32, #tpu.memory_space<vmem>>) dst(%dma_wait3A_255 : memref<10112x128xf32, #tpu.memory_space<vmem_shared>>)
    %dma_wait3A_256 = arith.constant 15 : i32
    %dma_wait3A_257 = arith.constant 0 : i32
    %dma_wait3A_258 = tpu.memref_slice %arg7[%dma_wait3A_256, %dma_wait3A_257] : memref<16x128xi32, #tpu.memory_space<vmem>> -> memref<1x128xi32, #tpu.memory_space<vmem>>
    %dma_wait3A_259 = tpu.memref_squeeze %dma_wait3A_258 : memref<1x128xi32, #tpu.memory_space<vmem>> -> memref<128xi32, #tpu.memory_space<vmem>>
    %dma_wait3A_260 = arith.constant 0 : i32
    %dma_wait3A_261 = arith.constant 0 : i32
    %dma_wait3A_262 = tpu.memref_slice %arg2[%dma_wait3A_260, %dma_wait3A_261] : memref<10000x128xf32, #tpu.memory_space<hbm>> -> memref<10000x128xf32, #tpu.memory_space<hbm>>
    tpu.wait_indirect_dma semaphore(%arg14 : memref<!tpu.dma_semaphore, #tpu.memory_space<semaphore_mem>>) src(%dma_wait3A_262 : memref<10000x128xf32, #tpu.memory_space<hbm>>) dst(%arg12 : memref<128x128xf32, #tpu.memory_space<vmem>>)
    %dma_start3A_263 = arith.constant 15 : i32
    %dma_start3A_264 = arith.constant 0 : i32
    %dma_start3A_265 = tpu.memref_slice %arg9[%dma_start3A_263, %dma_start3A_264] : memref<16x128xi32, #tpu.memory_space<vmem>> -> memref<1x128xi32, #tpu.memory_space<vmem>>
    %dma_start3A_266 = tpu.memref_squeeze %dma_start3A_265 : memref<1x128xi32, #tpu.memory_space<vmem>> -> memref<128xi32, #tpu.memory_space<vmem>>
    %dma_start3A_267 = arith.constant 0 : i32
    %dma_start3A_268 = arith.constant 0 : i32
    %dma_start3A_269 = tpu.memref_slice %arg13[%dma_start3A_267, %dma_start3A_268] : memref<10112x128xf32, #tpu.memory_space<vmem_shared>> -> memref<10112x128xf32, #tpu.memory_space<vmem_shared>>
    tpu.enqueue_indirect_dma source(%arg12 : memref<128x128xf32, #tpu.memory_space<vmem>>) target(%dma_start3A_269 : memref<10112x128xf32, #tpu.memory_space<vmem_shared>>) offsets(%dma_start3A_266 : memref<128xi32, #tpu.memory_space<vmem>>) semaphore(%arg15 : memref<!tpu.dma_semaphore, #tpu.memory_space<semaphore_mem>>) {add = true}
    %dma_wait3A_270 = arith.constant 15 : i32
    %dma_wait3A_271 = arith.constant 0 : i32
    %dma_wait3A_272 = tpu.memref_slice %arg9[%dma_wait3A_270, %dma_wait3A_271] : memref<16x128xi32, #tpu.memory_space<vmem>> -> memref<1x128xi32, #tpu.memory_space<vmem>>
    %dma_wait3A_273 = tpu.memref_squeeze %dma_wait3A_272 : memref<1x128xi32, #tpu.memory_space<vmem>> -> memref<128xi32, #tpu.memory_space<vmem>>
    %dma_wait3A_274 = arith.constant 0 : i32
    %dma_wait3A_275 = arith.constant 0 : i32
    %dma_wait3A_276 = tpu.memref_slice %arg13[%dma_wait3A_274, %dma_wait3A_275] : memref<10112x128xf32, #tpu.memory_space<vmem_shared>> -> memref<10112x128xf32, #tpu.memory_space<vmem_shared>>
    tpu.wait_indirect_dma semaphore(%arg15 : memref<!tpu.dma_semaphore, #tpu.memory_space<semaphore_mem>>) src(%arg12 : memref<128x128xf32, #tpu.memory_space<vmem>>) dst(%dma_wait3A_276 : memref<10112x128xf32, #tpu.memory_space<vmem_shared>>)
    %dma_wait3A_277 = arith.constant 3 : i32
    %dma_wait3A_278 = arith.constant 0 : i32
    %dma_wait3A_279 = arith.constant 0 : i32
    %dma_wait3A_280 = tpu.memref_slice %arg3[%add3A, %dma_wait3A_277, %dma_wait3A_278, %dma_wait3A_279] : memref<32x5x16x128xi32, #tpu.memory_space<hbm>> -> memref<1x1x16x128xi32, #tpu.memory_space<hbm>>
    %dma_wait3A_281 = tpu.memref_squeeze %dma_wait3A_280 : memref<1x1x16x128xi32, #tpu.memory_space<hbm>> -> memref<16x128xi32, #tpu.memory_space<hbm>>
    %dma_wait3A_282 = arith.constant 0 : i32
    %dma_wait3A_283 = arith.constant 0 : i32
    %dma_wait3A_284 = tpu.memref_slice %arg3[%add3A, %dma_wait3A_277, %dma_wait3A_282, %dma_wait3A_283] : memref<32x5x16x128xi32, #tpu.memory_space<hbm>> -> memref<1x1x16x128xi32, #tpu.memory_space<hbm>>
    %dma_wait3A_285 = tpu.memref_squeeze %dma_wait3A_284 : memref<1x1x16x128xi32, #tpu.memory_space<hbm>> -> memref<16x128xi32, #tpu.memory_space<hbm>>
    tpu.wait_dma2 semaphore(%arg16 : memref<!tpu.dma_semaphore, #tpu.memory_space<semaphore_mem>>) src(%dma_wait3A_285 : memref<16x128xi32, #tpu.memory_space<hbm>>) dst(%arg8 : memref<16x128xi32, #tpu.memory_space<vmem>>)
    %dma_wait3A_286 = arith.constant 3 : i32
    %dma_wait3A_287 = arith.constant 0 : i32
    %dma_wait3A_288 = arith.constant 0 : i32
    %dma_wait3A_289 = tpu.memref_slice %arg4[%add3A, %dma_wait3A_286, %dma_wait3A_287, %dma_wait3A_288] : memref<32x5x16x128xi32, #tpu.memory_space<hbm>> -> memref<1x1x16x128xi32, #tpu.memory_space<hbm>>
    %dma_wait3A_290 = tpu.memref_squeeze %dma_wait3A_289 : memref<1x1x16x128xi32, #tpu.memory_space<hbm>> -> memref<16x128xi32, #tpu.memory_space<hbm>>
    %dma_wait3A_291 = arith.constant 0 : i32
    %dma_wait3A_292 = arith.constant 0 : i32
    %dma_wait3A_293 = tpu.memref_slice %arg4[%add3A, %dma_wait3A_286, %dma_wait3A_291, %dma_wait3A_292] : memref<32x5x16x128xi32, #tpu.memory_space<hbm>> -> memref<1x1x16x128xi32, #tpu.memory_space<hbm>>
    %dma_wait3A_294 = tpu.memref_squeeze %dma_wait3A_293 : memref<1x1x16x128xi32, #tpu.memory_space<hbm>> -> memref<16x128xi32, #tpu.memory_space<hbm>>
    tpu.wait_dma2 semaphore(%arg16 : memref<!tpu.dma_semaphore, #tpu.memory_space<semaphore_mem>>) src(%dma_wait3A_294 : memref<16x128xi32, #tpu.memory_space<hbm>>) dst(%arg10 : memref<16x128xi32, #tpu.memory_space<vmem>>)
    %dma_start3A_295 = arith.constant 4 : i32
    %dma_start3A_296 = arith.constant 0 : i32
    %dma_start3A_297 = arith.constant 0 : i32
    %dma_start3A_298 = tpu.memref_slice %arg3[%add3A, %dma_start3A_295, %dma_start3A_296, %dma_start3A_297] : memref<32x5x16x128xi32, #tpu.memory_space<hbm>> -> memref<1x1x16x128xi32, #tpu.memory_space<hbm>>
    %dma_start3A_299 = tpu.memref_squeeze %dma_start3A_298 : memref<1x1x16x128xi32, #tpu.memory_space<hbm>> -> memref<16x128xi32, #tpu.memory_space<hbm>>
    %dma_start3A_300 = arith.constant 0 : i32
    %dma_start3A_301 = arith.constant 0 : i32
    %dma_start3A_302 = tpu.memref_slice %arg3[%add3A, %dma_start3A_295, %dma_start3A_300, %dma_start3A_301] : memref<32x5x16x128xi32, #tpu.memory_space<hbm>> -> memref<1x1x16x128xi32, #tpu.memory_space<hbm>>
    %dma_start3A_303 = tpu.memref_squeeze %dma_start3A_302 : memref<1x1x16x128xi32, #tpu.memory_space<hbm>> -> memref<16x128xi32, #tpu.memory_space<hbm>>
    tpu.enqueue_dma source(%dma_start3A_303 : memref<16x128xi32, #tpu.memory_space<hbm>>) target(%arg7 : memref<16x128xi32, #tpu.memory_space<vmem>>) target_semaphore(%arg16 : memref<!tpu.dma_semaphore, #tpu.memory_space<semaphore_mem>>)
    %dma_start3A_304 = arith.constant 4 : i32
    %dma_start3A_305 = arith.constant 0 : i32
    %dma_start3A_306 = arith.constant 0 : i32
    %dma_start3A_307 = tpu.memref_slice %arg4[%add3A, %dma_start3A_304, %dma_start3A_305, %dma_start3A_306] : memref<32x5x16x128xi32, #tpu.memory_space<hbm>> -> memref<1x1x16x128xi32, #tpu.memory_space<hbm>>
    %dma_start3A_308 = tpu.memref_squeeze %dma_start3A_307 : memref<1x1x16x128xi32, #tpu.memory_space<hbm>> -> memref<16x128xi32, #tpu.memory_space<hbm>>
    %dma_start3A_309 = arith.constant 0 : i32
    %dma_start3A_310 = arith.constant 0 : i32
    %dma_start3A_311 = tpu.memref_slice %arg4[%add3A, %dma_start3A_304, %dma_start3A_309, %dma_start3A_310] : memref<32x5x16x128xi32, #tpu.memory_space<hbm>> -> memref<1x1x16x128xi32, #tpu.memory_space<hbm>>
    %dma_start3A_312 = tpu.memref_squeeze %dma_start3A_311 : memref<1x1x16x128xi32, #tpu.memory_space<hbm>> -> memref<16x128xi32, #tpu.memory_space<hbm>>
    tpu.enqueue_dma source(%dma_start3A_312 : memref<16x128xi32, #tpu.memory_space<hbm>>) target(%arg9 : memref<16x128xi32, #tpu.memory_space<vmem>>) target_semaphore(%arg16 : memref<!tpu.dma_semaphore, #tpu.memory_space<semaphore_mem>>)
    %dma_start3A_313 = arith.constant 0 : i32
    %dma_start3A_314 = arith.constant 0 : i32
    %dma_start3A_315 = tpu.memref_slice %arg8[%dma_start3A_313, %dma_start3A_314] : memref<16x128xi32, #tpu.memory_space<vmem>> -> memref<1x128xi32, #tpu.memory_space<vmem>>
    %dma_start3A_316 = tpu.memref_squeeze %dma_start3A_315 : memref<1x128xi32, #tpu.memory_space<vmem>> -> memref<128xi32, #tpu.memory_space<vmem>>
    %dma_start3A_317 = arith.constant 0 : i32
    %dma_start3A_318 = arith.constant 0 : i32
    %dma_start3A_319 = tpu.memref_slice %arg2[%dma_start3A_317, %dma_start3A_318] : memref<10000x128xf32, #tpu.memory_space<hbm>> -> memref<10000x128xf32, #tpu.memory_space<hbm>>
    tpu.enqueue_indirect_dma source(%dma_start3A_319 : memref<10000x128xf32, #tpu.memory_space<hbm>>) target(%arg11 : memref<128x128xf32, #tpu.memory_space<vmem>>) offsets(%dma_start3A_316 : memref<128xi32, #tpu.memory_space<vmem>>) semaphore(%arg14 : memref<!tpu.dma_semaphore, #tpu.memory_space<semaphore_mem>>)
    %dma_start3A_320 = arith.constant 1 : i32
    %dma_start3A_321 = arith.constant 0 : i32
    %dma_start3A_322 = tpu.memref_slice %arg8[%dma_start3A_320, %dma_start3A_321] : memref<16x128xi32, #tpu.memory_space<vmem>> -> memref<1x128xi32, #tpu.memory_space<vmem>>
    %dma_start3A_323 = tpu.memref_squeeze %dma_start3A_322 : memref<1x128xi32, #tpu.memory_space<vmem>> -> memref<128xi32, #tpu.memory_space<vmem>>
    %dma_start3A_324 = arith.constant 0 : i32
    %dma_start3A_325 = arith.constant 0 : i32
    %dma_start3A_326 = tpu.memref_slice %arg2[%dma_start3A_324, %dma_start3A_325] : memref<10000x128xf32, #tpu.memory_space<hbm>> -> memref<10000x128xf32, #tpu.memory_space<hbm>>
    tpu.enqueue_indirect_dma source(%dma_start3A_326 : memref<10000x128xf32, #tpu.memory_space<hbm>>) target(%arg12 : memref<128x128xf32, #tpu.memory_space<vmem>>) offsets(%dma_start3A_323 : memref<128xi32, #tpu.memory_space<vmem>>) semaphore(%arg14 : memref<!tpu.dma_semaphore, #tpu.memory_space<semaphore_mem>>)
    %dma_wait3A_327 = arith.constant 0 : i32
    %dma_wait3A_328 = arith.constant 0 : i32
    %dma_wait3A_329 = tpu.memref_slice %arg8[%dma_wait3A_327, %dma_wait3A_328] : memref<16x128xi32, #tpu.memory_space<vmem>> -> memref<1x128xi32, #tpu.memory_space<vmem>>
    %dma_wait3A_330 = tpu.memref_squeeze %dma_wait3A_329 : memref<1x128xi32, #tpu.memory_space<vmem>> -> memref<128xi32, #tpu.memory_space<vmem>>
    %dma_wait3A_331 = arith.constant 0 : i32
    %dma_wait3A_332 = arith.constant 0 : i32
    %dma_wait3A_333 = tpu.memref_slice %arg2[%dma_wait3A_331, %dma_wait3A_332] : memref<10000x128xf32, #tpu.memory_space<hbm>> -> memref<10000x128xf32, #tpu.memory_space<hbm>>
    tpu.wait_indirect_dma semaphore(%arg14 : memref<!tpu.dma_semaphore, #tpu.memory_space<semaphore_mem>>) src(%dma_wait3A_333 : memref<10000x128xf32, #tpu.memory_space<hbm>>) dst(%arg11 : memref<128x128xf32, #tpu.memory_space<vmem>>)
    %dma_start3A_334 = arith.constant 0 : i32
    %dma_start3A_335 = arith.constant 0 : i32
    %dma_start3A_336 = tpu.memref_slice %arg10[%dma_start3A_334, %dma_start3A_335] : memref<16x128xi32, #tpu.memory_space<vmem>> -> memref<1x128xi32, #tpu.memory_space<vmem>>
    %dma_start3A_337 = tpu.memref_squeeze %dma_start3A_336 : memref<1x128xi32, #tpu.memory_space<vmem>> -> memref<128xi32, #tpu.memory_space<vmem>>
    %dma_start3A_338 = arith.constant 0 : i32
    %dma_start3A_339 = arith.constant 0 : i32
    %dma_start3A_340 = tpu.memref_slice %arg13[%dma_start3A_338, %dma_start3A_339] : memref<10112x128xf32, #tpu.memory_space<vmem_shared>> -> memref<10112x128xf32, #tpu.memory_space<vmem_shared>>
    tpu.enqueue_indirect_dma source(%arg11 : memref<128x128xf32, #tpu.memory_space<vmem>>) target(%dma_start3A_340 : memref<10112x128xf32, #tpu.memory_space<vmem_shared>>) offsets(%dma_start3A_337 : memref<128xi32, #tpu.memory_space<vmem>>) semaphore(%arg15 : memref<!tpu.dma_semaphore, #tpu.memory_space<semaphore_mem>>) {add = true}
    %scan3A_341 = arith.constant 0 : i32
    %scan3A_342 = arith.constant 0 : i32
    %scan3A_343 = arith.constant 7 : i32
    %scan3A_344 = arith.addi %scan3A_342, %scan3A_343 : i32
    %scan3A_345 = arith.constant 1 : i32
    scf.for %scan3A_456 = %scan3A_342 to %scan3A_344 step %scan3A_345  : i32 {
      %mul3A_457 = arith.constant 2 : i32
      %mul3A_458 = arith.muli %mul3A_457, %scan3A_456 : i32
      %add3A_459 = arith.constant 1 : i32
      %add3A_460 = arith.addi %mul3A_458, %add3A_459 : i32
      %sub3A = arith.constant 1 : i32
      %sub3A_461 = arith.subi %add3A_460, %sub3A : i32
      %dma_wait3A_462 = arith.constant 0 : i32
      %dma_wait3A_463 = tpu.memref_slice %arg10[%sub3A_461, %dma_wait3A_462] : memref<16x128xi32, #tpu.memory_space<vmem>> -> memref<1x128xi32, #tpu.memory_space<vmem>>
      %dma_wait3A_464 = tpu.memref_squeeze %dma_wait3A_463 : memref<1x128xi32, #tpu.memory_space<vmem>> -> memref<128xi32, #tpu.memory_space<vmem>>
      %dma_wait3A_465 = arith.constant 0 : i32
      %dma_wait3A_466 = arith.constant 0 : i32
      %dma_wait3A_467 = tpu.memref_slice %arg13[%dma_wait3A_465, %dma_wait3A_466] : memref<10112x128xf32, #tpu.memory_space<vmem_shared>> -> memref<10112x128xf32, #tpu.memory_space<vmem_shared>>
      tpu.wait_indirect_dma semaphore(%arg15 : memref<!tpu.dma_semaphore, #tpu.memory_space<semaphore_mem>>) src(%arg11 : memref<128x128xf32, #tpu.memory_space<vmem>>) dst(%dma_wait3A_467 : memref<10112x128xf32, #tpu.memory_space<vmem_shared>>)
      %add3A_468 = arith.constant 1 : i32
      %add3A_469 = arith.addi %add3A_460, %add3A_468 : i32
      %dma_start3A_470 = arith.constant 0 : i32
      %dma_start3A_471 = tpu.memref_slice %arg8[%add3A_469, %dma_start3A_470] : memref<16x128xi32, #tpu.memory_space<vmem>> -> memref<1x128xi32, #tpu.memory_space<vmem>>
      %dma_start3A_472 = tpu.memref_squeeze %dma_start3A_471 : memref<1x128xi32, #tpu.memory_space<vmem>> -> memref<128xi32, #tpu.memory_space<vmem>>
      %dma_start3A_473 = arith.constant 0 : i32
      %dma_start3A_474 = arith.constant 0 : i32
      %dma_start3A_475 = tpu.memref_slice %arg2[%dma_start3A_473, %dma_start3A_474] : memref<10000x128xf32, #tpu.memory_space<hbm>> -> memref<10000x128xf32, #tpu.memory_space<hbm>>
      tpu.enqueue_indirect_dma source(%dma_start3A_475 : memref<10000x128xf32, #tpu.memory_space<hbm>>) target(%arg11 : memref<128x128xf32, #tpu.memory_space<vmem>>) offsets(%dma_start3A_472 : memref<128xi32, #tpu.memory_space<vmem>>) semaphore(%arg14 : memref<!tpu.dma_semaphore, #tpu.memory_space<semaphore_mem>>)
      %dma_wait3A_476 = arith.constant 0 : i32
      %dma_wait3A_477 = tpu.memref_slice %arg8[%add3A_460, %dma_wait3A_476] : memref<16x128xi32, #tpu.memory_space<vmem>> -> memref<1x128xi32, #tpu.memory_space<vmem>>
      %dma_wait3A_478 = tpu.memref_squeeze %dma_wait3A_477 : memref<1x128xi32, #tpu.memory_space<vmem>> -> memref<128xi32, #tpu.memory_space<vmem>>
      %dma_wait3A_479 = arith.constant 0 : i32
      %dma_wait3A_480 = arith.constant 0 : i32
      %dma_wait3A_481 = tpu.memref_slice %arg2[%dma_wait3A_479, %dma_wait3A_480] : memref<10000x128xf32, #tpu.memory_space<hbm>> -> memref<10000x128xf32, #tpu.memory_space<hbm>>
      tpu.wait_indirect_dma semaphore(%arg14 : memref<!tpu.dma_semaphore, #tpu.memory_space<semaphore_mem>>) src(%dma_wait3A_481 : memref<10000x128xf32, #tpu.memory_space<hbm>>) dst(%arg12 : memref<128x128xf32, #tpu.memory_space<vmem>>)
      %dma_start3A_482 = arith.constant 0 : i32
      %dma_start3A_483 = tpu.memref_slice %arg10[%add3A_460, %dma_start3A_482] : memref<16x128xi32, #tpu.memory_space<vmem>> -> memref<1x128xi32, #tpu.memory_space<vmem>>
      %dma_start3A_484 = tpu.memref_squeeze %dma_start3A_483 : memref<1x128xi32, #tpu.memory_space<vmem>> -> memref<128xi32, #tpu.memory_space<vmem>>
      %dma_start3A_485 = arith.constant 0 : i32
      %dma_start3A_486 = arith.constant 0 : i32
      %dma_start3A_487 = tpu.memref_slice %arg13[%dma_start3A_485, %dma_start3A_486] : memref<10112x128xf32, #tpu.memory_space<vmem_shared>> -> memref<10112x128xf32, #tpu.memory_space<vmem_shared>>
      tpu.enqueue_indirect_dma source(%arg12 : memref<128x128xf32, #tpu.memory_space<vmem>>) target(%dma_start3A_487 : memref<10112x128xf32, #tpu.memory_space<vmem_shared>>) offsets(%dma_start3A_484 : memref<128xi32, #tpu.memory_space<vmem>>) semaphore(%arg15 : memref<!tpu.dma_semaphore, #tpu.memory_space<semaphore_mem>>) {add = true}
      %add3A_488 = arith.constant 1 : i32
      %add3A_489 = arith.addi %add3A_460, %add3A_488 : i32
      %sub3A_490 = arith.constant 1 : i32
      %sub3A_491 = arith.subi %add3A_489, %sub3A_490 : i32
      %dma_wait3A_492 = arith.constant 0 : i32
      %dma_wait3A_493 = tpu.memref_slice %arg10[%sub3A_491, %dma_wait3A_492] : memref<16x128xi32, #tpu.memory_space<vmem>> -> memref<1x128xi32, #tpu.memory_space<vmem>>
      %dma_wait3A_494 = tpu.memref_squeeze %dma_wait3A_493 : memref<1x128xi32, #tpu.memory_space<vmem>> -> memref<128xi32, #tpu.memory_space<vmem>>
      %dma_wait3A_495 = arith.constant 0 : i32
      %dma_wait3A_496 = arith.constant 0 : i32
      %dma_wait3A_497 = tpu.memref_slice %arg13[%dma_wait3A_495, %dma_wait3A_496] : memref<10112x128xf32, #tpu.memory_space<vmem_shared>> -> memref<10112x128xf32, #tpu.memory_space<vmem_shared>>
      tpu.wait_indirect_dma semaphore(%arg15 : memref<!tpu.dma_semaphore, #tpu.memory_space<semaphore_mem>>) src(%arg12 : memref<128x128xf32, #tpu.memory_space<vmem>>) dst(%dma_wait3A_497 : memref<10112x128xf32, #tpu.memory_space<vmem_shared>>)
      %add3A_498 = arith.constant 1 : i32
      %add3A_499 = arith.addi %add3A_489, %add3A_498 : i32
      %dma_start3A_500 = arith.constant 0 : i32
      %dma_start3A_501 = tpu.memref_slice %arg8[%add3A_499, %dma_start3A_500] : memref<16x128xi32, #tpu.memory_space<vmem>> -> memref<1x128xi32, #tpu.memory_space<vmem>>
      %dma_start3A_502 = tpu.memref_squeeze %dma_start3A_501 : memref<1x128xi32, #tpu.memory_space<vmem>> -> memref<128xi32, #tpu.memory_space<vmem>>
      %dma_start3A_503 = arith.constant 0 : i32
      %dma_start3A_504 = arith.constant 0 : i32
      %dma_start3A_505 = tpu.memref_slice %arg2[%dma_start3A_503, %dma_start3A_504] : memref<10000x128xf32, #tpu.memory_space<hbm>> -> memref<10000x128xf32, #tpu.memory_space<hbm>>
      tpu.enqueue_indirect_dma source(%dma_start3A_505 : memref<10000x128xf32, #tpu.memory_space<hbm>>) target(%arg12 : memref<128x128xf32, #tpu.memory_space<vmem>>) offsets(%dma_start3A_502 : memref<128xi32, #tpu.memory_space<vmem>>) semaphore(%arg14 : memref<!tpu.dma_semaphore, #tpu.memory_space<semaphore_mem>>)
      %dma_wait3A_506 = arith.constant 0 : i32
      %dma_wait3A_507 = tpu.memref_slice %arg8[%add3A_489, %dma_wait3A_506] : memref<16x128xi32, #tpu.memory_space<vmem>> -> memref<1x128xi32, #tpu.memory_space<vmem>>
      %dma_wait3A_508 = tpu.memref_squeeze %dma_wait3A_507 : memref<1x128xi32, #tpu.memory_space<vmem>> -> memref<128xi32, #tpu.memory_space<vmem>>
      %dma_wait3A_509 = arith.constant 0 : i32
      %dma_wait3A_510 = arith.constant 0 : i32
      %dma_wait3A_511 = tpu.memref_slice %arg2[%dma_wait3A_509, %dma_wait3A_510] : memref<10000x128xf32, #tpu.memory_space<hbm>> -> memref<10000x128xf32, #tpu.memory_space<hbm>>
      tpu.wait_indirect_dma semaphore(%arg14 : memref<!tpu.dma_semaphore, #tpu.memory_space<semaphore_mem>>) src(%dma_wait3A_511 : memref<10000x128xf32, #tpu.memory_space<hbm>>) dst(%arg11 : memref<128x128xf32, #tpu.memory_space<vmem>>)
      %dma_start3A_512 = arith.constant 0 : i32
      %dma_start3A_513 = tpu.memref_slice %arg10[%add3A_489, %dma_start3A_512] : memref<16x128xi32, #tpu.memory_space<vmem>> -> memref<1x128xi32, #tpu.memory_space<vmem>>
      %dma_start3A_514 = tpu.memref_squeeze %dma_start3A_513 : memref<1x128xi32, #tpu.memory_space<vmem>> -> memref<128xi32, #tpu.memory_space<vmem>>
      %dma_start3A_515 = arith.constant 0 : i32
      %dma_start3A_516 = arith.constant 0 : i32
      %dma_start3A_517 = tpu.memref_slice %arg13[%dma_start3A_515, %dma_start3A_516] : memref<10112x128xf32, #tpu.memory_space<vmem_shared>> -> memref<10112x128xf32, #tpu.memory_space<vmem_shared>>
      tpu.enqueue_indirect_dma source(%arg11 : memref<128x128xf32, #tpu.memory_space<vmem>>) target(%dma_start3A_517 : memref<10112x128xf32, #tpu.memory_space<vmem_shared>>) offsets(%dma_start3A_514 : memref<128xi32, #tpu.memory_space<vmem>>) semaphore(%arg15 : memref<!tpu.dma_semaphore, #tpu.memory_space<semaphore_mem>>) {add = true}
    }
    %scan3A_346 = arith.constant 7 : i32
    %dma_wait3A_347 = arith.constant 14 : i32
    %dma_wait3A_348 = arith.constant 0 : i32
    %dma_wait3A_349 = tpu.memref_slice %arg10[%dma_wait3A_347, %dma_wait3A_348] : memref<16x128xi32, #tpu.memory_space<vmem>> -> memref<1x128xi32, #tpu.memory_space<vmem>>
    %dma_wait3A_350 = tpu.memref_squeeze %dma_wait3A_349 : memref<1x128xi32, #tpu.memory_space<vmem>> -> memref<128xi32, #tpu.memory_space<vmem>>
    %dma_wait3A_351 = arith.constant 0 : i32
    %dma_wait3A_352 = arith.constant 0 : i32
    %dma_wait3A_353 = tpu.memref_slice %arg13[%dma_wait3A_351, %dma_wait3A_352] : memref<10112x128xf32, #tpu.memory_space<vmem_shared>> -> memref<10112x128xf32, #tpu.memory_space<vmem_shared>>
    tpu.wait_indirect_dma semaphore(%arg15 : memref<!tpu.dma_semaphore, #tpu.memory_space<semaphore_mem>>) src(%arg11 : memref<128x128xf32, #tpu.memory_space<vmem>>) dst(%dma_wait3A_353 : memref<10112x128xf32, #tpu.memory_space<vmem_shared>>)
    %dma_wait3A_354 = arith.constant 15 : i32
    %dma_wait3A_355 = arith.constant 0 : i32
    %dma_wait3A_356 = tpu.memref_slice %arg8[%dma_wait3A_354, %dma_wait3A_355] : memref<16x128xi32, #tpu.memory_space<vmem>> -> memref<1x128xi32, #tpu.memory_space<vmem>>
    %dma_wait3A_357 = tpu.memref_squeeze %dma_wait3A_356 : memref<1x128xi32, #tpu.memory_space<vmem>> -> memref<128xi32, #tpu.memory_space<vmem>>
    %dma_wait3A_358 = arith.constant 0 : i32
    %dma_wait3A_359 = arith.constant 0 : i32
    %dma_wait3A_360 = tpu.memref_slice %arg2[%dma_wait3A_358, %dma_wait3A_359] : memref<10000x128xf32, #tpu.memory_space<hbm>> -> memref<10000x128xf32, #tpu.memory_space<hbm>>
    tpu.wait_indirect_dma semaphore(%arg14 : memref<!tpu.dma_semaphore, #tpu.memory_space<semaphore_mem>>) src(%dma_wait3A_360 : memref<10000x128xf32, #tpu.memory_space<hbm>>) dst(%arg12 : memref<128x128xf32, #tpu.memory_space<vmem>>)
    %dma_start3A_361 = arith.constant 15 : i32
    %dma_start3A_362 = arith.constant 0 : i32
    %dma_start3A_363 = tpu.memref_slice %arg10[%dma_start3A_361, %dma_start3A_362] : memref<16x128xi32, #tpu.memory_space<vmem>> -> memref<1x128xi32, #tpu.memory_space<vmem>>
    %dma_start3A_364 = tpu.memref_squeeze %dma_start3A_363 : memref<1x128xi32, #tpu.memory_space<vmem>> -> memref<128xi32, #tpu.memory_space<vmem>>
    %dma_start3A_365 = arith.constant 0 : i32
    %dma_start3A_366 = arith.constant 0 : i32
    %dma_start3A_367 = tpu.memref_slice %arg13[%dma_start3A_365, %dma_start3A_366] : memref<10112x128xf32, #tpu.memory_space<vmem_shared>> -> memref<10112x128xf32, #tpu.memory_space<vmem_shared>>
    tpu.enqueue_indirect_dma source(%arg12 : memref<128x128xf32, #tpu.memory_space<vmem>>) target(%dma_start3A_367 : memref<10112x128xf32, #tpu.memory_space<vmem_shared>>) offsets(%dma_start3A_364 : memref<128xi32, #tpu.memory_space<vmem>>) semaphore(%arg15 : memref<!tpu.dma_semaphore, #tpu.memory_space<semaphore_mem>>) {add = true}
    %dma_wait3A_368 = arith.constant 15 : i32
    %dma_wait3A_369 = arith.constant 0 : i32
    %dma_wait3A_370 = tpu.memref_slice %arg10[%dma_wait3A_368, %dma_wait3A_369] : memref<16x128xi32, #tpu.memory_space<vmem>> -> memref<1x128xi32, #tpu.memory_space<vmem>>
    %dma_wait3A_371 = tpu.memref_squeeze %dma_wait3A_370 : memref<1x128xi32, #tpu.memory_space<vmem>> -> memref<128xi32, #tpu.memory_space<vmem>>
    %dma_wait3A_372 = arith.constant 0 : i32
    %dma_wait3A_373 = arith.constant 0 : i32
    %dma_wait3A_374 = tpu.memref_slice %arg13[%dma_wait3A_372, %dma_wait3A_373] : memref<10112x128xf32, #tpu.memory_space<vmem_shared>> -> memref<10112x128xf32, #tpu.memory_space<vmem_shared>>
    tpu.wait_indirect_dma semaphore(%arg15 : memref<!tpu.dma_semaphore, #tpu.memory_space<semaphore_mem>>) src(%arg12 : memref<128x128xf32, #tpu.memory_space<vmem>>) dst(%dma_wait3A_374 : memref<10112x128xf32, #tpu.memory_space<vmem_shared>>)
    %dma_wait3A_375 = arith.constant 4 : i32
    %dma_wait3A_376 = arith.constant 0 : i32
    %dma_wait3A_377 = arith.constant 0 : i32
    %dma_wait3A_378 = tpu.memref_slice %arg3[%add3A, %dma_wait3A_375, %dma_wait3A_376, %dma_wait3A_377] : memref<32x5x16x128xi32, #tpu.memory_space<hbm>> -> memref<1x1x16x128xi32, #tpu.memory_space<hbm>>
    %dma_wait3A_379 = tpu.memref_squeeze %dma_wait3A_378 : memref<1x1x16x128xi32, #tpu.memory_space<hbm>> -> memref<16x128xi32, #tpu.memory_space<hbm>>
    %dma_wait3A_380 = arith.constant 0 : i32
    %dma_wait3A_381 = arith.constant 0 : i32
    %dma_wait3A_382 = tpu.memref_slice %arg3[%add3A, %dma_wait3A_375, %dma_wait3A_380, %dma_wait3A_381] : memref<32x5x16x128xi32, #tpu.memory_space<hbm>> -> memref<1x1x16x128xi32, #tpu.memory_space<hbm>>
    %dma_wait3A_383 = tpu.memref_squeeze %dma_wait3A_382 : memref<1x1x16x128xi32, #tpu.memory_space<hbm>> -> memref<16x128xi32, #tpu.memory_space<hbm>>
    tpu.wait_dma2 semaphore(%arg16 : memref<!tpu.dma_semaphore, #tpu.memory_space<semaphore_mem>>) src(%dma_wait3A_383 : memref<16x128xi32, #tpu.memory_space<hbm>>) dst(%arg7 : memref<16x128xi32, #tpu.memory_space<vmem>>)
    %dma_wait3A_384 = arith.constant 4 : i32
    %dma_wait3A_385 = arith.constant 0 : i32
    %dma_wait3A_386 = arith.constant 0 : i32
    %dma_wait3A_387 = tpu.memref_slice %arg4[%add3A, %dma_wait3A_384, %dma_wait3A_385, %dma_wait3A_386] : memref<32x5x16x128xi32, #tpu.memory_space<hbm>> -> memref<1x1x16x128xi32, #tpu.memory_space<hbm>>
    %dma_wait3A_388 = tpu.memref_squeeze %dma_wait3A_387 : memref<1x1x16x128xi32, #tpu.memory_space<hbm>> -> memref<16x128xi32, #tpu.memory_space<hbm>>
    %dma_wait3A_389 = arith.constant 0 : i32
    %dma_wait3A_390 = arith.constant 0 : i32
    %dma_wait3A_391 = tpu.memref_slice %arg4[%add3A, %dma_wait3A_384, %dma_wait3A_389, %dma_wait3A_390] : memref<32x5x16x128xi32, #tpu.memory_space<hbm>> -> memref<1x1x16x128xi32, #tpu.memory_space<hbm>>
    %dma_wait3A_392 = tpu.memref_squeeze %dma_wait3A_391 : memref<1x1x16x128xi32, #tpu.memory_space<hbm>> -> memref<16x128xi32, #tpu.memory_space<hbm>>
    tpu.wait_dma2 semaphore(%arg16 : memref<!tpu.dma_semaphore, #tpu.memory_space<semaphore_mem>>) src(%dma_wait3A_392 : memref<16x128xi32, #tpu.memory_space<hbm>>) dst(%arg9 : memref<16x128xi32, #tpu.memory_space<vmem>>)
    %dma_start3A_393 = arith.constant 0 : i32
    %dma_start3A_394 = arith.constant 0 : i32
    %dma_start3A_395 = tpu.memref_slice %arg7[%dma_start3A_393, %dma_start3A_394] : memref<16x128xi32, #tpu.memory_space<vmem>> -> memref<1x128xi32, #tpu.memory_space<vmem>>
    %dma_start3A_396 = tpu.memref_squeeze %dma_start3A_395 : memref<1x128xi32, #tpu.memory_space<vmem>> -> memref<128xi32, #tpu.memory_space<vmem>>
    %dma_start3A_397 = arith.constant 0 : i32
    %dma_start3A_398 = arith.constant 0 : i32
    %dma_start3A_399 = tpu.memref_slice %arg2[%dma_start3A_397, %dma_start3A_398] : memref<10000x128xf32, #tpu.memory_space<hbm>> -> memref<10000x128xf32, #tpu.memory_space<hbm>>
    tpu.enqueue_indirect_dma source(%dma_start3A_399 : memref<10000x128xf32, #tpu.memory_space<hbm>>) target(%arg11 : memref<128x128xf32, #tpu.memory_space<vmem>>) offsets(%dma_start3A_396 : memref<128xi32, #tpu.memory_space<vmem>>) semaphore(%arg14 : memref<!tpu.dma_semaphore, #tpu.memory_space<semaphore_mem>>)
    %dma_start3A_400 = arith.constant 1 : i32
    %dma_start3A_401 = arith.constant 0 : i32
    %dma_start3A_402 = tpu.memref_slice %arg7[%dma_start3A_400, %dma_start3A_401] : memref<16x128xi32, #tpu.memory_space<vmem>> -> memref<1x128xi32, #tpu.memory_space<vmem>>
    %dma_start3A_403 = tpu.memref_squeeze %dma_start3A_402 : memref<1x128xi32, #tpu.memory_space<vmem>> -> memref<128xi32, #tpu.memory_space<vmem>>
    %dma_start3A_404 = arith.constant 0 : i32
    %dma_start3A_405 = arith.constant 0 : i32
    %dma_start3A_406 = tpu.memref_slice %arg2[%dma_start3A_404, %dma_start3A_405] : memref<10000x128xf32, #tpu.memory_space<hbm>> -> memref<10000x128xf32, #tpu.memory_space<hbm>>
    tpu.enqueue_indirect_dma source(%dma_start3A_406 : memref<10000x128xf32, #tpu.memory_space<hbm>>) target(%arg12 : memref<128x128xf32, #tpu.memory_space<vmem>>) offsets(%dma_start3A_403 : memref<128xi32, #tpu.memory_space<vmem>>) semaphore(%arg14 : memref<!tpu.dma_semaphore, #tpu.memory_space<semaphore_mem>>)
    %dma_wait3A_407 = arith.constant 0 : i32
    %dma_wait3A_408 = arith.constant 0 : i32
    %dma_wait3A_409 = tpu.memref_slice %arg7[%dma_wait3A_407, %dma_wait3A_408] : memref<16x128xi32, #tpu.memory_space<vmem>> -> memref<1x128xi32, #tpu.memory_space<vmem>>
    %dma_wait3A_410 = tpu.memref_squeeze %dma_wait3A_409 : memref<1x128xi32, #tpu.memory_space<vmem>> -> memref<128xi32, #tpu.memory_space<vmem>>
    %dma_wait3A_411 = arith.constant 0 : i32
    %dma_wait3A_412 = arith.constant 0 : i32
    %dma_wait3A_413 = tpu.memref_slice %arg2[%dma_wait3A_411, %dma_wait3A_412] : memref<10000x128xf32, #tpu.memory_space<hbm>> -> memref<10000x128xf32, #tpu.memory_space<hbm>>
    tpu.wait_indirect_dma semaphore(%arg14 : memref<!tpu.dma_semaphore, #tpu.memory_space<semaphore_mem>>) src(%dma_wait3A_413 : memref<10000x128xf32, #tpu.memory_space<hbm>>) dst(%arg11 : memref<128x128xf32, #tpu.memory_space<vmem>>)
    %dma_start3A_414 = arith.constant 0 : i32
    %dma_start3A_415 = arith.constant 0 : i32
    %dma_start3A_416 = tpu.memref_slice %arg9[%dma_start3A_414, %dma_start3A_415] : memref<16x128xi32, #tpu.memory_space<vmem>> -> memref<1x128xi32, #tpu.memory_space<vmem>>
    %dma_start3A_417 = tpu.memref_squeeze %dma_start3A_416 : memref<1x128xi32, #tpu.memory_space<vmem>> -> memref<128xi32, #tpu.memory_space<vmem>>
    %dma_start3A_418 = arith.constant 0 : i32
    %dma_start3A_419 = arith.constant 0 : i32
    %dma_start3A_420 = tpu.memref_slice %arg13[%dma_start3A_418, %dma_start3A_419] : memref<10112x128xf32, #tpu.memory_space<vmem_shared>> -> memref<10112x128xf32, #tpu.memory_space<vmem_shared>>
    tpu.enqueue_indirect_dma source(%arg11 : memref<128x128xf32, #tpu.memory_space<vmem>>) target(%dma_start3A_420 : memref<10112x128xf32, #tpu.memory_space<vmem_shared>>) offsets(%dma_start3A_417 : memref<128xi32, #tpu.memory_space<vmem>>) semaphore(%arg15 : memref<!tpu.dma_semaphore, #tpu.memory_space<semaphore_mem>>) {add = true}
    %scan3A_421 = arith.constant 0 : i32
    %scan3A_422 = arith.constant 0 : i32
    %scan3A_423 = arith.constant 7 : i32
    %scan3A_424 = arith.addi %scan3A_422, %scan3A_423 : i32
    %scan3A_425 = arith.constant 1 : i32
    scf.for %scan3A_456 = %scan3A_422 to %scan3A_424 step %scan3A_425  : i32 {
      %mul3A_457 = arith.constant 2 : i32
      %mul3A_458 = arith.muli %mul3A_457, %scan3A_456 : i32
      %add3A_459 = arith.constant 1 : i32
      %add3A_460 = arith.addi %mul3A_458, %add3A_459 : i32
      %sub3A = arith.constant 1 : i32
      %sub3A_461 = arith.subi %add3A_460, %sub3A : i32
      %dma_wait3A_462 = arith.constant 0 : i32
      %dma_wait3A_463 = tpu.memref_slice %arg9[%sub3A_461, %dma_wait3A_462] : memref<16x128xi32, #tpu.memory_space<vmem>> -> memref<1x128xi32, #tpu.memory_space<vmem>>
      %dma_wait3A_464 = tpu.memref_squeeze %dma_wait3A_463 : memref<1x128xi32, #tpu.memory_space<vmem>> -> memref<128xi32, #tpu.memory_space<vmem>>
      %dma_wait3A_465 = arith.constant 0 : i32
      %dma_wait3A_466 = arith.constant 0 : i32
      %dma_wait3A_467 = tpu.memref_slice %arg13[%dma_wait3A_465, %dma_wait3A_466] : memref<10112x128xf32, #tpu.memory_space<vmem_shared>> -> memref<10112x128xf32, #tpu.memory_space<vmem_shared>>
      tpu.wait_indirect_dma semaphore(%arg15 : memref<!tpu.dma_semaphore, #tpu.memory_space<semaphore_mem>>) src(%arg11 : memref<128x128xf32, #tpu.memory_space<vmem>>) dst(%dma_wait3A_467 : memref<10112x128xf32, #tpu.memory_space<vmem_shared>>)
      %add3A_468 = arith.constant 1 : i32
      %add3A_469 = arith.addi %add3A_460, %add3A_468 : i32
      %dma_start3A_470 = arith.constant 0 : i32
      %dma_start3A_471 = tpu.memref_slice %arg7[%add3A_469, %dma_start3A_470] : memref<16x128xi32, #tpu.memory_space<vmem>> -> memref<1x128xi32, #tpu.memory_space<vmem>>
      %dma_start3A_472 = tpu.memref_squeeze %dma_start3A_471 : memref<1x128xi32, #tpu.memory_space<vmem>> -> memref<128xi32, #tpu.memory_space<vmem>>
      %dma_start3A_473 = arith.constant 0 : i32
      %dma_start3A_474 = arith.constant 0 : i32
      %dma_start3A_475 = tpu.memref_slice %arg2[%dma_start3A_473, %dma_start3A_474] : memref<10000x128xf32, #tpu.memory_space<hbm>> -> memref<10000x128xf32, #tpu.memory_space<hbm>>
      tpu.enqueue_indirect_dma source(%dma_start3A_475 : memref<10000x128xf32, #tpu.memory_space<hbm>>) target(%arg11 : memref<128x128xf32, #tpu.memory_space<vmem>>) offsets(%dma_start3A_472 : memref<128xi32, #tpu.memory_space<vmem>>) semaphore(%arg14 : memref<!tpu.dma_semaphore, #tpu.memory_space<semaphore_mem>>)
      %dma_wait3A_476 = arith.constant 0 : i32
      %dma_wait3A_477 = tpu.memref_slice %arg7[%add3A_460, %dma_wait3A_476] : memref<16x128xi32, #tpu.memory_space<vmem>> -> memref<1x128xi32, #tpu.memory_space<vmem>>
      %dma_wait3A_478 = tpu.memref_squeeze %dma_wait3A_477 : memref<1x128xi32, #tpu.memory_space<vmem>> -> memref<128xi32, #tpu.memory_space<vmem>>
      %dma_wait3A_479 = arith.constant 0 : i32
      %dma_wait3A_480 = arith.constant 0 : i32
      %dma_wait3A_481 = tpu.memref_slice %arg2[%dma_wait3A_479, %dma_wait3A_480] : memref<10000x128xf32, #tpu.memory_space<hbm>> -> memref<10000x128xf32, #tpu.memory_space<hbm>>
      tpu.wait_indirect_dma semaphore(%arg14 : memref<!tpu.dma_semaphore, #tpu.memory_space<semaphore_mem>>) src(%dma_wait3A_481 : memref<10000x128xf32, #tpu.memory_space<hbm>>) dst(%arg12 : memref<128x128xf32, #tpu.memory_space<vmem>>)
      %dma_start3A_482 = arith.constant 0 : i32
      %dma_start3A_483 = tpu.memref_slice %arg9[%add3A_460, %dma_start3A_482] : memref<16x128xi32, #tpu.memory_space<vmem>> -> memref<1x128xi32, #tpu.memory_space<vmem>>
      %dma_start3A_484 = tpu.memref_squeeze %dma_start3A_483 : memref<1x128xi32, #tpu.memory_space<vmem>> -> memref<128xi32, #tpu.memory_space<vmem>>
      %dma_start3A_485 = arith.constant 0 : i32
      %dma_start3A_486 = arith.constant 0 : i32
      %dma_start3A_487 = tpu.memref_slice %arg13[%dma_start3A_485, %dma_start3A_486] : memref<10112x128xf32, #tpu.memory_space<vmem_shared>> -> memref<10112x128xf32, #tpu.memory_space<vmem_shared>>
      tpu.enqueue_indirect_dma source(%arg12 : memref<128x128xf32, #tpu.memory_space<vmem>>) target(%dma_start3A_487 : memref<10112x128xf32, #tpu.memory_space<vmem_shared>>) offsets(%dma_start3A_484 : memref<128xi32, #tpu.memory_space<vmem>>) semaphore(%arg15 : memref<!tpu.dma_semaphore, #tpu.memory_space<semaphore_mem>>) {add = true}
      %add3A_488 = arith.constant 1 : i32
      %add3A_489 = arith.addi %add3A_460, %add3A_488 : i32
      %sub3A_490 = arith.constant 1 : i32
      %sub3A_491 = arith.subi %add3A_489, %sub3A_490 : i32
      %dma_wait3A_492 = arith.constant 0 : i32
      %dma_wait3A_493 = tpu.memref_slice %arg9[%sub3A_491, %dma_wait3A_492] : memref<16x128xi32, #tpu.memory_space<vmem>> -> memref<1x128xi32, #tpu.memory_space<vmem>>
      %dma_wait3A_494 = tpu.memref_squeeze %dma_wait3A_493 : memref<1x128xi32, #tpu.memory_space<vmem>> -> memref<128xi32, #tpu.memory_space<vmem>>
      %dma_wait3A_495 = arith.constant 0 : i32
      %dma_wait3A_496 = arith.constant 0 : i32
      %dma_wait3A_497 = tpu.memref_slice %arg13[%dma_wait3A_495, %dma_wait3A_496] : memref<10112x128xf32, #tpu.memory_space<vmem_shared>> -> memref<10112x128xf32, #tpu.memory_space<vmem_shared>>
      tpu.wait_indirect_dma semaphore(%arg15 : memref<!tpu.dma_semaphore, #tpu.memory_space<semaphore_mem>>) src(%arg12 : memref<128x128xf32, #tpu.memory_space<vmem>>) dst(%dma_wait3A_497 : memref<10112x128xf32, #tpu.memory_space<vmem_shared>>)
      %add3A_498 = arith.constant 1 : i32
      %add3A_499 = arith.addi %add3A_489, %add3A_498 : i32
      %dma_start3A_500 = arith.constant 0 : i32
      %dma_start3A_501 = tpu.memref_slice %arg7[%add3A_499, %dma_start3A_500] : memref<16x128xi32, #tpu.memory_space<vmem>> -> memref<1x128xi32, #tpu.memory_space<vmem>>
      %dma_start3A_502 = tpu.memref_squeeze %dma_start3A_501 : memref<1x128xi32, #tpu.memory_space<vmem>> -> memref<128xi32, #tpu.memory_space<vmem>>
      %dma_start3A_503 = arith.constant 0 : i32
      %dma_start3A_504 = arith.constant 0 : i32
      %dma_start3A_505 = tpu.memref_slice %arg2[%dma_start3A_503, %dma_start3A_504] : memref<10000x128xf32, #tpu.memory_space<hbm>> -> memref<10000x128xf32, #tpu.memory_space<hbm>>
      tpu.enqueue_indirect_dma source(%dma_start3A_505 : memref<10000x128xf32, #tpu.memory_space<hbm>>) target(%arg12 : memref<128x128xf32, #tpu.memory_space<vmem>>) offsets(%dma_start3A_502 : memref<128xi32, #tpu.memory_space<vmem>>) semaphore(%arg14 : memref<!tpu.dma_semaphore, #tpu.memory_space<semaphore_mem>>)
      %dma_wait3A_506 = arith.constant 0 : i32
      %dma_wait3A_507 = tpu.memref_slice %arg7[%add3A_489, %dma_wait3A_506] : memref<16x128xi32, #tpu.memory_space<vmem>> -> memref<1x128xi32, #tpu.memory_space<vmem>>
      %dma_wait3A_508 = tpu.memref_squeeze %dma_wait3A_507 : memref<1x128xi32, #tpu.memory_space<vmem>> -> memref<128xi32, #tpu.memory_space<vmem>>
      %dma_wait3A_509 = arith.constant 0 : i32
      %dma_wait3A_510 = arith.constant 0 : i32
      %dma_wait3A_511 = tpu.memref_slice %arg2[%dma_wait3A_509, %dma_wait3A_510] : memref<10000x128xf32, #tpu.memory_space<hbm>> -> memref<10000x128xf32, #tpu.memory_space<hbm>>
      tpu.wait_indirect_dma semaphore(%arg14 : memref<!tpu.dma_semaphore, #tpu.memory_space<semaphore_mem>>) src(%dma_wait3A_511 : memref<10000x128xf32, #tpu.memory_space<hbm>>) dst(%arg11 : memref<128x128xf32, #tpu.memory_space<vmem>>)
      %dma_start3A_512 = arith.constant 0 : i32
      %dma_start3A_513 = tpu.memref_slice %arg9[%add3A_489, %dma_start3A_512] : memref<16x128xi32, #tpu.memory_space<vmem>> -> memref<1x128xi32, #tpu.memory_space<vmem>>
      %dma_start3A_514 = tpu.memref_squeeze %dma_start3A_513 : memref<1x128xi32, #tpu.memory_space<vmem>> -> memref<128xi32, #tpu.memory_space<vmem>>
      %dma_start3A_515 = arith.constant 0 : i32
      %dma_start3A_516 = arith.constant 0 : i32
      %dma_start3A_517 = tpu.memref_slice %arg13[%dma_start3A_515, %dma_start3A_516] : memref<10112x128xf32, #tpu.memory_space<vmem_shared>> -> memref<10112x128xf32, #tpu.memory_space<vmem_shared>>
      tpu.enqueue_indirect_dma source(%arg11 : memref<128x128xf32, #tpu.memory_space<vmem>>) target(%dma_start3A_517 : memref<10112x128xf32, #tpu.memory_space<vmem_shared>>) offsets(%dma_start3A_514 : memref<128xi32, #tpu.memory_space<vmem>>) semaphore(%arg15 : memref<!tpu.dma_semaphore, #tpu.memory_space<semaphore_mem>>) {add = true}
    }
    %scan3A_426 = arith.constant 7 : i32
    %dma_wait3A_427 = arith.constant 14 : i32
    %dma_wait3A_428 = arith.constant 0 : i32
    %dma_wait3A_429 = tpu.memref_slice %arg9[%dma_wait3A_427, %dma_wait3A_428] : memref<16x128xi32, #tpu.memory_space<vmem>> -> memref<1x128xi32, #tpu.memory_space<vmem>>
    %dma_wait3A_430 = tpu.memref_squeeze %dma_wait3A_429 : memref<1x128xi32, #tpu.memory_space<vmem>> -> memref<128xi32, #tpu.memory_space<vmem>>
    %dma_wait3A_431 = arith.constant 0 : i32
    %dma_wait3A_432 = arith.constant 0 : i32
    %dma_wait3A_433 = tpu.memref_slice %arg13[%dma_wait3A_431, %dma_wait3A_432] : memref<10112x128xf32, #tpu.memory_space<vmem_shared>> -> memref<10112x128xf32, #tpu.memory_space<vmem_shared>>
    tpu.wait_indirect_dma semaphore(%arg15 : memref<!tpu.dma_semaphore, #tpu.memory_space<semaphore_mem>>) src(%arg11 : memref<128x128xf32, #tpu.memory_space<vmem>>) dst(%dma_wait3A_433 : memref<10112x128xf32, #tpu.memory_space<vmem_shared>>)
    %dma_wait3A_434 = arith.constant 15 : i32
    %dma_wait3A_435 = arith.constant 0 : i32
    %dma_wait3A_436 = tpu.memref_slice %arg7[%dma_wait3A_434, %dma_wait3A_435] : memref<16x128xi32, #tpu.memory_space<vmem>> -> memref<1x128xi32, #tpu.memory_space<vmem>>
    %dma_wait3A_437 = tpu.memref_squeeze %dma_wait3A_436 : memref<1x128xi32, #tpu.memory_space<vmem>> -> memref<128xi32, #tpu.memory_space<vmem>>
    %dma_wait3A_438 = arith.constant 0 : i32
    %dma_wait3A_439 = arith.constant 0 : i32
    %dma_wait3A_440 = tpu.memref_slice %arg2[%dma_wait3A_438, %dma_wait3A_439] : memref<10000x128xf32, #tpu.memory_space<hbm>> -> memref<10000x128xf32, #tpu.memory_space<hbm>>
    tpu.wait_indirect_dma semaphore(%arg14 : memref<!tpu.dma_semaphore, #tpu.memory_space<semaphore_mem>>) src(%dma_wait3A_440 : memref<10000x128xf32, #tpu.memory_space<hbm>>) dst(%arg12 : memref<128x128xf32, #tpu.memory_space<vmem>>)
    %dma_start3A_441 = arith.constant 15 : i32
    %dma_start3A_442 = arith.constant 0 : i32
    %dma_start3A_443 = tpu.memref_slice %arg9[%dma_start3A_441, %dma_start3A_442] : memref<16x128xi32, #tpu.memory_space<vmem>> -> memref<1x128xi32, #tpu.memory_space<vmem>>
    %dma_start3A_444 = tpu.memref_squeeze %dma_start3A_443 : memref<1x128xi32, #tpu.memory_space<vmem>> -> memref<128xi32, #tpu.memory_space<vmem>>
    %dma_start3A_445 = arith.constant 0 : i32
    %dma_start3A_446 = arith.constant 0 : i32
    %dma_start3A_447 = tpu.memref_slice %arg13[%dma_start3A_445, %dma_start3A_446] : memref<10112x128xf32, #tpu.memory_space<vmem_shared>> -> memref<10112x128xf32, #tpu.memory_space<vmem_shared>>
    tpu.enqueue_indirect_dma source(%arg12 : memref<128x128xf32, #tpu.memory_space<vmem>>) target(%dma_start3A_447 : memref<10112x128xf32, #tpu.memory_space<vmem_shared>>) offsets(%dma_start3A_444 : memref<128xi32, #tpu.memory_space<vmem>>) semaphore(%arg15 : memref<!tpu.dma_semaphore, #tpu.memory_space<semaphore_mem>>) {add = true}
    %dma_wait3A_448 = arith.constant 15 : i32
    %dma_wait3A_449 = arith.constant 0 : i32
    %dma_wait3A_450 = tpu.memref_slice %arg9[%dma_wait3A_448, %dma_wait3A_449] : memref<16x128xi32, #tpu.memory_space<vmem>> -> memref<1x128xi32, #tpu.memory_space<vmem>>
    %dma_wait3A_451 = tpu.memref_squeeze %dma_wait3A_450 : memref<1x128xi32, #tpu.memory_space<vmem>> -> memref<128xi32, #tpu.memory_space<vmem>>
    %dma_wait3A_452 = arith.constant 0 : i32
    %dma_wait3A_453 = arith.constant 0 : i32
    %dma_wait3A_454 = tpu.memref_slice %arg13[%dma_wait3A_452, %dma_wait3A_453] : memref<10112x128xf32, #tpu.memory_space<vmem_shared>> -> memref<10112x128xf32, #tpu.memory_space<vmem_shared>>
    tpu.wait_indirect_dma semaphore(%arg15 : memref<!tpu.dma_semaphore, #tpu.memory_space<semaphore_mem>>) src(%arg12 : memref<128x128xf32, #tpu.memory_space<vmem>>) dst(%dma_wait3A_454 : memref<10112x128xf32, #tpu.memory_space<vmem_shared>>)
    %barrier3A_455 = arith.constant 0 : index
    tpu.barrier barrier_id(%barrier3A_455)
    "tpu.region"() ({
      %run_scoped3A_456 = tpu.sem_alloc : memref<!tpu.dma_semaphore, #tpu.memory_space<semaphore_mem>>
      %dma_start3A_457 = arith.constant 0 : i32
      %dma_start3A_458 = tpu.memref_slice %arg6[%arg0, %mul3A_2, %dma_start3A_457] : memref<2x10112x128xf32, #tpu.memory_space<hbm>> -> memref<1x632x128xf32, #tpu.memory_space<hbm>>
      %dma_start3A_459 = tpu.memref_squeeze %dma_start3A_458 : memref<1x632x128xf32, #tpu.memory_space<hbm>> -> memref<632x128xf32, #tpu.memory_space<hbm>>
      %dma_start3A_460 = arith.constant 0 : i32
      %dma_start3A_461 = tpu.memref_slice %arg13[%mul3A_2, %dma_start3A_460] : memref<10112x128xf32, #tpu.memory_space<vmem_shared>> -> memref<632x128xf32, #tpu.memory_space<vmem_shared>>
      tpu.enqueue_dma source(%dma_start3A_461 : memref<632x128xf32, #tpu.memory_space<vmem_shared>>) target(%dma_start3A_459 : memref<632x128xf32, #tpu.memory_space<hbm>>) target_semaphore(%run_scoped3A_456 : memref<!tpu.dma_semaphore, #tpu.memory_space<semaphore_mem>>)
      %dma_wait3A_462 = arith.constant 0 : i32
      %dma_wait3A_463 = tpu.memref_slice %arg6[%arg0, %mul3A_2, %dma_wait3A_462] : memref<2x10112x128xf32, #tpu.memory_space<hbm>> -> memref<1x632x128xf32, #tpu.memory_space<hbm>>
      %dma_wait3A_464 = tpu.memref_squeeze %dma_wait3A_463 : memref<1x632x128xf32, #tpu.memory_space<hbm>> -> memref<632x128xf32, #tpu.memory_space<hbm>>
      %dma_wait3A_465 = arith.constant 0 : i32
      %dma_wait3A_466 = tpu.memref_slice %arg13[%mul3A_2, %dma_wait3A_465] : memref<10112x128xf32, #tpu.memory_space<vmem_shared>> -> memref<632x128xf32, #tpu.memory_space<vmem_shared>>
      tpu.wait_dma2 semaphore(%run_scoped3A_456 : memref<!tpu.dma_semaphore, #tpu.memory_space<semaphore_mem>>) src(%dma_wait3A_466 : memref<632x128xf32, #tpu.memory_space<vmem_shared>>) dst(%dma_wait3A_464 : memref<632x128xf32, #tpu.memory_space<hbm>>)
      tpu.yield
    }) : () -> ()
    return
  }
}

module attributes {stable_mosaic.version = 14 : i64} {
  func.func @_mlp_body(%arg0: i32, %arg1: memref<400x128xf32, #tpu.memory_space<vmem>>, %arg2: memref<400x128xf32, #tpu.memory_space<vmem>>, %arg3: memref<400x128xf32, #tpu.memory_space<vmem>>, %arg4: memref<128x128xf32, #tpu.memory_space<vmem>>, %arg5: memref<1x128xf32, #tpu.memory_space<vmem>>, %arg6: memref<128x128xf32, #tpu.memory_space<vmem>>, %arg7: memref<1x128xf32, #tpu.memory_space<vmem>>, %arg8: memref<400x128xf32, #tpu.memory_space<vmem>>) attributes {dimension_semantics = [#tpu.dimension_semantics<arbitrary>], iteration_bounds = array<i64: 25>, scalar_prefetch = 0 : i64, scratch_operands = 0 : i64, tpu.core_type = #tpu.core_type<tc>, window_params = [{transform_indices = @transform_0, window_bounds = array<i64: 400, 128>}, {transform_indices = @transform_1, window_bounds = array<i64: 400, 128>}, {transform_indices = @transform_2, window_bounds = array<i64: 400, 128>}, {pipeline_mode = #tpu.pipeline_mode<synchronous>, transform_indices = @transform_3, window_bounds = array<i64: 128, 128>}, {pipeline_mode = #tpu.pipeline_mode<synchronous>, transform_indices = @transform_4, window_bounds = array<i64: 1, 128>}, {pipeline_mode = #tpu.pipeline_mode<synchronous>, transform_indices = @transform_5, window_bounds = array<i64: 128, 128>}, {pipeline_mode = #tpu.pipeline_mode<synchronous>, transform_indices = @transform_6, window_bounds = array<i64: 1, 128>}, {transform_indices = @transform_7, window_bounds = array<i64: 400, 128>}]} {
    %get3A = arith.constant 0 : index
    %get3A_0 = arith.constant 0 : index
    %get3A_1 = vector.load %arg1[%get3A, %get3A_0] : memref<400x128xf32, #tpu.memory_space<vmem>>, vector<400x128xf32>
    %get3A_2 = arith.constant 0 : index
    %get3A_3 = arith.constant 0 : index
    %get3A_4 = vector.load %arg2[%get3A_2, %get3A_3] : memref<400x128xf32, #tpu.memory_space<vmem>>, vector<400x128xf32>
    %add3A = arith.addf %get3A_1, %get3A_4 : vector<400x128xf32>
    %get3A_5 = arith.constant 0 : index
    %get3A_6 = arith.constant 0 : index
    %get3A_7 = vector.load %arg3[%get3A_5, %get3A_6] : memref<400x128xf32, #tpu.memory_space<vmem>>, vector<400x128xf32>
    %add3A_8 = arith.addf %add3A, %get3A_7 : vector<400x128xf32>
    %get3A_9 = arith.constant 0 : index
    %get3A_10 = arith.constant 0 : index
    %get3A_11 = vector.load %arg4[%get3A_9, %get3A_10] : memref<128x128xf32, #tpu.memory_space<vmem>>, vector<128x128xf32>
    %dot_general3A = arith.constant dense<0.000000e+00> : vector<400x128xf32>
    %dot_general3A_12 = tpu.matmul %add3A_8, %get3A_11, %dot_general3A {dimension_numbers = #tpu.dot_dimension_numbers<[1], [0], [0], [1], [0, 0, 1, 1], [], []>, transpose_lhs_hint = false} : vector<400x128xf32>, vector<128x128xf32>, vector<400x128xf32> -> vector<400x128xf32>
    %get3A_13 = arith.constant 0 : index
    %get3A_14 = arith.constant 0 : index
    %get3A_15 = vector.load %arg5[%get3A_13, %get3A_14] : memref<1x128xf32, #tpu.memory_space<vmem>>, vector<1x128xf32>
    %add3A_16 = vector.broadcast %get3A_15 : vector<1x128xf32> to vector<400x128xf32>
    %add3A_17 = arith.addf %dot_general3A_12, %add3A_16 : vector<400x128xf32>
    %max3A = arith.constant 0.000000e+00 : f32
    %max3A_18 = vector.broadcast %max3A : f32 to vector<400x128xf32>
    %max3A_19 = arith.maximumf %add3A_17, %max3A_18 : vector<400x128xf32>
    %get3A_20 = arith.constant 0 : index
    %get3A_21 = arith.constant 0 : index
    %get3A_22 = vector.load %arg6[%get3A_20, %get3A_21] : memref<128x128xf32, #tpu.memory_space<vmem>>, vector<128x128xf32>
    %dot_general3A_23 = arith.constant dense<0.000000e+00> : vector<400x128xf32>
    %dot_general3A_24 = tpu.matmul %max3A_19, %get3A_22, %dot_general3A_23 {dimension_numbers = #tpu.dot_dimension_numbers<[1], [0], [0], [1], [0, 0, 1, 1], [], []>, transpose_lhs_hint = false} : vector<400x128xf32>, vector<128x128xf32>, vector<400x128xf32> -> vector<400x128xf32>
    %get3A_25 = arith.constant 0 : index
    %get3A_26 = arith.constant 0 : index
    %get3A_27 = vector.load %arg7[%get3A_25, %get3A_26] : memref<1x128xf32, #tpu.memory_space<vmem>>, vector<1x128xf32>
    %add3A_28 = vector.broadcast %get3A_27 : vector<1x128xf32> to vector<400x128xf32>
    %add3A_29 = arith.addf %dot_general3A_24, %add3A_28 : vector<400x128xf32>
    %swap3A = arith.constant 0 : index
    %swap3A_30 = arith.constant 0 : index
    %swap3A_31 = vector.load %arg8[%swap3A, %swap3A_30] : memref<400x128xf32, #tpu.memory_space<vmem>>, vector<400x128xf32>
    tpu.vector_store %arg8[%swap3A, %swap3A_30], %add3A_29 {strides = array<i32>} : memref<400x128xf32, #tpu.memory_space<vmem>>, vector<400x128xf32>,
    return
  }
  func.func @transform_0(%arg0: i32) -> (i32, i32) {
    %c0_i32 = arith.constant 0 : i32
    %c0_i32_0 = arith.constant 0 : i32
    return %arg0, %c0_i32 : i32, i32
  }
  func.func @transform_1(%arg0: i32) -> (i32, i32) {
    %c0_i32 = arith.constant 0 : i32
    %c0_i32_0 = arith.constant 0 : i32
    return %arg0, %c0_i32 : i32, i32
  }
  func.func @transform_2(%arg0: i32) -> (i32, i32) {
    %c0_i32 = arith.constant 0 : i32
    %c0_i32_0 = arith.constant 0 : i32
    return %arg0, %c0_i32 : i32, i32
  }
  func.func @transform_3(%arg0: i32) -> (i32, i32) {
    %c0_i32 = arith.constant 0 : i32
    %c0_i32_0 = arith.constant 0 : i32
    %c0_i32_1 = arith.constant 0 : i32
    return %c0_i32, %c0_i32_0 : i32, i32
  }
  func.func @transform_4(%arg0: i32) -> (i32, i32) {
    %c0_i32 = arith.constant 0 : i32
    %c0_i32_0 = arith.constant 0 : i32
    %c0_i32_1 = arith.constant 0 : i32
    return %c0_i32, %c0_i32_0 : i32, i32
  }
  func.func @transform_5(%arg0: i32) -> (i32, i32) {
    %c0_i32 = arith.constant 0 : i32
    %c0_i32_0 = arith.constant 0 : i32
    %c0_i32_1 = arith.constant 0 : i32
    return %c0_i32, %c0_i32_0 : i32, i32
  }
  func.func @transform_6(%arg0: i32) -> (i32, i32) {
    %c0_i32 = arith.constant 0 : i32
    %c0_i32_0 = arith.constant 0 : i32
    %c0_i32_1 = arith.constant 0 : i32
    return %c0_i32, %c0_i32_0 : i32, i32
  }
  func.func @transform_7(%arg0: i32) -> (i32, i32) {
    %c0_i32 = arith.constant 0 : i32
    %c0_i32_0 = arith.constant 0 : i32
    return %arg0, %c0_i32 : i32, i32
  }
}

</mosaic_0001>

<sc_bundles>
// kernel: kernel.4.cloned.1.call-start
scs
__scs_entry_jumppad:
0x0: {  	(pc) =	sbr.rel $0x88, $3  }
0x1: {  	(tag) =	ssettag $0x0;
	lr =	simm.s32 $0x1  }
0x2: {  	[smem:$0x3F9B] =	sst lr;
	_ =	strace $0xD0000000  }
0x3: {  	_ = 	snop  }
0x4: {  	_ = 	snop  }
0x5: {  	_ = 	snop  }
0x6: {  	_ = 	snop  }
0x7: {  	_ = 	snop  }
__scs_overlays_trampoline_lowered:
0x8: {  	[smem:$0x3FAA] =	sst s0  }
0x9: {  	[smem:$0x3FAB] =	sst s1  }
0xa: {  	[smem:$0x3FAC] =	sst s2  }
0xb: {  	[smem:$0x3FAD] =	sst s3  }
0xc: {  	[smem:$0x3FAE] =	sst s4  }
0xd: {  	[smem:$0x3FAF] =	sst s5  }
0xe: {  	[smem:$0x3FB0] =	sst s6  }
0xf: {  	[smem:$0x3FB1] =	sst s7  }
0x10: {  	[smem:$0x3FB2] =	sst s8  }
0x11: {  	[smem:$0x3FB3] =	sst s9;
	s0 =	simm.s32 @!p0 $0x0  }
0x12: {  	s1 =	sld [smem:$0x3F99];
	s0 =	simm.s32 @p0 $0x1  }
0x13: {  	[smem:$0x3FB4] =	sst s0;
	s0 =	simm.s32 @!p1 $0x0  }
0x14: {  	s2 =	sld [smem:$0x3F98];
	s0 =	simm.s32 @p1 $0x1  }
0x15: {  	[smem:$0x3FB5] =	sst s0;
	s0 =	simm.s32 @!p2 $0x0  }
0x16: {  	s3 =	sld [smem:$0x3FDB];
	s0 =	simm.s32 @p2 $0x1  }
0x17: {  	s4 =	simm.s32 $0x1BF5;
	[smem:$0x3FB7] =	sst s0  }
0x18: {  	s0 =	sld [smem:$0x3F9A];
	_ =	swait.ge [sflag:s4], $0x0  }
0x19: {  	s7 =	sld [smem:$0x3F9B]  }
0x1a: {  	s8 =	sadd.s32 $0xFFFFE003, lr  }
0x1b: {  	s9 =	sadd.s32 $0xFFFFFEF7, lr;
	s5 =	simm.s32 $0xFFFFFFFF;
	p2 =	slt.u32 s8, $0xFFFFF086  }
0x1c: {  	p1 =	slt.u32 s9, $0xF7A;
	s5 =	simm.s32 @!p2 $0x0  }
0x1d: {  	s5 =	simm.s32 @p1 $0x1;
	p0 =	seq.s32 s7, s2  }
0x1e: {  	s7 =	smul.u32 @!p0 $0xF7A, s2;
	p2 =	seq.s32 @!p0 s5, $0x0  }
0x1f: {  	s9 =	smul.u32 $0xF7A, s1;
	s8 =	simm.s32 @!p0 $0x1BF5;
	p2 =	por !p2, p0  }
0x20: {  	[sflag:s8] =	ssyncset.s32 @!p0 $0xFFFFF086;
	s6 =	sadd.s32 @!p0 s3, s7;
	s7 =	simm.s32 @!p0 $0x108  }
0x21: {  	s3 =	sadd.s32 s3, s9;
	s6 =	sadd.s32 @!p0 $0x88, s6;
	s7 =	simm.s32 @p2 $0x1082  }
0x22: {  	[simem:s7], [sflag:s8] =	dma.local @!p0 [hbm:s6], $0xF7A  }
0x23: {  	s9 =	sor.u32 $0xD0000000, s2;
	s6 =	simm.s32 $0x108;
	_ =	swait.ge @!p0 [sflag:s8], $0x0  }
0x24: {  	s3 =	sadd.s32 $0x88, s3;
	s6 =	simm.s32 @!p1 $0x1082;
	[sflag:s4] =	ssyncset.s32 $0xFFFFF086  }
0x25: {  	[simem:s6], [sflag:s4] =	dma.local [hbm:s3], $0xF7A  }
0x26: {  	[smem:$0x3F9B] =	sst s1;
	(tag) =	ssettag s2;
	_ =	strace s9  }
0x27: {  	s1 =	sld [smem:$0x3FAB]  }
0x28: {  	s2 =	sld [smem:$0x3FAC]  }
0x29: {  	s4 =	sld [smem:$0x3FAE]  }
0x2a: {  	p0 =	seq.s32 s5, $0x0;
	s5 =	sld [smem:$0x3FAF]  }
0x2b: {  	s6 =	sld [smem:$0x3FB0]  }
0x2c: {  	s7 =	sld [smem:$0x3FB1]  }
0x2d: {  	s3 =	simm.s32 $0x108;
	s8 =	sld [smem:$0x3FB2]  }
0x2e: {  	s3 =	simm.s32 @!p0 $0x1082;
	s9 =	sld [smem:$0x3FB3]  }
0x2f: {  	lr =	sadd.s32 s0, s3;
	s0 =	sld [smem:$0x3FAA]  }
0x30: {  	s3 =	sld [smem:$0x3FAD]  }
0x31: {  	[smem:$0x3FB6] =	sst s10  }
0x32: {  	s10 =	sld [smem:$0x3FB4];
	_ =	sdelay $0x3  }
0x33: {  	p0 =	seq.s32 s10, $0x1;
	s10 =	sld [smem:$0x3FB6];
	_ =	sdelay $0x3  }
0x34: {  	[smem:$0x3FB6] =	sst s10  }
0x35: {  	s10 =	sld [smem:$0x3FB5];
	_ =	sdelay $0x3  }
0x36: {  	p1 =	seq.s32 s10, $0x1;
	s10 =	sld [smem:$0x3FB6];
	_ =	sdelay $0x3  }
0x37: {  	[smem:$0x3FB6] =	sst s10  }
0x38: {  	s10 =	sld [smem:$0x3FB7]  }
0x39: {  	_ = 	snop;
	(pc) =	sbr.ind lr, $3  }
0x3a: {  	_ = 	snop  }
0x3b: {  	_ = 	snop  }
0x3c: {  	p2 =	seq.s32 s10, $0x1;
	s10 =	sld [smem:$0x3FB6]  }
0x3d: {  	_ =	shalt  }
0x3e: {  	_ =	shalt  }
0x3f: {  	_ =	shalt  }
0x40: {  	_ =	shalt  }
0x41: {  	_ =	shalt  }
0x42: {  	_ =	shalt  }
0x43: {  	_ =	shalt  }
0x44: {  	_ =	shalt  }
0x45: {  	_ =	shalt  }
0x46: {  	_ =	shalt  }
0x47: {  	_ =	shalt  }
0x48: {  	_ =	shalt  }
0x49: {  	_ =	shalt  }
0x4a: {  	_ =	shalt  }
0x4b: {  	_ =	shalt  }
0x4c: {  	_ =	shalt  }
0x4d: {  	_ =	shalt  }
0x4e: {  	_ =	shalt  }
0x4f: {  	_ =	shalt  }
0x50: {  	_ =	shalt  }
0x51: {  	_ =	shalt  }
0x52: {  	_ =	shalt  }
0x53: {  	_ =	shalt  }
0x54: {  	_ =	shalt  }
0x55: {  	_ =	shalt  }
0x56: {  	_ =	shalt  }
0x57: {  	_ =	shalt  }
0x58: {  	_ =	shalt  }
0x59: {  	_ =	shalt  }
0x5a: {  	_ =	shalt  }
0x5b: {  	_ =	shalt  }
0x5c: {  	_ =	shalt  }
0x5d: {  	_ =	shalt  }
0x5e: {  	_ =	shalt  }
0x5f: {  	_ =	shalt  }
0x60: {  	_ =	shalt  }
0x61: {  	_ =	shalt  }
0x62: {  	_ =	shalt  }
0x63: {  	_ =	shalt  }
0x64: {  	_ =	shalt  }
0x65: {  	_ =	shalt  }
0x66: {  	_ =	shalt  }
0x67: {  	_ =	shalt  }
0x68: {  	_ =	shalt  }
0x69: {  	_ =	shalt  }
0x6a: {  	_ =	shalt  }
0x6b: {  	_ =	shalt  }
0x6c: {  	_ =	shalt  }
0x6d: {  	_ =	shalt  }
0x6e: {  	_ =	shalt  }
0x6f: {  	_ =	shalt  }
0x70: {  	_ =	shalt  }
0x71: {  	_ =	shalt  }
0x72: {  	_ =	shalt  }
0x73: {  	_ =	shalt  }
0x74: {  	_ =	shalt  }
0x75: {  	_ =	shalt  }
0x76: {  	_ =	shalt  }
0x77: {  	_ =	shalt  }
0x78: {  	_ =	shalt  }
0x79: {  	_ =	shalt  }
0x7a: {  	_ =	shalt  }
0x7b: {  	_ =	shalt  }
0x7c: {  	_ =	shalt  }
0x7d: {  	_ =	shalt  }
0x7e: {  	_ =	shalt  }
0x7f: {  	_ =	shalt  }
0x80: {  	_ =	shalt  }
0x81: {  	_ =	shalt  }
0x82: {  	_ =	shalt  }
0x83: {  	_ =	shalt  }
0x84: {  	_ =	shalt  }
0x85: {  	_ =	shalt  }
0x86: {  	_ =	shalt  }
0x87: {  	_ =	shalt  }
.Lfunc_end0:
.L_simem_size_0:
called_computation_lowered:
.L_overlay_start_0:
0x88: {  	s2 =	sld [smem:$0x3FD9]  }
0x89: {  	s3 =	sld [smem:$0x3FFE];
	_ =	sdelay $0x1  }
0x8a: {  	s1 =	srdreg.scid  }
0x8b: {  	s0 =	sand.u32 $0x1, s1  }
0x8c: {  	s17 =	sshll.u32 s0, $0xA;
	s2 =	sadd.s32 s3, s2  }
0x8d: {  	s2 =	sadd.s32 s2, s17  }
0x8e: {  	[smem:$0x3FC2] =	sst s2  }
0x8f: {  	_ = 	snop  }
0x90: {  	s2 =	sld [smem:$0x3FC9]  }
0x91: {  	s18 =	sld [smem:$0x3FD0];
	(tm) =	ssettm $0x1  }
0x92: {  	s4 =	sld [smem:$0x3FFB];
	_ =	sdelay $0x3  }
0x93: {  	_ =	strace s4  }
0x94: {  	s4 =	sld [smem:$0x3FFC];
	_ =	sdelay $0x3  }
0x95: {  	_ =	strace s4  }
0x96: {  	s4 =	sld [smem:$0x3FFD];
	_ =	sdelay $0x3  }
0x97: {  	_ =	strace s4  }
0x98: {  	_ =	strace $0x8FFFFFFF  }
0x99: {  	s19 =	sld [smem:$0x3FDB];
	_ =	sdelay $0x1  }
0x9a: {  	s5 =	simm.s32 $_scs_section_size  }
0x9b: {  	s6 =	simm.s32 $_size__tile_overlayer_lowered;
	s7 =	simm.s32 $_tile_overlayer_lowered  }
0x9c: {  	s22 =	simm.s32 $0x1BFF;
	s21 =	sshll.u32 s7, $0x1;
	s4 =	sadd.s32 s5, s19  }
0x9d: {  	s8 =	simm.s32 $0x0;
	s20 =	sshll.u32 s6, $0x1;
	s6 =	sadd.s32 s21, s4  }
0x9e: {  	[timem:s8], [sflag:s22] =	dma.local [hbm:s6], s20  }
0x9f: {  	_ =	swait.ge [sflag:s22], s20  }
0xa0: {  	s5 =	ssub.s32 $0x0, s20;
	[sflag:s22] =	ssyncset.done $0x0  }
0xa1: {  	[sflag:s22] =	ssyncadd.s32 s5;
	_ =	sdelay $0x1  }
0xa2: {  	s23 =	simm.s32 $0x1B8B  }
0xa3: {  	_ =	swait.ge [sflag:s23], $0x1  }
0xa4: {  	[sflag:s23] =	ssyncset.done $0x0  }
0xa5: {  	s25 =	simm.s32 $0x1B8E;
	s24 =	sld [smem:$0x3FFE];
	[sflag:s23] =	ssyncadd.s32 $0xFFFFFFFF  }
0xa6: {  	s26 =	simm.s32 $execute0_lowered;
	[smem:$0x3FD2] =	sst s25  }
0xa7: {  	s6 =	sshll.u32 s26, $0x1;
	_ =	strace $0x80000046;
	[dreg:$0x1] =	wrdreg $0xFFFFFFFF  }
0xa8: {  	s28 =	simm.s32 $_size_execute0_lowered;
	s4 =	sadd.s32 s4, s6;
	[dreg:$0x0] =	wrdreg $0x0  }
0xa9: {  	s6 =	sshll.u32 s28, $0x1;
	[dreg:$0x2] =	wrdreg s4  }
0xaa: {  	[dreg:$0x3] =	wrdreg s6  }
0xab: {  	[dreg:$0x4] =	wrdreg $0xC0  }
0xac: {  	_ =	task [dreg:s8], $0x5FFFF  }
0xad: {  	[dreg:$0x1] =	wrdreg $0xFFFFFFFF  }
0xae: {  	[dreg:$0x0] =	wrdreg $0x60  }
0xaf: {  	[dreg:$0x2] =	wrdreg s2  }
0xb0: {  	[dreg:$0x3] =	wrdreg s18  }
0xb1: {  	[dreg:$0x4] =	wrdreg s24  }
0xb2: {  	[dreg:$0x5] =	wrdreg $0xA0000  }
0xb3: {  	[dreg:$0x6] =	wrdreg $0x9  }
0xb4: {  	_ =	task.clear_ibuf [dreg:s8], $0x7FFFF;
	_ =	strace $0x90000046  }
0xb5: {  	s29 =	simm.s32 $0x9;
	_ =	strace $0x80000048  }
0xb6: {  	_ =	swait.ge [sflag:s29], $0x1  }
0xb7: {  	[sflag:s29] =	ssyncadd.s32 $0xFFFFFFFF  }
0xb8: {  	_ =	strace $0x90000048  }
0xb9: {  	_ =	sfence  }
0xba: {  	s30 =	sld [smem:$0x0];
	_ =	sdelay $0x2  }
0xbb: {  	s31 =	sshll.u32 s1, $0xD;
	s1 =	sshrl.u32 s1, $0x2  }
0xbc: {  	s3 =	sand.u32 $0x4000, s31;
	s1 =	sadd.s32 s1, s30  }
0xbd: {  	s0 =	sor.u32 s3, s0;
	s1 =	sshll.u32 s1, $0x11  }
0xbe: {  	s0 =	sor.u32 s1, s0  }
0xbf: {  	s0 =	sadd.s32 $0x8F2B, s0  }
0xc0: {  	[sflag:s0] =	ssyncadd.remote.s32 $0x1  }
0xc1: {  	_ =	sfence.sel $0xFFFF  }
0xc2: {  	[dreg:$0x0] =	wrdreg $0xFFFFFFFF;
	(pc) =	sbr.abs _section_cstart, $3  }
0xc3: {  	[dreg:$0x1] =	wrdreg $0xFFFFFFFF  }
0xc4: {  	_ =	task.clear_ibuf [dreg:s8], $0x2FFFF;
	_ =	strace $0x9FFFFFFF  }
0xc5: {  	(tm) =	ssettm $0x7FFFFFFF  }
tec
execute0_lowered:
.L_overlay_start_1:
0x0: {  	(tag) =	ssettag $0x1  }
0x1: {  	s1 =	rddreg [dreg:$0x0]  }
0x2: {  	s0 =	rddreg [dreg:$0x1]  }
0x3: {  	s2 =	rddreg [dreg:$0x2]  }
0x4: {  	s11 =	stileid.u32;
	s4 =	srdreg.scid  }
0x5: {  	s5 =	smul.u32 $0x13C00, s11;
	s9 =	sand.u32 $0x1, s4;
	s6 =	sshll.u32 s11, $0x1  }
0x6: {  	s3 =	rddreg [dreg:$0x3];
	s4 =	simm.s32 $0x0;
	s6 =	sor.u32 s9, s6  }
0x7: {  	s8 =	sadd.s32 $0xE00, s2;
	s7 =	sshrl.u32 s5, $0x3;
	s6 =	smul.u32 $0x2800, s6  }
0x8: {  	s28 =	smul.u32 $0x4F000, s11;
	[dreg:$0x13] =	wrdreg s9;
	s7 =	sadd.s32 s7, s2  }
0x9: {  	[smem:$0x7FF] =	sst s4;
	s7 =	sadd.s32 $0xAE00, s7;
	s6 =	sshrl.u32 s6, $0x3  }
0xa: {  	_ =	strace $0x80000047;
	[dreg:$0x5] =	wrdreg s7;
	s19 =	sadd.s32 s0, s6  }
0xb: {  	s15 =	sshll.u32 s11, $0x6;
	s20 =	sadd.s32 s8, s6;
	[dreg:$0x6] =	wrdreg s19  }
0xc: {  	s9 =	smul.u32 $0x13C000, s9;
	s10 =	sadd.s32 $0x100, s6;
	[dreg:$0x7] =	wrdreg s20  }
0xd: {  	s13 =	sshrl.u32 s28, $0x2;
	s21 =	sadd.s32 s0, s10;
	s16 =	rddreg [dreg:$0x5]  }
0xe: {  	s23 =	sadd.s32 $0x200, s6;
	s22 =	sadd.s32 s8, s10;
	[dreg:$0x8] =	wrdreg s21  }
0xf: {  	s28 =	sor.u32 $0x1C04, s15;
	s24 =	sadd.s32 s0, s23;
	[dreg:$0x9] =	wrdreg s22  }
0x10: {  	s26 =	sadd.s32 $0x300, s6;
	s25 =	sadd.s32 s8, s23;
	[dreg:$0xa] =	wrdreg s24  }
0x11: {  	s5 =	sadd.s32 s5, s9;
	s31 =	sadd.s32 s0, s26;
	[dreg:$0xb] =	wrdreg s25  }
0x12: {  	s6 =	sadd.s32 $0x400, s6;
	s12 =	sadd.s32 s8, s26;
	[dreg:$0xc] =	wrdreg s31  }
0x13: {  	s5 =	sshrl.u32 s5, $0x3;
	s0 =	sadd.s32 s0, s6;
	[dreg:$0xd] =	wrdreg s12  }
0x14: {  	s2 =	sadd.s32 s5, s2;
	s6 =	sadd.s32 s8, s6;
	[dreg:$0xe] =	wrdreg s0  }
0x15: {  	s14 =	sadd.s32 s13, s3;
	s17 =	sadd.s32 $0x32600, s2;
	[dreg:$0xf] =	wrdreg s6  }
0x16: {  	s7 =	sshrl.u32 s14, $0x3;
	[dreg:$0x10] =	wrdreg s17;
	s6 =	simm.s32 $0x4  }
0x17: {  	[spmem:s7], [sflag:s28] =	dma.local [hbm:s16], $0x2780  }
0x18: {  	_ =	swait.ge [sflag:s6], $0x2780  }
0x19: {  	[sflag:s6] =	ssyncset.done $0x0  }
0x1a: {  	[sflag:s6] =	ssyncadd.s32 $0xFFFFD880  }
0x1b: {  	[bflag:$0x0] =	sbarrier.arrive $0xFFFF  }
0x1c: {  	s18 =	rddreg [dreg:$0x6]  }
0x1d: {  	[tilespmem:s4], [sflag:$0x4] =	stream.linear.gather [hbm4b:s18+s4], $0x800, $0x38;
	[tilespmem:$0x1DC00] =	vst v63  }
0x1e: {  	_ =	swait.ge [sflag:s6], $0x800  }
0x1f: {  	[sflag:s6] =	ssyncset.done $0x0  }
0x20: {  	s10 =	simm.s32 $0x1000;
	s19 =	rddreg [dreg:$0x7];
	[sflag:s6] =	ssyncadd.s32 $0xFFFFF800  }
0x21: {  	[tilespmem:s10], [sflag:$0x4] =	stream.linear.gather [hbm4b:s19+s4], $0x800, $0x38;
	[tilespmem:$0x1DC00] =	vst v63  }
0x22: {  	_ =	swait.ge [sflag:s6], $0x800  }
0x23: {  	[sflag:s6] =	ssyncset.done $0x0  }
0x24: {  	s21 =	simm.s32 $0x800;
	s20 =	rddreg [dreg:$0x8];
	[sflag:s6] =	ssyncadd.s32 $0xFFFFF800  }
0x25: {  	[tilespmem:s21], [sflag:$0x3] =	stream.linear.gather [hbm4b:s20+s4], $0x800, $0x38;
	[tilespmem:$0x1DC00] =	vst v63  }
0x26: {  	s23 =	simm.s32 $0x1800;
	s22 =	rddreg [dreg:$0x9]  }
0x27: {  	[tilespmem:s23], [sflag:$0x3] =	stream.linear.gather [hbm4b:s22+s4], $0x800, $0x38;
	[tilespmem:$0x1DC00] =	vst v63  }
0x28: {  	s11 =	simm.s32 $0x80;
	s12 =	simm.s32 $0x2000  }
0x29: {  	[tilespmem:s12], [sflag:$0x1] =	stream.indirect.gather [hbm4b:s1+s11], $0x80, s4, s11, $0xb8;
	[tilespmem:$0x1DC00] =	vst v63  }
0x2a: {  	s13 =	simm.s32 $0x6000;
	s14 =	simm.s32 $0x1  }
0x2b: {  	[tilespmem:s13], [sflag:$0x1] =	stream.indirect.gather [hbm4b:s1+s11], $0x80, s11, s11, $0xb8;
	[tilespmem:$0x1DC00] =	vst v63  }
0x2c: {  	_ =	swait.ge [sflag:s14], $0x4000  }
0x2d: {  	[sflag:s14] =	ssyncset.done $0x0  }
0x2e: {  	s15 =	simm.s32 $0x2;
	[sflag:s14] =	ssyncadd.s32 $0xFFFFC000  }
0x2f: {  	[spmem:s3] =	stream.indirect.scatter.add.f32 [tilespmem:s12], [sflag:$0x2], $0x80, s10, s11, $0xb8;
	[tilespmem:$0x1DC00] =	vst v63  }
0x30: {  	_ =	swait.ge [sflag:s15], $0x4000  }
0x31: {  	[sflag:s15] =	ssyncset.done $0x0  }
0x32: {  	s24 =	simm.s32 $0x100;
	[sflag:s15] =	ssyncadd.s32 $0xFFFFC000  }
0x33: {  	[tilespmem:s12], [sflag:$0x1] =	stream.indirect.gather [hbm4b:s1+s11], $0x80, s24, s11, $0xb8;
	[tilespmem:$0x1DC00] =	vst v63  }
0x34: {  	_ =	swait.ge [sflag:s14], $0x4000  }
0x35: {  	[sflag:s14] =	ssyncset.done $0x0  }
0x36: {  	s25 =	simm.s32 $0x1080;
	[sflag:s14] =	ssyncadd.s32 $0xFFFFC000  }
0x37: {  	[spmem:s3] =	stream.indirect.scatter.add.f32 [tilespmem:s13], [sflag:$0x2], $0x80, s25, s11, $0xb8;
	[tilespmem:$0x1DC00] =	vst v63  }
0x38: {  	_ =	swait.ge [sflag:s15], $0x4000  }
0x39: {  	[sflag:s15] =	ssyncset.done $0x0  }
0x3a: {  	s26 =	simm.s32 $0x180;
	[sflag:s15] =	ssyncadd.s32 $0xFFFFC000  }
0x3b: {  	[tilespmem:s13], [sflag:$0x1] =	stream.indirect.gather [hbm4b:s1+s11], $0x80, s26, s11, $0xb8;
	[tilespmem:$0x1DC00] =	vst v63  }
0x3c: {  	_ =	swait.ge [sflag:s14], $0x4000  }
0x3d: {  	[sflag:s14] =	ssyncset.done $0x0  }
0x3e: {  	s31 =	simm.s32 $0x1100;
	[sflag:s14] =	ssyncadd.s32 $0xFFFFC000  }
0x3f: {  	[spmem:s3] =	stream.indirect.scatter.add.f32 [tilespmem:s12], [sflag:$0x2], $0x80, s31, s11, $0xb8;
	[tilespmem:$0x1DC00] =	vst v63  }
0x40: {  	_ =	swait.ge [sflag:s15], $0x4000  }
0x41: {  	[sflag:s15] =	ssyncset.done $0x0  }
0x42: {  	s2 =	simm.s32 $0x200;
	[sflag:s15] =	ssyncadd.s32 $0xFFFFC000  }
0x43: {  	[tilespmem:s12], [sflag:$0x1] =	stream.indirect.gather [hbm4b:s1+s11], $0x80, s2, s11, $0xb8;
	[tilespmem:$0x1DC00] =	vst v63  }
0x44: {  	_ =	swait.ge [sflag:s14], $0x4000  }
0x45: {  	[sflag:s14] =	ssyncset.done $0x0  }
0x46: {  	s5 =	simm.s32 $0x1180;
	[sflag:s14] =	ssyncadd.s32 $0xFFFFC000  }
0x47: {  	[spmem:s3] =	stream.indirect.scatter.add.f32 [tilespmem:s13], [sflag:$0x2], $0x80, s5, s11, $0xb8;
	[tilespmem:$0x1DC00] =	vst v63  }
0x48: {  	_ =	swait.ge [sflag:s15], $0x4000  }
0x49: {  	[sflag:s15] =	ssyncset.done $0x0  }
0x4a: {  	s8 =	simm.s32 $0x280;
	[sflag:s15] =	ssyncadd.s32 $0xFFFFC000  }
0x4b: {  	[tilespmem:s13], [sflag:$0x1] =	stream.indirect.gather [hbm4b:s1+s11], $0x80, s8, s11, $0xb8;
	[tilespmem:$0x1DC00] =	vst v63  }
0x4c: {  	_ =	swait.ge [sflag:s14], $0x4000  }
0x4d: {  	[sflag:s14] =	ssyncset.done $0x0  }
0x4e: {  	s9 =	simm.s32 $0x1200;
	[sflag:s14] =	ssyncadd.s32 $0xFFFFC000  }
0x4f: {  	[spmem:s3] =	stream.indirect.scatter.add.f32 [tilespmem:s12], [sflag:$0x2], $0x80, s9, s11, $0xb8;
	[tilespmem:$0x1DC00] =	vst v63  }
0x50: {  	_ =	swait.ge [sflag:s15], $0x4000  }
0x51: {  	[sflag:s15] =	ssyncset.done $0x0  }
0x52: {  	s16 =	simm.s32 $0x300;
	[sflag:s15] =	ssyncadd.s32 $0xFFFFC000  }
0x53: {  	[tilespmem:s12], [sflag:$0x1] =	stream.indirect.gather [hbm4b:s1+s11], $0x80, s16, s11, $0xb8;
	[tilespmem:$0x1DC00] =	vst v63  }
0x54: {  	_ =	swait.ge [sflag:s14], $0x4000  }
0x55: {  	[sflag:s14] =	ssyncset.done $0x0  }
0x56: {  	s17 =	simm.s32 $0x1280;
	[sflag:s14] =	ssyncadd.s32 $0xFFFFC000  }
0x57: {  	[spmem:s3] =	stream.indirect.scatter.add.f32 [tilespmem:s13], [sflag:$0x2], $0x80, s17, s11, $0xb8;
	[tilespmem:$0x1DC00] =	vst v63  }
0x58: {  	_ =	swait.ge [sflag:s15], $0x4000  }
0x59: {  	[sflag:s15] =	ssyncset.done $0x0  }
0x5a: {  	s18 =	simm.s32 $0x380;
	[sflag:s15] =	ssyncadd.s32 $0xFFFFC000  }
0x5b: {  	[tilespmem:s13], [sflag:$0x1] =	stream.indirect.gather [hbm4b:s1+s11], $0x80, s18, s11, $0xb8;
	[tilespmem:$0x1DC00] =	vst v63  }
0x5c: {  	_ =	swait.ge [sflag:s14], $0x4000  }
0x5d: {  	[sflag:s14] =	ssyncset.done $0x0  }
0x5e: {  	s19 =	simm.s32 $0x1300;
	[sflag:s14] =	ssyncadd.s32 $0xFFFFC000  }
0x5f: {  	[spmem:s3] =	stream.indirect.scatter.add.f32 [tilespmem:s12], [sflag:$0x2], $0x80, s19, s11, $0xb8;
	[tilespmem:$0x1DC00] =	vst v63  }
0x60: {  	_ =	swait.ge [sflag:s15], $0x4000  }
0x61: {  	[sflag:s15] =	ssyncset.done $0x0  }
0x62: {  	s20 =	simm.s32 $0x400;
	[sflag:s15] =	ssyncadd.s32 $0xFFFFC000  }
0x63: {  	[tilespmem:s12], [sflag:$0x1] =	stream.indirect.gather [hbm4b:s1+s11], $0x80, s20, s11, $0xb8;
	[tilespmem:$0x1DC00] =	vst v63  }
0x64: {  	_ =	swait.ge [sflag:s14], $0x4000  }
0x65: {  	[sflag:s14] =	ssyncset.done $0x0  }
0x66: {  	s21 =	simm.s32 $0x1380;
	[sflag:s14] =	ssyncadd.s32 $0xFFFFC000  }
0x67: {  	[spmem:s3] =	stream.indirect.scatter.add.f32 [tilespmem:s13], [sflag:$0x2], $0x80, s21, s11, $0xb8;
	[tilespmem:$0x1DC00] =	vst v63  }
0x68: {  	_ =	swait.ge [sflag:s15], $0x4000  }
0x69: {  	[sflag:s15] =	ssyncset.done $0x0  }
0x6a: {  	s22 =	simm.s32 $0x480;
	[sflag:s15] =	ssyncadd.s32 $0xFFFFC000  }
0x6b: {  	[tilespmem:s13], [sflag:$0x1] =	stream.indirect.gather [hbm4b:s1+s11], $0x80, s22, s11, $0xb8;
	[tilespmem:$0x1DC00] =	vst v63  }
0x6c: {  	_ =	swait.ge [sflag:s14], $0x4000  }
0x6d: {  	[sflag:s14] =	ssyncset.done $0x0  }
0x6e: {  	s23 =	simm.s32 $0x1400;
	[sflag:s14] =	ssyncadd.s32 $0xFFFFC000  }
0x6f: {  	[spmem:s3] =	stream.indirect.scatter.add.f32 [tilespmem:s12], [sflag:$0x2], $0x80, s23, s11, $0xb8;
	[tilespmem:$0x1DC00] =	vst v63  }
0x70: {  	_ =	swait.ge [sflag:s15], $0x4000  }
0x71: {  	[sflag:s15] =	ssyncset.done $0x0  }
0x72: {  	s24 =	simm.s32 $0x500;
	[sflag:s15] =	ssyncadd.s32 $0xFFFFC000  }
0x73: {  	[tilespmem:s12], [sflag:$0x1] =	stream.indirect.gather [hbm4b:s1+s11], $0x80, s24, s11, $0xb8;
	[tilespmem:$0x1DC00] =	vst v63  }
0x74: {  	_ =	swait.ge [sflag:s14], $0x4000  }
0x75: {  	[sflag:s14] =	ssyncset.done $0x0  }
0x76: {  	s25 =	simm.s32 $0x1480;
	[sflag:s14] =	ssyncadd.s32 $0xFFFFC000  }
0x77: {  	[spmem:s3] =	stream.indirect.scatter.add.f32 [tilespmem:s13], [sflag:$0x2], $0x80, s25, s11, $0xb8;
	[tilespmem:$0x1DC00] =	vst v63  }
0x78: {  	_ =	swait.ge [sflag:s15], $0x4000  }
0x79: {  	[sflag:s15] =	ssyncset.done $0x0  }
0x7a: {  	s26 =	simm.s32 $0x580;
	[sflag:s15] =	ssyncadd.s32 $0xFFFFC000  }
0x7b: {  	[tilespmem:s13], [sflag:$0x1] =	stream.indirect.gather [hbm4b:s1+s11], $0x80, s26, s11, $0xb8;
	[tilespmem:$0x1DC00] =	vst v63  }
0x7c: {  	_ =	swait.ge [sflag:s14], $0x4000  }
0x7d: {  	[sflag:s14] =	ssyncset.done $0x0  }
0x7e: {  	s31 =	simm.s32 $0x1500;
	[sflag:s14] =	ssyncadd.s32 $0xFFFFC000  }
0x7f: {  	[spmem:s3] =	stream.indirect.scatter.add.f32 [tilespmem:s12], [sflag:$0x2], $0x80, s31, s11, $0xb8;
	[tilespmem:$0x1DC00] =	vst v63  }
0x80: {  	_ =	swait.ge [sflag:s15], $0x4000  }
0x81: {  	[sflag:s15] =	ssyncset.done $0x0  }
0x82: {  	s2 =	simm.s32 $0x600;
	[sflag:s15] =	ssyncadd.s32 $0xFFFFC000  }
0x83: {  	[tilespmem:s12], [sflag:$0x1] =	stream.indirect.gather [hbm4b:s1+s11], $0x80, s2, s11, $0xb8;
	[tilespmem:$0x1DC00] =	vst v63  }
0x84: {  	_ =	swait.ge [sflag:s14], $0x4000  }
0x85: {  	[sflag:s14] =	ssyncset.done $0x0  }
0x86: {  	s5 =	simm.s32 $0x1580;
	[sflag:s14] =	ssyncadd.s32 $0xFFFFC000  }
0x87: {  	[spmem:s3] =	stream.indirect.scatter.add.f32 [tilespmem:s13], [sflag:$0x2], $0x80, s5, s11, $0xb8;
	[tilespmem:$0x1DC00] =	vst v63  }
0x88: {  	_ =	swait.ge [sflag:s15], $0x4000  }
0x89: {  	[sflag:s15] =	ssyncset.done $0x0  }
0x8a: {  	s8 =	simm.s32 $0x680;
	[sflag:s15] =	ssyncadd.s32 $0xFFFFC000  }
0x8b: {  	[tilespmem:s13], [sflag:$0x1] =	stream.indirect.gather [hbm4b:s1+s11], $0x80, s8, s11, $0xb8;
	[tilespmem:$0x1DC00] =	vst v63  }
0x8c: {  	_ =	swait.ge [sflag:s14], $0x4000  }
0x8d: {  	[sflag:s14] =	ssyncset.done $0x0  }
0x8e: {  	s9 =	simm.s32 $0x1600;
	[sflag:s14] =	ssyncadd.s32 $0xFFFFC000  }
0x8f: {  	[spmem:s3] =	stream.indirect.scatter.add.f32 [tilespmem:s12], [sflag:$0x2], $0x80, s9, s11, $0xb8;
	[tilespmem:$0x1DC00] =	vst v63  }
0x90: {  	_ =	swait.ge [sflag:s15], $0x4000  }
0x91: {  	[sflag:s15] =	ssyncset.done $0x0  }
0x92: {  	s16 =	simm.s32 $0x700;
	[sflag:s15] =	ssyncadd.s32 $0xFFFFC000  }
0x93: {  	[tilespmem:s12], [sflag:$0x1] =	stream.indirect.gather [hbm4b:s1+s11], $0x80, s16, s11, $0xb8;
	[tilespmem:$0x1DC00] =	vst v63  }
0x94: {  	_ =	swait.ge [sflag:s14], $0x4000  }
0x95: {  	[sflag:s14] =	ssyncset.done $0x0  }
0x96: {  	s17 =	simm.s32 $0x1680;
	[sflag:s14] =	ssyncadd.s32 $0xFFFFC000  }
0x97: {  	[spmem:s3] =	stream.indirect.scatter.add.f32 [tilespmem:s13], [sflag:$0x2], $0x80, s17, s11, $0xb8;
	[tilespmem:$0x1DC00] =	vst v63  }
0x98: {  	_ =	swait.ge [sflag:s15], $0x4000  }
0x99: {  	[sflag:s15] =	ssyncset.done $0x0  }
0x9a: {  	s18 =	simm.s32 $0x780;
	[sflag:s15] =	ssyncadd.s32 $0xFFFFC000  }
0x9b: {  	[tilespmem:s13], [sflag:$0x1] =	stream.indirect.gather [hbm4b:s1+s11], $0x80, s18, s11, $0xb8;
	[tilespmem:$0x1DC00] =	vst v63  }
0x9c: {  	_ =	swait.ge [sflag:s14], $0x4000  }
0x9d: {  	[sflag:s14] =	ssyncset.done $0x0  }
0x9e: {  	s19 =	simm.s32 $0x1700;
	[sflag:s14] =	ssyncadd.s32 $0xFFFFC000  }
0x9f: {  	[spmem:s3] =	stream.indirect.scatter.add.f32 [tilespmem:s12], [sflag:$0x2], $0x80, s19, s11, $0xb8;
	[tilespmem:$0x1DC00] =	vst v63  }
0xa0: {  	_ =	swait.ge [sflag:s15], $0x4000  }
0xa1: {  	[sflag:s15] =	ssyncset.done $0x0  }
0xa2: {  	[sflag:s15] =	ssyncadd.s32 $0xFFFFC000  }
0xa3: {  	_ =	swait.ge [sflag:s14], $0x4000  }
0xa4: {  	[sflag:s14] =	ssyncset.done $0x0  }
0xa5: {  	s20 =	simm.s32 $0x1780;
	[sflag:s14] =	ssyncadd.s32 $0xFFFFC000  }
0xa6: {  	[spmem:s3] =	stream.indirect.scatter.add.f32 [tilespmem:s13], [sflag:$0x2], $0x80, s20, s11, $0xb8;
	[tilespmem:$0x1DC00] =	vst v63  }
0xa7: {  	_ =	swait.ge [sflag:s15], $0x4000  }
0xa8: {  	[sflag:s15] =	ssyncset.done $0x0  }
0xa9: {  	s29 =	simm.s32 $0x3;
	[sflag:s15] =	ssyncadd.s32 $0xFFFFC000  }
0xaa: {  	_ =	swait.ge [sflag:s29], $0x800  }
0xab: {  	[sflag:s29] =	ssyncset.done $0x0  }
0xac: {  	[sflag:s29] =	ssyncadd.s32 $0xFFFFF800  }
0xad: {  	_ =	swait.ge [sflag:s29], $0x800  }
0xae: {  	[sflag:s29] =	ssyncset.done $0x0  }
0xaf: {  	s21 =	rddreg [dreg:$0xa];
	[sflag:s29] =	ssyncadd.s32 $0xFFFFF800  }
0xb0: {  	[tilespmem:s4], [sflag:$0x3] =	stream.linear.gather [hbm4b:s21+s4], $0x800, $0x38;
	[tilespmem:$0x1DC00] =	vst v63  }
0xb1: {  	s30 =	rddreg [dreg:$0xb]  }
0xb2: {  	[tilespmem:s10], [sflag:$0x3] =	stream.linear.gather [hbm4b:s30+s4], $0x800, $0x38;
	[tilespmem:$0x1DC00] =	vst v63  }
0xb3: {  	s2 =	simm.s32 $0x800  }
0xb4: {  	[tilespmem:s12], [sflag:$0x1] =	stream.indirect.gather [hbm4b:s1+s11], $0x80, s2, s11, $0xb8;
	[tilespmem:$0x1DC00] =	vst v63  }
0xb5: {  	s22 =	simm.s32 $0x880  }
0xb6: {  	[tilespmem:s13], [sflag:$0x1] =	stream.indirect.gather [hbm4b:s1+s11], $0x80, s22, s11, $0xb8;
	[tilespmem:$0x1DC00] =	vst v63  }
0xb7: {  	_ =	swait.ge [sflag:s14], $0x4000  }
0xb8: {  	[sflag:s14] =	ssyncset.done $0x0  }
0xb9: {  	s0 =	simm.s32 $0x1800;
	[sflag:s14] =	ssyncadd.s32 $0xFFFFC000  }
0xba: {  	[spmem:s3] =	stream.indirect.scatter.add.f32 [tilespmem:s12], [sflag:$0x2], $0x80, s0, s11, $0xb8;
	[tilespmem:$0x1DC00] =	vst v63  }
0xbb: {  	_ =	swait.ge [sflag:s15], $0x4000  }
0xbc: {  	[sflag:s15] =	ssyncset.done $0x0  }
0xbd: {  	s23 =	simm.s32 $0x900;
	[sflag:s15] =	ssyncadd.s32 $0xFFFFC000  }
0xbe: {  	[tilespmem:s12], [sflag:$0x1] =	stream.indirect.gather [hbm4b:s1+s11], $0x80, s23, s11, $0xb8;
	[tilespmem:$0x1DC00] =	vst v63  }
0xbf: {  	_ =	swait.ge [sflag:s14], $0x4000  }
0xc0: {  	[sflag:s14] =	ssyncset.done $0x0  }
0xc1: {  	s24 =	simm.s32 $0x1880;
	[sflag:s14] =	ssyncadd.s32 $0xFFFFC000  }
0xc2: {  	[spmem:s3] =	stream.indirect.scatter.add.f32 [tilespmem:s13], [sflag:$0x2], $0x80, s24, s11, $0xb8;
	[tilespmem:$0x1DC00] =	vst v63  }
0xc3: {  	_ =	swait.ge [sflag:s15], $0x4000  }
0xc4: {  	[sflag:s15] =	ssyncset.done $0x0  }
0xc5: {  	s25 =	simm.s32 $0x980;
	[sflag:s15] =	ssyncadd.s32 $0xFFFFC000  }
0xc6: {  	[tilespmem:s13], [sflag:$0x1] =	stream.indirect.gather [hbm4b:s1+s11], $0x80, s25, s11, $0xb8;
	[tilespmem:$0x1DC00] =	vst v63  }
0xc7: {  	_ =	swait.ge [sflag:s14], $0x4000  }
0xc8: {  	[sflag:s14] =	ssyncset.done $0x0  }
0xc9: {  	s26 =	simm.s32 $0x1900;
	[sflag:s14] =	ssyncadd.s32 $0xFFFFC000  }
0xca: {  	[spmem:s3] =	stream.indirect.scatter.add.f32 [tilespmem:s12], [sflag:$0x2], $0x80, s26, s11, $0xb8;
	[tilespmem:$0x1DC00] =	vst v63  }
0xcb: {  	_ =	swait.ge [sflag:s15], $0x4000  }
0xcc: {  	[sflag:s15] =	ssyncset.done $0x0  }
0xcd: {  	s31 =	simm.s32 $0xA00;
	[sflag:s15] =	ssyncadd.s32 $0xFFFFC000  }
0xce: {  	[tilespmem:s12], [sflag:$0x1] =	stream.indirect.gather [hbm4b:s1+s11], $0x80, s31, s11, $0xb8;
	[tilespmem:$0x1DC00] =	vst v63  }
0xcf: {  	_ =	swait.ge [sflag:s14], $0x4000  }
0xd0: {  	[sflag:s14] =	ssyncset.done $0x0  }
0xd1: {  	s8 =	simm.s32 $0x1980;
	[sflag:s14] =	ssyncadd.s32 $0xFFFFC000  }
0xd2: {  	[spmem:s3] =	stream.indirect.scatter.add.f32 [tilespmem:s13], [sflag:$0x2], $0x80, s8, s11, $0xb8;
	[tilespmem:$0x1DC00] =	vst v63  }
0xd3: {  	_ =	swait.ge [sflag:s15], $0x4000  }
0xd4: {  	[sflag:s15] =	ssyncset.done $0x0  }
0xd5: {  	s9 =	simm.s32 $0xA80;
	[sflag:s15] =	ssyncadd.s32 $0xFFFFC000  }
0xd6: {  	[tilespmem:s13], [sflag:$0x1] =	stream.indirect.gather [hbm4b:s1+s11], $0x80, s9, s11, $0xb8;
	[tilespmem:$0x1DC00] =	vst v63  }
0xd7: {  	_ =	swait.ge [sflag:s14], $0x4000  }
0xd8: {  	[sflag:s14] =	ssyncset.done $0x0  }
0xd9: {  	s16 =	simm.s32 $0x1A00;
	[sflag:s14] =	ssyncadd.s32 $0xFFFFC000  }
0xda: {  	[spmem:s3] =	stream.indirect.scatter.add.f32 [tilespmem:s12], [sflag:$0x2], $0x80, s16, s11, $0xb8;
	[tilespmem:$0x1DC00] =	vst v63  }
0xdb: {  	_ =	swait.ge [sflag:s15], $0x4000  }
0xdc: {  	[sflag:s15] =	ssyncset.done $0x0  }
0xdd: {  	s17 =	simm.s32 $0xB00;
	[sflag:s15] =	ssyncadd.s32 $0xFFFFC000  }
0xde: {  	[tilespmem:s12], [sflag:$0x1] =	stream.indirect.gather [hbm4b:s1+s11], $0x80, s17, s11, $0xb8;
	[tilespmem:$0x1DC00] =	vst v63  }
0xdf: {  	_ =	swait.ge [sflag:s14], $0x4000  }
0xe0: {  	[sflag:s14] =	ssyncset.done $0x0  }
0xe1: {  	s18 =	simm.s32 $0x1A80;
	[sflag:s14] =	ssyncadd.s32 $0xFFFFC000  }
0xe2: {  	[spmem:s3] =	stream.indirect.scatter.add.f32 [tilespmem:s13], [sflag:$0x2], $0x80, s18, s11, $0xb8;
	[tilespmem:$0x1DC00] =	vst v63  }
0xe3: {  	_ =	swait.ge [sflag:s15], $0x4000  }
0xe4: {  	[sflag:s15] =	ssyncset.done $0x0  }
0xe5: {  	s19 =	simm.s32 $0xB80;
	[sflag:s15] =	ssyncadd.s32 $0xFFFFC000  }
0xe6: {  	[tilespmem:s13], [sflag:$0x1] =	stream.indirect.gather [hbm4b:s1+s11], $0x80, s19, s11, $0xb8;
	[tilespmem:$0x1DC00] =	vst v63  }
0xe7: {  	_ =	swait.ge [sflag:s14], $0x4000  }
0xe8: {  	[sflag:s14] =	ssyncset.done $0x0  }
0xe9: {  	s20 =	simm.s32 $0x1B00;
	[sflag:s14] =	ssyncadd.s32 $0xFFFFC000  }
0xea: {  	[spmem:s3] =	stream.indirect.scatter.add.f32 [tilespmem:s12], [sflag:$0x2], $0x80, s20, s11, $0xb8;
	[tilespmem:$0x1DC00] =	vst v63  }
0xeb: {  	_ =	swait.ge [sflag:s15], $0x4000  }
0xec: {  	[sflag:s15] =	ssyncset.done $0x0  }
0xed: {  	s21 =	simm.s32 $0xC00;
	[sflag:s15] =	ssyncadd.s32 $0xFFFFC000  }
0xee: {  	[tilespmem:s12], [sflag:$0x1] =	stream.indirect.gather [hbm4b:s1+s11], $0x80, s21, s11, $0xb8;
	[tilespmem:$0x1DC00] =	vst v63  }
0xef: {  	_ =	swait.ge [sflag:s14], $0x4000  }
0xf0: {  	[sflag:s14] =	ssyncset.done $0x0  }
0xf1: {  	s22 =	simm.s32 $0x1B80;
	[sflag:s14] =	ssyncadd.s32 $0xFFFFC000  }
0xf2: {  	[spmem:s3] =	stream.indirect.scatter.add.f32 [tilespmem:s13], [sflag:$0x2], $0x80, s22, s11, $0xb8;
	[tilespmem:$0x1DC00] =	vst v63  }
0xf3: {  	_ =	swait.ge [sflag:s15], $0x4000  }
0xf4: {  	[sflag:s15] =	ssyncset.done $0x0  }
0xf5: {  	s23 =	simm.s32 $0xC80;
	[sflag:s15] =	ssyncadd.s32 $0xFFFFC000  }
0xf6: {  	[tilespmem:s13], [sflag:$0x1] =	stream.indirect.gather [hbm4b:s1+s11], $0x80, s23, s11, $0xb8;
	[tilespmem:$0x1DC00] =	vst v63  }
0xf7: {  	_ =	swait.ge [sflag:s14], $0x4000  }
0xf8: {  	[sflag:s14] =	ssyncset.done $0x0  }
0xf9: {  	s24 =	simm.s32 $0x1C00;
	[sflag:s14] =	ssyncadd.s32 $0xFFFFC000  }
0xfa: {  	[spmem:s3] =	stream.indirect.scatter.add.f32 [tilespmem:s12], [sflag:$0x2], $0x80, s24, s11, $0xb8;
	[tilespmem:$0x1DC00] =	vst v63  }
0xfb: {  	_ =	swait.ge [sflag:s15], $0x4000  }
0xfc: {  	[sflag:s15] =	ssyncset.done $0x0  }
0xfd: {  	s25 =	simm.s32 $0xD00;
	[sflag:s15] =	ssyncadd.s32 $0xFFFFC000  }
0xfe: {  	[tilespmem:s12], [sflag:$0x1] =	stream.indirect.gather [hbm4b:s1+s11], $0x80, s25, s11, $0xb8;
	[tilespmem:$0x1DC00] =	vst v63  }
0xff: {  	_ =	swait.ge [sflag:s14], $0x4000  }
0x100: {  	[sflag:s14] =	ssyncset.done $0x0  }
0x101: {  	s26 =	simm.s32 $0x1C80;
	[sflag:s14] =	ssyncadd.s32 $0xFFFFC000  }
0x102: {  	[spmem:s3] =	stream.indirect.scatter.add.f32 [tilespmem:s13], [sflag:$0x2], $0x80, s26, s11, $0xb8;
	[tilespmem:$0x1DC00] =	vst v63  }
0x103: {  	_ =	swait.ge [sflag:s15], $0x4000  }
0x104: {  	[sflag:s15] =	ssyncset.done $0x0  }
0x105: {  	s31 =	simm.s32 $0xD80;
	[sflag:s15] =	ssyncadd.s32 $0xFFFFC000  }
0x106: {  	[tilespmem:s13], [sflag:$0x1] =	stream.indirect.gather [hbm4b:s1+s11], $0x80, s31, s11, $0xb8;
	[tilespmem:$0x1DC00] =	vst v63  }
0x107: {  	_ =	swait.ge [sflag:s14], $0x4000  }
0x108: {  	[sflag:s14] =	ssyncset.done $0x0  }
0x109: {  	s8 =	simm.s32 $0x1D00;
	[sflag:s14] =	ssyncadd.s32 $0xFFFFC000  }
0x10a: {  	[spmem:s3] =	stream.indirect.scatter.add.f32 [tilespmem:s12], [sflag:$0x2], $0x80, s8, s11, $0xb8;
	[tilespmem:$0x1DC00] =	vst v63  }
0x10b: {  	_ =	swait.ge [sflag:s15], $0x4000  }
0x10c: {  	[sflag:s15] =	ssyncset.done $0x0  }
0x10d: {  	s9 =	simm.s32 $0xE00;
	[sflag:s15] =	ssyncadd.s32 $0xFFFFC000  }
0x10e: {  	[tilespmem:s12], [sflag:$0x1] =	stream.indirect.gather [hbm4b:s1+s11], $0x80, s9, s11, $0xb8;
	[tilespmem:$0x1DC00] =	vst v63  }
0x10f: {  	_ =	swait.ge [sflag:s14], $0x4000  }
0x110: {  	[sflag:s14] =	ssyncset.done $0x0  }
0x111: {  	s16 =	simm.s32 $0x1D80;
	[sflag:s14] =	ssyncadd.s32 $0xFFFFC000  }
0x112: {  	[spmem:s3] =	stream.indirect.scatter.add.f32 [tilespmem:s13], [sflag:$0x2], $0x80, s16, s11, $0xb8;
	[tilespmem:$0x1DC00] =	vst v63  }
0x113: {  	_ =	swait.ge [sflag:s15], $0x4000  }
0x114: {  	[sflag:s15] =	ssyncset.done $0x0  }
0x115: {  	s17 =	simm.s32 $0xE80;
	[sflag:s15] =	ssyncadd.s32 $0xFFFFC000  }
0x116: {  	[tilespmem:s13], [sflag:$0x1] =	stream.indirect.gather [hbm4b:s1+s11], $0x80, s17, s11, $0xb8;
	[tilespmem:$0x1DC00] =	vst v63  }
0x117: {  	_ =	swait.ge [sflag:s14], $0x4000  }
0x118: {  	[sflag:s14] =	ssyncset.done $0x0  }
0x119: {  	s18 =	simm.s32 $0x1E00;
	[sflag:s14] =	ssyncadd.s32 $0xFFFFC000  }
0x11a: {  	[spmem:s3] =	stream.indirect.scatter.add.f32 [tilespmem:s12], [sflag:$0x2], $0x80, s18, s11, $0xb8;
	[tilespmem:$0x1DC00] =	vst v63  }
0x11b: {  	_ =	swait.ge [sflag:s15], $0x4000  }
0x11c: {  	[sflag:s15] =	ssyncset.done $0x0  }
0x11d: {  	s19 =	simm.s32 $0xF00;
	[sflag:s15] =	ssyncadd.s32 $0xFFFFC000  }
0x11e: {  	[tilespmem:s12], [sflag:$0x1] =	stream.indirect.gather [hbm4b:s1+s11], $0x80, s19, s11, $0xb8;
	[tilespmem:$0x1DC00] =	vst v63  }
0x11f: {  	_ =	swait.ge [sflag:s14], $0x4000  }
0x120: {  	[sflag:s14] =	ssyncset.done $0x0  }
0x121: {  	s20 =	simm.s32 $0x1E80;
	[sflag:s14] =	ssyncadd.s32 $0xFFFFC000  }
0x122: {  	[spmem:s3] =	stream.indirect.scatter.add.f32 [tilespmem:s13], [sflag:$0x2], $0x80, s20, s11, $0xb8;
	[tilespmem:$0x1DC00] =	vst v63  }
0x123: {  	_ =	swait.ge [sflag:s15], $0x4000  }
0x124: {  	[sflag:s15] =	ssyncset.done $0x0  }
0x125: {  	s21 =	simm.s32 $0xF80;
	[sflag:s15] =	ssyncadd.s32 $0xFFFFC000  }
0x126: {  	[tilespmem:s13], [sflag:$0x1] =	stream.indirect.gather [hbm4b:s1+s11], $0x80, s21, s11, $0xb8;
	[tilespmem:$0x1DC00] =	vst v63  }
0x127: {  	_ =	swait.ge [sflag:s14], $0x4000  }
0x128: {  	[sflag:s14] =	ssyncset.done $0x0  }
0x129: {  	s22 =	simm.s32 $0x1F00;
	[sflag:s14] =	ssyncadd.s32 $0xFFFFC000  }
0x12a: {  	[spmem:s3] =	stream.indirect.scatter.add.f32 [tilespmem:s12], [sflag:$0x2], $0x80, s22, s11, $0xb8;
	[tilespmem:$0x1DC00] =	vst v63  }
0x12b: {  	_ =	swait.ge [sflag:s15], $0x4000  }
0x12c: {  	[sflag:s15] =	ssyncset.done $0x0  }
0x12d: {  	[sflag:s15] =	ssyncadd.s32 $0xFFFFC000  }
0x12e: {  	_ =	swait.ge [sflag:s14], $0x4000  }
0x12f: {  	[sflag:s14] =	ssyncset.done $0x0  }
0x130: {  	s23 =	simm.s32 $0x1F80;
	[sflag:s14] =	ssyncadd.s32 $0xFFFFC000  }
0x131: {  	[spmem:s3] =	stream.indirect.scatter.add.f32 [tilespmem:s13], [sflag:$0x2], $0x80, s23, s11, $0xb8;
	[tilespmem:$0x1DC00] =	vst v63  }
0x132: {  	_ =	swait.ge [sflag:s15], $0x4000  }
0x133: {  	[sflag:s15] =	ssyncset.done $0x0  }
0x134: {  	[sflag:s15] =	ssyncadd.s32 $0xFFFFC000  }
0x135: {  	_ =	swait.ge [sflag:s29], $0x800  }
0x136: {  	[sflag:s29] =	ssyncset.done $0x0  }
0x137: {  	[sflag:s29] =	ssyncadd.s32 $0xFFFFF800  }
0x138: {  	_ =	swait.ge [sflag:s29], $0x800  }
0x139: {  	[sflag:s29] =	ssyncset.done $0x0  }
0x13a: {  	s24 =	rddreg [dreg:$0xc];
	[sflag:s29] =	ssyncadd.s32 $0xFFFFF800  }
0x13b: {  	[tilespmem:s2], [sflag:$0x3] =	stream.linear.gather [hbm4b:s24+s4], $0x800, $0x38;
	[tilespmem:$0x1DC00] =	vst v63  }
0x13c: {  	s30 =	rddreg [dreg:$0xd]  }
0x13d: {  	[tilespmem:s0], [sflag:$0x3] =	stream.linear.gather [hbm4b:s30+s4], $0x800, $0x38;
	[tilespmem:$0x1DC00] =	vst v63  }
0x13e: {  	_ = 	snop  }
0x13f: {  	[tilespmem:s12], [sflag:$0x1] =	stream.indirect.gather [hbm4b:s1+s11], $0x80, s4, s11, $0xb8;
	[tilespmem:$0x1DC00] =	vst v63  }
0x140: {  	_ = 	snop  }
0x141: {  	[tilespmem:s13], [sflag:$0x1] =	stream.indirect.gather [hbm4b:s1+s11], $0x80, s11, s11, $0xb8;
	[tilespmem:$0x1DC00] =	vst v63  }
0x142: {  	_ =	swait.ge [sflag:s14], $0x4000  }
0x143: {  	[sflag:s14] =	ssyncset.done $0x0  }
0x144: {  	[sflag:s14] =	ssyncadd.s32 $0xFFFFC000  }
0x145: {  	[spmem:s3] =	stream.indirect.scatter.add.f32 [tilespmem:s12], [sflag:$0x2], $0x80, s10, s11, $0xb8;
	[tilespmem:$0x1DC00] =	vst v63  }
0x146: {  	_ =	swait.ge [sflag:s15], $0x4000  }
0x147: {  	[sflag:s15] =	ssyncset.done $0x0  }
0x148: {  	s25 =	simm.s32 $0x100;
	[sflag:s15] =	ssyncadd.s32 $0xFFFFC000  }
0x149: {  	[tilespmem:s12], [sflag:$0x1] =	stream.indirect.gather [hbm4b:s1+s11], $0x80, s25, s11, $0xb8;
	[tilespmem:$0x1DC00] =	vst v63  }
0x14a: {  	_ =	swait.ge [sflag:s14], $0x4000  }
0x14b: {  	[sflag:s14] =	ssyncset.done $0x0  }
0x14c: {  	s26 =	simm.s32 $0x1080;
	[sflag:s14] =	ssyncadd.s32 $0xFFFFC000  }
0x14d: {  	[spmem:s3] =	stream.indirect.scatter.add.f32 [tilespmem:s13], [sflag:$0x2], $0x80, s26, s11, $0xb8;
	[tilespmem:$0x1DC00] =	vst v63  }
0x14e: {  	_ =	swait.ge [sflag:s15], $0x4000  }
0x14f: {  	[sflag:s15] =	ssyncset.done $0x0  }
0x150: {  	s31 =	simm.s32 $0x180;
	[sflag:s15] =	ssyncadd.s32 $0xFFFFC000  }
0x151: {  	[tilespmem:s13], [sflag:$0x1] =	stream.indirect.gather [hbm4b:s1+s11], $0x80, s31, s11, $0xb8;
	[tilespmem:$0x1DC00] =	vst v63  }
0x152: {  	_ =	swait.ge [sflag:s14], $0x4000  }
0x153: {  	[sflag:s14] =	ssyncset.done $0x0  }
0x154: {  	s8 =	simm.s32 $0x1100;
	[sflag:s14] =	ssyncadd.s32 $0xFFFFC000  }
0x155: {  	[spmem:s3] =	stream.indirect.scatter.add.f32 [tilespmem:s12], [sflag:$0x2], $0x80, s8, s11, $0xb8;
	[tilespmem:$0x1DC00] =	vst v63  }
0x156: {  	_ =	swait.ge [sflag:s15], $0x4000  }
0x157: {  	[sflag:s15] =	ssyncset.done $0x0  }
0x158: {  	s9 =	simm.s32 $0x200;
	[sflag:s15] =	ssyncadd.s32 $0xFFFFC000  }
0x159: {  	[tilespmem:s12], [sflag:$0x1] =	stream.indirect.gather [hbm4b:s1+s11], $0x80, s9, s11, $0xb8;
	[tilespmem:$0x1DC00] =	vst v63  }
0x15a: {  	_ =	swait.ge [sflag:s14], $0x4000  }
0x15b: {  	[sflag:s14] =	ssyncset.done $0x0  }
0x15c: {  	s16 =	simm.s32 $0x1180;
	[sflag:s14] =	ssyncadd.s32 $0xFFFFC000  }
0x15d: {  	[spmem:s3] =	stream.indirect.scatter.add.f32 [tilespmem:s13], [sflag:$0x2], $0x80, s16, s11, $0xb8;
	[tilespmem:$0x1DC00] =	vst v63  }
0x15e: {  	_ =	swait.ge [sflag:s15], $0x4000  }
0x15f: {  	[sflag:s15] =	ssyncset.done $0x0  }
0x160: {  	s17 =	simm.s32 $0x280;
	[sflag:s15] =	ssyncadd.s32 $0xFFFFC000  }
0x161: {  	[tilespmem:s13], [sflag:$0x1] =	stream.indirect.gather [hbm4b:s1+s11], $0x80, s17, s11, $0xb8;
	[tilespmem:$0x1DC00] =	vst v63  }
0x162: {  	_ =	swait.ge [sflag:s14], $0x4000  }
0x163: {  	[sflag:s14] =	ssyncset.done $0x0  }
0x164: {  	s18 =	simm.s32 $0x1200;
	[sflag:s14] =	ssyncadd.s32 $0xFFFFC000  }
0x165: {  	[spmem:s3] =	stream.indirect.scatter.add.f32 [tilespmem:s12], [sflag:$0x2], $0x80, s18, s11, $0xb8;
	[tilespmem:$0x1DC00] =	vst v63  }
0x166: {  	_ =	swait.ge [sflag:s15], $0x4000  }
0x167: {  	[sflag:s15] =	ssyncset.done $0x0  }
0x168: {  	s19 =	simm.s32 $0x300;
	[sflag:s15] =	ssyncadd.s32 $0xFFFFC000  }
0x169: {  	[tilespmem:s12], [sflag:$0x1] =	stream.indirect.gather [hbm4b:s1+s11], $0x80, s19, s11, $0xb8;
	[tilespmem:$0x1DC00] =	vst v63  }
0x16a: {  	_ =	swait.ge [sflag:s14], $0x4000  }
0x16b: {  	[sflag:s14] =	ssyncset.done $0x0  }
0x16c: {  	s20 =	simm.s32 $0x1280;
	[sflag:s14] =	ssyncadd.s32 $0xFFFFC000  }
0x16d: {  	[spmem:s3] =	stream.indirect.scatter.add.f32 [tilespmem:s13], [sflag:$0x2], $0x80, s20, s11, $0xb8;
	[tilespmem:$0x1DC00] =	vst v63  }
0x16e: {  	_ =	swait.ge [sflag:s15], $0x4000  }
0x16f: {  	[sflag:s15] =	ssyncset.done $0x0  }
0x170: {  	s21 =	simm.s32 $0x380;
	[sflag:s15] =	ssyncadd.s32 $0xFFFFC000  }
0x171: {  	[tilespmem:s13], [sflag:$0x1] =	stream.indirect.gather [hbm4b:s1+s11], $0x80, s21, s11, $0xb8;
	[tilespmem:$0x1DC00] =	vst v63  }
0x172: {  	_ =	swait.ge [sflag:s14], $0x4000  }
0x173: {  	[sflag:s14] =	ssyncset.done $0x0  }
0x174: {  	s22 =	simm.s32 $0x1300;
	[sflag:s14] =	ssyncadd.s32 $0xFFFFC000  }
0x175: {  	[spmem:s3] =	stream.indirect.scatter.add.f32 [tilespmem:s12], [sflag:$0x2], $0x80, s22, s11, $0xb8;
	[tilespmem:$0x1DC00] =	vst v63  }
0x176: {  	_ =	swait.ge [sflag:s15], $0x4000  }
0x177: {  	[sflag:s15] =	ssyncset.done $0x0  }
0x178: {  	s23 =	simm.s32 $0x400;
	[sflag:s15] =	ssyncadd.s32 $0xFFFFC000  }
0x179: {  	[tilespmem:s12], [sflag:$0x1] =	stream.indirect.gather [hbm4b:s1+s11], $0x80, s23, s11, $0xb8;
	[tilespmem:$0x1DC00] =	vst v63  }
0x17a: {  	_ =	swait.ge [sflag:s14], $0x4000  }
0x17b: {  	[sflag:s14] =	ssyncset.done $0x0  }
0x17c: {  	s24 =	simm.s32 $0x1380;
	[sflag:s14] =	ssyncadd.s32 $0xFFFFC000  }
0x17d: {  	[spmem:s3] =	stream.indirect.scatter.add.f32 [tilespmem:s13], [sflag:$0x2], $0x80, s24, s11, $0xb8;
	[tilespmem:$0x1DC00] =	vst v63  }
0x17e: {  	_ =	swait.ge [sflag:s15], $0x4000  }
0x17f: {  	[sflag:s15] =	ssyncset.done $0x0  }
0x180: {  	s25 =	simm.s32 $0x480;
	[sflag:s15] =	ssyncadd.s32 $0xFFFFC000  }
0x181: {  	[tilespmem:s13], [sflag:$0x1] =	stream.indirect.gather [hbm4b:s1+s11], $0x80, s25, s11, $0xb8;
	[tilespmem:$0x1DC00] =	vst v63  }
0x182: {  	_ =	swait.ge [sflag:s14], $0x4000  }
0x183: {  	[sflag:s14] =	ssyncset.done $0x0  }
0x184: {  	s26 =	simm.s32 $0x1400;
	[sflag:s14] =	ssyncadd.s32 $0xFFFFC000  }
0x185: {  	[spmem:s3] =	stream.indirect.scatter.add.f32 [tilespmem:s12], [sflag:$0x2], $0x80, s26, s11, $0xb8;
	[tilespmem:$0x1DC00] =	vst v63  }
0x186: {  	_ =	swait.ge [sflag:s15], $0x4000  }
0x187: {  	[sflag:s15] =	ssyncset.done $0x0  }
0x188: {  	s31 =	simm.s32 $0x500;
	[sflag:s15] =	ssyncadd.s32 $0xFFFFC000  }
0x189: {  	[tilespmem:s12], [sflag:$0x1] =	stream.indirect.gather [hbm4b:s1+s11], $0x80, s31, s11, $0xb8;
	[tilespmem:$0x1DC00] =	vst v63  }
0x18a: {  	_ =	swait.ge [sflag:s14], $0x4000  }
0x18b: {  	[sflag:s14] =	ssyncset.done $0x0  }
0x18c: {  	s30 =	simm.s32 $0x1480;
	[sflag:s14] =	ssyncadd.s32 $0xFFFFC000  }
0x18d: {  	[spmem:s3] =	stream.indirect.scatter.add.f32 [tilespmem:s13], [sflag:$0x2], $0x80, s30, s11, $0xb8;
	[tilespmem:$0x1DC00] =	vst v63  }
0x18e: {  	_ =	swait.ge [sflag:s15], $0x4000  }
0x18f: {  	[sflag:s15] =	ssyncset.done $0x0  }
0x190: {  	s30 =	simm.s32 $0x580;
	[sflag:s15] =	ssyncadd.s32 $0xFFFFC000  }
0x191: {  	[tilespmem:s13], [sflag:$0x1] =	stream.indirect.gather [hbm4b:s1+s11], $0x80, s30, s11, $0xb8;
	[tilespmem:$0x1DC00] =	vst v63  }
0x192: {  	_ =	swait.ge [sflag:s14], $0x4000  }
0x193: {  	[sflag:s14] =	ssyncset.done $0x0  }
0x194: {  	s30 =	simm.s32 $0x1500;
	[sflag:s14] =	ssyncadd.s32 $0xFFFFC000  }
0x195: {  	[spmem:s3] =	stream.indirect.scatter.add.f32 [tilespmem:s12], [sflag:$0x2], $0x80, s30, s11, $0xb8;
	[tilespmem:$0x1DC00] =	vst v63  }
0x196: {  	_ =	swait.ge [sflag:s15], $0x4000  }
0x197: {  	[sflag:s15] =	ssyncset.done $0x0  }
0x198: {  	s30 =	simm.s32 $0x600;
	[sflag:s15] =	ssyncadd.s32 $0xFFFFC000  }
0x199: {  	[tilespmem:s12], [sflag:$0x1] =	stream.indirect.gather [hbm4b:s1+s11], $0x80, s30, s11, $0xb8;
	[tilespmem:$0x1DC00] =	vst v63  }
0x19a: {  	_ =	swait.ge [sflag:s14], $0x4000  }
0x19b: {  	[sflag:s14] =	ssyncset.done $0x0  }
0x19c: {  	s30 =	simm.s32 $0x1580;
	[sflag:s14] =	ssyncadd.s32 $0xFFFFC000  }
0x19d: {  	[spmem:s3] =	stream.indirect.scatter.add.f32 [tilespmem:s13], [sflag:$0x2], $0x80, s30, s11, $0xb8;
	[tilespmem:$0x1DC00] =	vst v63  }
0x19e: {  	_ =	swait.ge [sflag:s15], $0x4000  }
0x19f: {  	[sflag:s15] =	ssyncset.done $0x0  }
0x1a0: {  	s30 =	simm.s32 $0x680;
	[sflag:s15] =	ssyncadd.s32 $0xFFFFC000  }
0x1a1: {  	[tilespmem:s13], [sflag:$0x1] =	stream.indirect.gather [hbm4b:s1+s11], $0x80, s30, s11, $0xb8;
	[tilespmem:$0x1DC00] =	vst v63  }
0x1a2: {  	_ =	swait.ge [sflag:s14], $0x4000  }
0x1a3: {  	[sflag:s14] =	ssyncset.done $0x0  }
0x1a4: {  	s30 =	simm.s32 $0x1600;
	[sflag:s14] =	ssyncadd.s32 $0xFFFFC000  }
0x1a5: {  	[spmem:s3] =	stream.indirect.scatter.add.f32 [tilespmem:s12], [sflag:$0x2], $0x80, s30, s11, $0xb8;
	[tilespmem:$0x1DC00] =	vst v63  }
0x1a6: {  	_ =	swait.ge [sflag:s15], $0x4000  }
0x1a7: {  	[sflag:s15] =	ssyncset.done $0x0  }
0x1a8: {  	s30 =	simm.s32 $0x700;
	[sflag:s15] =	ssyncadd.s32 $0xFFFFC000  }
0x1a9: {  	[tilespmem:s12], [sflag:$0x1] =	stream.indirect.gather [hbm4b:s1+s11], $0x80, s30, s11, $0xb8;
	[tilespmem:$0x1DC00] =	vst v63  }
0x1aa: {  	_ =	swait.ge [sflag:s14], $0x4000  }
0x1ab: {  	[sflag:s14] =	ssyncset.done $0x0  }
0x1ac: {  	s30 =	simm.s32 $0x1680;
	[sflag:s14] =	ssyncadd.s32 $0xFFFFC000  }
0x1ad: {  	[spmem:s3] =	stream.indirect.scatter.add.f32 [tilespmem:s13], [sflag:$0x2], $0x80, s30, s11, $0xb8;
	[tilespmem:$0x1DC00] =	vst v63  }
0x1ae: {  	_ =	swait.ge [sflag:s15], $0x4000  }
0x1af: {  	[sflag:s15] =	ssyncset.done $0x0  }
0x1b0: {  	s30 =	simm.s32 $0x780;
	[sflag:s15] =	ssyncadd.s32 $0xFFFFC000  }
0x1b1: {  	[tilespmem:s13], [sflag:$0x1] =	stream.indirect.gather [hbm4b:s1+s11], $0x80, s30, s11, $0xb8;
	[tilespmem:$0x1DC00] =	vst v63  }
0x1b2: {  	_ =	swait.ge [sflag:s14], $0x4000  }
0x1b3: {  	[sflag:s14] =	ssyncset.done $0x0  }
0x1b4: {  	s30 =	simm.s32 $0x1700;
	[sflag:s14] =	ssyncadd.s32 $0xFFFFC000  }
0x1b5: {  	[spmem:s3] =	stream.indirect.scatter.add.f32 [tilespmem:s12], [sflag:$0x2], $0x80, s30, s11, $0xb8;
	[tilespmem:$0x1DC00] =	vst v63  }
0x1b6: {  	_ =	swait.ge [sflag:s15], $0x4000  }
0x1b7: {  	[sflag:s15] =	ssyncset.done $0x0  }
0x1b8: {  	[sflag:s15] =	ssyncadd.s32 $0xFFFFC000  }
0x1b9: {  	_ =	swait.ge [sflag:s14], $0x4000  }
0x1ba: {  	[sflag:s14] =	ssyncset.done $0x0  }
0x1bb: {  	s30 =	simm.s32 $0x1780;
	[sflag:s14] =	ssyncadd.s32 $0xFFFFC000  }
0x1bc: {  	[spmem:s3] =	stream.indirect.scatter.add.f32 [tilespmem:s13], [sflag:$0x2], $0x80, s30, s11, $0xb8;
	[tilespmem:$0x1DC00] =	vst v63  }
0x1bd: {  	_ =	swait.ge [sflag:s15], $0x4000  }
0x1be: {  	[sflag:s15] =	ssyncset.done $0x0  }
0x1bf: {  	[sflag:s15] =	ssyncadd.s32 $0xFFFFC000  }
0x1c0: {  	_ =	swait.ge [sflag:s29], $0x800  }
0x1c1: {  	[sflag:s29] =	ssyncset.done $0x0  }
0x1c2: {  	[sflag:s29] =	ssyncadd.s32 $0xFFFFF800  }
0x1c3: {  	_ =	swait.ge [sflag:s29], $0x800  }
0x1c4: {  	s30 =	rddreg [dreg:$0xe]  }
0x1c5: {  	[sflag:s29] =	ssyncset.done $0x0;
	[dreg:$0x14] =	wrdreg s30  }
0x1c6: {  	[sflag:s29] =	ssyncadd.s32 $0xFFFFF800;
	s2 =	rddreg [dreg:$0x14]  }
0x1c7: {  	[tilespmem:s4], [sflag:$0x3] =	stream.linear.gather [hbm4b:s2+s4], $0x800, $0x38;
	[tilespmem:$0x1DC00] =	vst v63  }
0x1c8: {  	s30 =	rddreg [dreg:$0xf]  }
0x1c9: {  	[tilespmem:s10], [sflag:$0x3] =	stream.linear.gather [hbm4b:s30+s4], $0x800, $0x38;
	[tilespmem:$0x1DC00] =	vst v63  }
0x1ca: {  	s5 =	simm.s32 $0x800  }
0x1cb: {  	[tilespmem:s12], [sflag:$0x1] =	stream.indirect.gather [hbm4b:s1+s11], $0x80, s5, s11, $0xb8;
	[tilespmem:$0x1DC00] =	vst v63  }
0x1cc: {  	s2 =	simm.s32 $0x880  }
0x1cd: {  	[tilespmem:s13], [sflag:$0x1] =	stream.indirect.gather [hbm4b:s1+s11], $0x80, s2, s11, $0xb8;
	[tilespmem:$0x1DC00] =	vst v63  }
0x1ce: {  	_ =	swait.ge [sflag:s14], $0x4000  }
0x1cf: {  	[sflag:s14] =	ssyncset.done $0x0  }
0x1d0: {  	s0 =	simm.s32 $0x1800;
	[sflag:s14] =	ssyncadd.s32 $0xFFFFC000  }
0x1d1: {  	[spmem:s3] =	stream.indirect.scatter.add.f32 [tilespmem:s12], [sflag:$0x2], $0x80, s0, s11, $0xb8;
	[tilespmem:$0x1DC00] =	vst v63  }
0x1d2: {  	_ =	swait.ge [sflag:s15], $0x4000  }
0x1d3: {  	[sflag:s15] =	ssyncset.done $0x0  }
0x1d4: {  	s5 =	simm.s32 $0x900;
	[sflag:s15] =	ssyncadd.s32 $0xFFFFC000  }
0x1d5: {  	[tilespmem:s12], [sflag:$0x1] =	stream.indirect.gather [hbm4b:s1+s11], $0x80, s5, s11, $0xb8;
	[tilespmem:$0x1DC00] =	vst v63  }
0x1d6: {  	_ =	swait.ge [sflag:s14], $0x4000  }
0x1d7: {  	[sflag:s14] =	ssyncset.done $0x0  }
0x1d8: {  	s2 =	simm.s32 $0x1880;
	[sflag:s14] =	ssyncadd.s32 $0xFFFFC000  }
0x1d9: {  	[spmem:s3] =	stream.indirect.scatter.add.f32 [tilespmem:s13], [sflag:$0x2], $0x80, s2, s11, $0xb8;
	[tilespmem:$0x1DC00] =	vst v63  }
0x1da: {  	_ =	swait.ge [sflag:s15], $0x4000  }
0x1db: {  	[sflag:s15] =	ssyncset.done $0x0  }
0x1dc: {  	s5 =	simm.s32 $0x980;
	[sflag:s15] =	ssyncadd.s32 $0xFFFFC000  }
0x1dd: {  	[tilespmem:s13], [sflag:$0x1] =	stream.indirect.gather [hbm4b:s1+s11], $0x80, s5, s11, $0xb8;
	[tilespmem:$0x1DC00] =	vst v63  }
0x1de: {  	_ =	swait.ge [sflag:s14], $0x4000  }
0x1df: {  	[sflag:s14] =	ssyncset.done $0x0  }
0x1e0: {  	s2 =	simm.s32 $0x1900;
	[sflag:s14] =	ssyncadd.s32 $0xFFFFC000  }
0x1e1: {  	[spmem:s3] =	stream.indirect.scatter.add.f32 [tilespmem:s12], [sflag:$0x2], $0x80, s2, s11, $0xb8;
	[tilespmem:$0x1DC00] =	vst v63  }
0x1e2: {  	_ =	swait.ge [sflag:s15], $0x4000  }
0x1e3: {  	[sflag:s15] =	ssyncset.done $0x0  }
0x1e4: {  	s5 =	simm.s32 $0xA00;
	[sflag:s15] =	ssyncadd.s32 $0xFFFFC000  }
0x1e5: {  	[tilespmem:s12], [sflag:$0x1] =	stream.indirect.gather [hbm4b:s1+s11], $0x80, s5, s11, $0xb8;
	[tilespmem:$0x1DC00] =	vst v63  }
0x1e6: {  	_ =	swait.ge [sflag:s14], $0x4000  }
0x1e7: {  	[sflag:s14] =	ssyncset.done $0x0  }
0x1e8: {  	s2 =	simm.s32 $0x1980;
	[sflag:s14] =	ssyncadd.s32 $0xFFFFC000  }
0x1e9: {  	[spmem:s3] =	stream.indirect.scatter.add.f32 [tilespmem:s13], [sflag:$0x2], $0x80, s2, s11, $0xb8;
	[tilespmem:$0x1DC00] =	vst v63  }
0x1ea: {  	_ =	swait.ge [sflag:s15], $0x4000  }
0x1eb: {  	[sflag:s15] =	ssyncset.done $0x0  }
0x1ec: {  	s5 =	simm.s32 $0xA80;
	[sflag:s15] =	ssyncadd.s32 $0xFFFFC000  }
0x1ed: {  	[tilespmem:s13], [sflag:$0x1] =	stream.indirect.gather [hbm4b:s1+s11], $0x80, s5, s11, $0xb8;
	[tilespmem:$0x1DC00] =	vst v63  }
0x1ee: {  	_ =	swait.ge [sflag:s14], $0x4000  }
0x1ef: {  	[sflag:s14] =	ssyncset.done $0x0  }
0x1f0: {  	s2 =	simm.s32 $0x1A00;
	[sflag:s14] =	ssyncadd.s32 $0xFFFFC000  }
0x1f1: {  	[spmem:s3] =	stream.indirect.scatter.add.f32 [tilespmem:s12], [sflag:$0x2], $0x80, s2, s11, $0xb8;
	[tilespmem:$0x1DC00] =	vst v63  }
0x1f2: {  	_ =	swait.ge [sflag:s15], $0x4000  }
0x1f3: {  	[sflag:s15] =	ssyncset.done $0x0  }
0x1f4: {  	s5 =	simm.s32 $0xB00;
	[sflag:s15] =	ssyncadd.s32 $0xFFFFC000  }
0x1f5: {  	[tilespmem:s12], [sflag:$0x1] =	stream.indirect.gather [hbm4b:s1+s11], $0x80, s5, s11, $0xb8;
	[tilespmem:$0x1DC00] =	vst v63  }
0x1f6: {  	_ =	swait.ge [sflag:s14], $0x4000  }
0x1f7: {  	[sflag:s14] =	ssyncset.done $0x0  }
0x1f8: {  	s2 =	simm.s32 $0x1A80;
	[sflag:s14] =	ssyncadd.s32 $0xFFFFC000  }
0x1f9: {  	[spmem:s3] =	stream.indirect.scatter.add.f32 [tilespmem:s13], [sflag:$0x2], $0x80, s2, s11, $0xb8;
	[tilespmem:$0x1DC00] =	vst v63  }
0x1fa: {  	_ =	swait.ge [sflag:s15], $0x4000  }
0x1fb: {  	[sflag:s15] =	ssyncset.done $0x0  }
0x1fc: {  	s5 =	simm.s32 $0xB80;
	[sflag:s15] =	ssyncadd.s32 $0xFFFFC000  }
0x1fd: {  	[tilespmem:s13], [sflag:$0x1] =	stream.indirect.gather [hbm4b:s1+s11], $0x80, s5, s11, $0xb8;
	[tilespmem:$0x1DC00] =	vst v63  }
0x1fe: {  	_ =	swait.ge [sflag:s14], $0x4000  }
0x1ff: {  	[sflag:s14] =	ssyncset.done $0x0  }
0x200: {  	s2 =	simm.s32 $0x1B00;
	[sflag:s14] =	ssyncadd.s32 $0xFFFFC000  }
0x201: {  	[spmem:s3] =	stream.indirect.scatter.add.f32 [tilespmem:s12], [sflag:$0x2], $0x80, s2, s11, $0xb8;
	[tilespmem:$0x1DC00] =	vst v63  }
0x202: {  	_ =	swait.ge [sflag:s15], $0x4000  }
0x203: {  	[sflag:s15] =	ssyncset.done $0x0  }
0x204: {  	s5 =	simm.s32 $0xC00;
	[sflag:s15] =	ssyncadd.s32 $0xFFFFC000  }
0x205: {  	[tilespmem:s12], [sflag:$0x1] =	stream.indirect.gather [hbm4b:s1+s11], $0x80, s5, s11, $0xb8;
	[tilespmem:$0x1DC00] =	vst v63  }
0x206: {  	_ =	swait.ge [sflag:s14], $0x4000  }
0x207: {  	[sflag:s14] =	ssyncset.done $0x0  }
0x208: {  	s2 =	simm.s32 $0x1B80;
	[sflag:s14] =	ssyncadd.s32 $0xFFFFC000  }
0x209: {  	[spmem:s3] =	stream.indirect.scatter.add.f32 [tilespmem:s13], [sflag:$0x2], $0x80, s2, s11, $0xb8;
	[tilespmem:$0x1DC00] =	vst v63  }
0x20a: {  	_ =	swait.ge [sflag:s15], $0x4000  }
0x20b: {  	[sflag:s15] =	ssyncset.done $0x0  }
0x20c: {  	s5 =	simm.s32 $0xC80;
	[sflag:s15] =	ssyncadd.s32 $0xFFFFC000  }
0x20d: {  	[tilespmem:s13], [sflag:$0x1] =	stream.indirect.gather [hbm4b:s1+s11], $0x80, s5, s11, $0xb8;
	[tilespmem:$0x1DC00] =	vst v63  }
0x20e: {  	_ =	swait.ge [sflag:s14], $0x4000  }
0x20f: {  	[sflag:s14] =	ssyncset.done $0x0  }
0x210: {  	s2 =	simm.s32 $0x1C00;
	[sflag:s14] =	ssyncadd.s32 $0xFFFFC000  }
0x211: {  	[spmem:s3] =	stream.indirect.scatter.add.f32 [tilespmem:s12], [sflag:$0x2], $0x80, s2, s11, $0xb8;
	[tilespmem:$0x1DC00] =	vst v63  }
0x212: {  	_ =	swait.ge [sflag:s15], $0x4000  }
0x213: {  	[sflag:s15] =	ssyncset.done $0x0  }
0x214: {  	s5 =	simm.s32 $0xD00;
	[sflag:s15] =	ssyncadd.s32 $0xFFFFC000  }
0x215: {  	[tilespmem:s12], [sflag:$0x1] =	stream.indirect.gather [hbm4b:s1+s11], $0x80, s5, s11, $0xb8;
	[tilespmem:$0x1DC00] =	vst v63  }
0x216: {  	_ =	swait.ge [sflag:s14], $0x4000  }
0x217: {  	[sflag:s14] =	ssyncset.done $0x0  }
0x218: {  	s2 =	simm.s32 $0x1C80;
	[sflag:s14] =	ssyncadd.s32 $0xFFFFC000  }
0x219: {  	[spmem:s3] =	stream.indirect.scatter.add.f32 [tilespmem:s13], [sflag:$0x2], $0x80, s2, s11, $0xb8;
	[tilespmem:$0x1DC00] =	vst v63  }
0x21a: {  	_ =	swait.ge [sflag:s15], $0x4000  }
0x21b: {  	[sflag:s15] =	ssyncset.done $0x0  }
0x21c: {  	s5 =	simm.s32 $0xD80;
	[sflag:s15] =	ssyncadd.s32 $0xFFFFC000  }
0x21d: {  	[tilespmem:s13], [sflag:$0x1] =	stream.indirect.gather [hbm4b:s1+s11], $0x80, s5, s11, $0xb8;
	[tilespmem:$0x1DC00] =	vst v63  }
0x21e: {  	_ =	swait.ge [sflag:s14], $0x4000  }
0x21f: {  	[sflag:s14] =	ssyncset.done $0x0  }
0x220: {  	s2 =	simm.s32 $0x1D00;
	[sflag:s14] =	ssyncadd.s32 $0xFFFFC000  }
0x221: {  	[spmem:s3] =	stream.indirect.scatter.add.f32 [tilespmem:s12], [sflag:$0x2], $0x80, s2, s11, $0xb8;
	[tilespmem:$0x1DC00] =	vst v63  }
0x222: {  	_ =	swait.ge [sflag:s15], $0x4000  }
0x223: {  	[sflag:s15] =	ssyncset.done $0x0  }
0x224: {  	s5 =	simm.s32 $0xE00;
	[sflag:s15] =	ssyncadd.s32 $0xFFFFC000  }
0x225: {  	[tilespmem:s12], [sflag:$0x1] =	stream.indirect.gather [hbm4b:s1+s11], $0x80, s5, s11, $0xb8;
	[tilespmem:$0x1DC00] =	vst v63  }
0x226: {  	_ =	swait.ge [sflag:s14], $0x4000  }
0x227: {  	[sflag:s14] =	ssyncset.done $0x0  }
0x228: {  	s2 =	simm.s32 $0x1D80;
	[sflag:s14] =	ssyncadd.s32 $0xFFFFC000  }
0x229: {  	[spmem:s3] =	stream.indirect.scatter.add.f32 [tilespmem:s13], [sflag:$0x2], $0x80, s2, s11, $0xb8;
	[tilespmem:$0x1DC00] =	vst v63  }
0x22a: {  	_ =	swait.ge [sflag:s15], $0x4000  }
0x22b: {  	[sflag:s15] =	ssyncset.done $0x0  }
0x22c: {  	s5 =	simm.s32 $0xE80;
	[sflag:s15] =	ssyncadd.s32 $0xFFFFC000  }
0x22d: {  	[tilespmem:s13], [sflag:$0x1] =	stream.indirect.gather [hbm4b:s1+s11], $0x80, s5, s11, $0xb8;
	[tilespmem:$0x1DC00] =	vst v63  }
0x22e: {  	_ =	swait.ge [sflag:s14], $0x4000  }
0x22f: {  	[sflag:s14] =	ssyncset.done $0x0  }
0x230: {  	s2 =	simm.s32 $0x1E00;
	[sflag:s14] =	ssyncadd.s32 $0xFFFFC000  }
0x231: {  	[spmem:s3] =	stream.indirect.scatter.add.f32 [tilespmem:s12], [sflag:$0x2], $0x80, s2, s11, $0xb8;
	[tilespmem:$0x1DC00] =	vst v63  }
0x232: {  	_ =	swait.ge [sflag:s15], $0x4000  }
0x233: {  	[sflag:s15] =	ssyncset.done $0x0  }
0x234: {  	s5 =	simm.s32 $0xF00;
	[sflag:s15] =	ssyncadd.s32 $0xFFFFC000  }
0x235: {  	[tilespmem:s12], [sflag:$0x1] =	stream.indirect.gather [hbm4b:s1+s11], $0x80, s5, s11, $0xb8;
	[tilespmem:$0x1DC00] =	vst v63  }
0x236: {  	_ =	swait.ge [sflag:s14], $0x4000  }
0x237: {  	[sflag:s14] =	ssyncset.done $0x0  }
0x238: {  	s2 =	simm.s32 $0x1E80;
	[sflag:s14] =	ssyncadd.s32 $0xFFFFC000  }
0x239: {  	[spmem:s3] =	stream.indirect.scatter.add.f32 [tilespmem:s13], [sflag:$0x2], $0x80, s2, s11, $0xb8;
	[tilespmem:$0x1DC00] =	vst v63  }
0x23a: {  	_ =	swait.ge [sflag:s15], $0x4000  }
0x23b: {  	[sflag:s15] =	ssyncset.done $0x0  }
0x23c: {  	s5 =	simm.s32 $0xF80;
	[sflag:s15] =	ssyncadd.s32 $0xFFFFC000  }
0x23d: {  	[tilespmem:s13], [sflag:$0x1] =	stream.indirect.gather [hbm4b:s1+s11], $0x80, s5, s11, $0xb8;
	[tilespmem:$0x1DC00] =	vst v63  }
0x23e: {  	_ =	swait.ge [sflag:s14], $0x4000  }
0x23f: {  	[sflag:s14] =	ssyncset.done $0x0  }
0x240: {  	s2 =	simm.s32 $0x1F00;
	[sflag:s14] =	ssyncadd.s32 $0xFFFFC000  }
0x241: {  	[spmem:s3] =	stream.indirect.scatter.add.f32 [tilespmem:s12], [sflag:$0x2], $0x80, s2, s11, $0xb8;
	[tilespmem:$0x1DC00] =	vst v63  }
0x242: {  	_ =	swait.ge [sflag:s15], $0x4000  }
0x243: {  	[sflag:s15] =	ssyncset.done $0x0  }
0x244: {  	[sflag:s15] =	ssyncadd.s32 $0xFFFFC000  }
0x245: {  	_ =	swait.ge [sflag:s14], $0x4000  }
0x246: {  	[sflag:s14] =	ssyncset.done $0x0  }
0x247: {  	s5 =	simm.s32 $0x1F80;
	[sflag:s14] =	ssyncadd.s32 $0xFFFFC000  }
0x248: {  	[spmem:s3] =	stream.indirect.scatter.add.f32 [tilespmem:s13], [sflag:$0x2], $0x80, s5, s11, $0xb8;
	[tilespmem:$0x1DC00] =	vst v63  }
0x249: {  	_ =	swait.ge [sflag:s15], $0x4000  }
0x24a: {  	[sflag:s15] =	ssyncset.done $0x0  }
0x24b: {  	[sflag:s15] =	ssyncadd.s32 $0xFFFFC000  }
0x24c: {  	_ =	swait.ge [sflag:s29], $0x800  }
0x24d: {  	[sflag:s29] =	ssyncset.done $0x0  }
0x24e: {  	[sflag:s29] =	ssyncadd.s32 $0xFFFFF800  }
0x24f: {  	_ =	swait.ge [sflag:s29], $0x800  }
0x250: {  	[sflag:s29] =	ssyncset.done $0x0  }
0x251: {  	[sflag:s29] =	ssyncadd.s32 $0xFFFFF800  }
0x252: {  	[tilespmem:s12], [sflag:$0x1] =	stream.indirect.gather [hbm4b:s1+s11], $0x80, s4, s11, $0xb8;
	[tilespmem:$0x1DC00] =	vst v63  }
0x253: {  	_ = 	snop  }
0x254: {  	[tilespmem:s13], [sflag:$0x1] =	stream.indirect.gather [hbm4b:s1+s11], $0x80, s11, s11, $0xb8;
	[tilespmem:$0x1DC00] =	vst v63  }
0x255: {  	_ =	swait.ge [sflag:s14], $0x4000  }
0x256: {  	[sflag:s14] =	ssyncset.done $0x0  }
0x257: {  	[sflag:s14] =	ssyncadd.s32 $0xFFFFC000  }
0x258: {  	[spmem:s3] =	stream.indirect.scatter.add.f32 [tilespmem:s12], [sflag:$0x2], $0x80, s10, s11, $0xb8;
	[tilespmem:$0x1DC00] =	vst v63  }
0x259: {  	_ =	swait.ge [sflag:s15], $0x4000  }
0x25a: {  	[sflag:s15] =	ssyncset.done $0x0  }
0x25b: {  	s10 =	simm.s32 $0x100;
	[sflag:s15] =	ssyncadd.s32 $0xFFFFC000  }
0x25c: {  	[tilespmem:s12], [sflag:$0x1] =	stream.indirect.gather [hbm4b:s1+s11], $0x80, s10, s11, $0xb8;
	[tilespmem:$0x1DC00] =	vst v63  }
0x25d: {  	_ =	swait.ge [sflag:s14], $0x4000  }
0x25e: {  	[sflag:s14] =	ssyncset.done $0x0  }
0x25f: {  	s2 =	simm.s32 $0x1080;
	[sflag:s14] =	ssyncadd.s32 $0xFFFFC000  }
0x260: {  	[spmem:s3] =	stream.indirect.scatter.add.f32 [tilespmem:s13], [sflag:$0x2], $0x80, s2, s11, $0xb8;
	[tilespmem:$0x1DC00] =	vst v63  }
0x261: {  	_ =	swait.ge [sflag:s15], $0x4000  }
0x262: {  	[sflag:s15] =	ssyncset.done $0x0  }
0x263: {  	s5 =	simm.s32 $0x180;
	[sflag:s15] =	ssyncadd.s32 $0xFFFFC000  }
0x264: {  	[tilespmem:s13], [sflag:$0x1] =	stream.indirect.gather [hbm4b:s1+s11], $0x80, s5, s11, $0xb8;
	[tilespmem:$0x1DC00] =	vst v63  }
0x265: {  	_ =	swait.ge [sflag:s14], $0x4000  }
0x266: {  	[sflag:s14] =	ssyncset.done $0x0  }
0x267: {  	[sflag:s14] =	ssyncadd.s32 $0xFFFFC000  }
0x268: {  	[spmem:s3] =	stream.indirect.scatter.add.f32 [tilespmem:s12], [sflag:$0x2], $0x80, s8, s11, $0xb8;
	[tilespmem:$0x1DC00] =	vst v63  }
0x269: {  	_ =	swait.ge [sflag:s15], $0x4000  }
0x26a: {  	[sflag:s15] =	ssyncset.done $0x0  }
0x26b: {  	[sflag:s15] =	ssyncadd.s32 $0xFFFFC000  }
0x26c: {  	[tilespmem:s12], [sflag:$0x1] =	stream.indirect.gather [hbm4b:s1+s11], $0x80, s9, s11, $0xb8;
	[tilespmem:$0x1DC00] =	vst v63  }
0x26d: {  	_ =	swait.ge [sflag:s14], $0x4000  }
0x26e: {  	[sflag:s14] =	ssyncset.done $0x0  }
0x26f: {  	[sflag:s14] =	ssyncadd.s32 $0xFFFFC000  }
0x270: {  	[spmem:s3] =	stream.indirect.scatter.add.f32 [tilespmem:s13], [sflag:$0x2], $0x80, s16, s11, $0xb8;
	[tilespmem:$0x1DC00] =	vst v63  }
0x271: {  	_ =	swait.ge [sflag:s15], $0x4000  }
0x272: {  	[sflag:s15] =	ssyncset.done $0x0  }
0x273: {  	[sflag:s15] =	ssyncadd.s32 $0xFFFFC000  }
0x274: {  	[tilespmem:s13], [sflag:$0x1] =	stream.indirect.gather [hbm4b:s1+s11], $0x80, s17, s11, $0xb8;
	[tilespmem:$0x1DC00] =	vst v63  }
0x275: {  	_ =	swait.ge [sflag:s14], $0x4000  }
0x276: {  	[sflag:s14] =	ssyncset.done $0x0  }
0x277: {  	[sflag:s14] =	ssyncadd.s32 $0xFFFFC000  }
0x278: {  	[spmem:s3] =	stream.indirect.scatter.add.f32 [tilespmem:s12], [sflag:$0x2], $0x80, s18, s11, $0xb8;
	[tilespmem:$0x1DC00] =	vst v63  }
0x279: {  	_ =	swait.ge [sflag:s15], $0x4000  }
0x27a: {  	[sflag:s15] =	ssyncset.done $0x0  }
0x27b: {  	[sflag:s15] =	ssyncadd.s32 $0xFFFFC000  }
0x27c: {  	[tilespmem:s12], [sflag:$0x1] =	stream.indirect.gather [hbm4b:s1+s11], $0x80, s19, s11, $0xb8;
	[tilespmem:$0x1DC00] =	vst v63  }
0x27d: {  	_ =	swait.ge [sflag:s14], $0x4000  }
0x27e: {  	[sflag:s14] =	ssyncset.done $0x0  }
0x27f: {  	[sflag:s14] =	ssyncadd.s32 $0xFFFFC000  }
0x280: {  	[spmem:s3] =	stream.indirect.scatter.add.f32 [tilespmem:s13], [sflag:$0x2], $0x80, s20, s11, $0xb8;
	[tilespmem:$0x1DC00] =	vst v63  }
0x281: {  	_ =	swait.ge [sflag:s15], $0x4000  }
0x282: {  	[sflag:s15] =	ssyncset.done $0x0  }
0x283: {  	[sflag:s15] =	ssyncadd.s32 $0xFFFFC000  }
0x284: {  	[tilespmem:s13], [sflag:$0x1] =	stream.indirect.gather [hbm4b:s1+s11], $0x80, s21, s11, $0xb8;
	[tilespmem:$0x1DC00] =	vst v63  }
0x285: {  	_ =	swait.ge [sflag:s14], $0x4000  }
0x286: {  	[sflag:s14] =	ssyncset.done $0x0  }
0x287: {  	[sflag:s14] =	ssyncadd.s32 $0xFFFFC000  }
0x288: {  	[spmem:s3] =	stream.indirect.scatter.add.f32 [tilespmem:s12], [sflag:$0x2], $0x80, s22, s11, $0xb8;
	[tilespmem:$0x1DC00] =	vst v63  }
0x289: {  	_ =	swait.ge [sflag:s15], $0x4000  }
0x28a: {  	[sflag:s15] =	ssyncset.done $0x0  }
0x28b: {  	[sflag:s15] =	ssyncadd.s32 $0xFFFFC000  }
0x28c: {  	[tilespmem:s12], [sflag:$0x1] =	stream.indirect.gather [hbm4b:s1+s11], $0x80, s23, s11, $0xb8;
	[tilespmem:$0x1DC00] =	vst v63  }
0x28d: {  	_ =	swait.ge [sflag:s14], $0x4000  }
0x28e: {  	[sflag:s14] =	ssyncset.done $0x0  }
0x28f: {  	[sflag:s14] =	ssyncadd.s32 $0xFFFFC000  }
0x290: {  	[spmem:s3] =	stream.indirect.scatter.add.f32 [tilespmem:s13], [sflag:$0x2], $0x80, s24, s11, $0xb8;
	[tilespmem:$0x1DC00] =	vst v63  }
0x291: {  	_ =	swait.ge [sflag:s15], $0x4000  }
0x292: {  	[sflag:s15] =	ssyncset.done $0x0  }
0x293: {  	[sflag:s15] =	ssyncadd.s32 $0xFFFFC000  }
0x294: {  	[tilespmem:s13], [sflag:$0x1] =	stream.indirect.gather [hbm4b:s1+s11], $0x80, s25, s11, $0xb8;
	[tilespmem:$0x1DC00] =	vst v63  }
0x295: {  	_ =	swait.ge [sflag:s14], $0x4000  }
0x296: {  	[sflag:s14] =	ssyncset.done $0x0  }
0x297: {  	[sflag:s14] =	ssyncadd.s32 $0xFFFFC000  }
0x298: {  	[spmem:s3] =	stream.indirect.scatter.add.f32 [tilespmem:s12], [sflag:$0x2], $0x80, s26, s11, $0xb8;
	[tilespmem:$0x1DC00] =	vst v63  }
0x299: {  	_ =	swait.ge [sflag:s15], $0x4000  }
0x29a: {  	[sflag:s15] =	ssyncset.done $0x0  }
0x29b: {  	[sflag:s15] =	ssyncadd.s32 $0xFFFFC000  }
0x29c: {  	[tilespmem:s12], [sflag:$0x1] =	stream.indirect.gather [hbm4b:s1+s11], $0x80, s31, s11, $0xb8;
	[tilespmem:$0x1DC00] =	vst v63  }
0x29d: {  	_ =	swait.ge [sflag:s14], $0x4000  }
0x29e: {  	[sflag:s14] =	ssyncset.done $0x0  }
0x29f: {  	s9 =	simm.s32 $0x1480;
	[sflag:s14] =	ssyncadd.s32 $0xFFFFC000  }
0x2a0: {  	[spmem:s3] =	stream.indirect.scatter.add.f32 [tilespmem:s13], [sflag:$0x2], $0x80, s9, s11, $0xb8;
	[tilespmem:$0x1DC00] =	vst v63  }
0x2a1: {  	_ =	swait.ge [sflag:s15], $0x4000  }
0x2a2: {  	[sflag:s15] =	ssyncset.done $0x0  }
0x2a3: {  	s10 =	simm.s32 $0x580;
	[sflag:s15] =	ssyncadd.s32 $0xFFFFC000  }
0x2a4: {  	[tilespmem:s13], [sflag:$0x1] =	stream.indirect.gather [hbm4b:s1+s11], $0x80, s10, s11, $0xb8;
	[tilespmem:$0x1DC00] =	vst v63  }
0x2a5: {  	_ =	swait.ge [sflag:s14], $0x4000  }
0x2a6: {  	[sflag:s14] =	ssyncset.done $0x0  }
0x2a7: {  	s16 =	simm.s32 $0x1500;
	[sflag:s14] =	ssyncadd.s32 $0xFFFFC000  }
0x2a8: {  	[spmem:s3] =	stream.indirect.scatter.add.f32 [tilespmem:s12], [sflag:$0x2], $0x80, s16, s11, $0xb8;
	[tilespmem:$0x1DC00] =	vst v63  }
0x2a9: {  	_ =	swait.ge [sflag:s15], $0x4000  }
0x2aa: {  	[sflag:s15] =	ssyncset.done $0x0  }
0x2ab: {  	s17 =	simm.s32 $0x600;
	[sflag:s15] =	ssyncadd.s32 $0xFFFFC000  }
0x2ac: {  	[tilespmem:s12], [sflag:$0x1] =	stream.indirect.gather [hbm4b:s1+s11], $0x80, s17, s11, $0xb8;
	[tilespmem:$0x1DC00] =	vst v63  }
0x2ad: {  	_ =	swait.ge [sflag:s14], $0x4000  }
0x2ae: {  	[sflag:s14] =	ssyncset.done $0x0  }
0x2af: {  	s18 =	simm.s32 $0x1580;
	[sflag:s14] =	ssyncadd.s32 $0xFFFFC000  }
0x2b0: {  	[spmem:s3] =	stream.indirect.scatter.add.f32 [tilespmem:s13], [sflag:$0x2], $0x80, s18, s11, $0xb8;
	[tilespmem:$0x1DC00] =	vst v63  }
0x2b1: {  	_ =	swait.ge [sflag:s15], $0x4000  }
0x2b2: {  	[sflag:s15] =	ssyncset.done $0x0  }
0x2b3: {  	s19 =	simm.s32 $0x680;
	[sflag:s15] =	ssyncadd.s32 $0xFFFFC000  }
0x2b4: {  	[tilespmem:s13], [sflag:$0x1] =	stream.indirect.gather [hbm4b:s1+s11], $0x80, s19, s11, $0xb8;
	[tilespmem:$0x1DC00] =	vst v63  }
0x2b5: {  	_ =	swait.ge [sflag:s14], $0x4000  }
0x2b6: {  	[sflag:s14] =	ssyncset.done $0x0  }
0x2b7: {  	s20 =	simm.s32 $0x1600;
	[sflag:s14] =	ssyncadd.s32 $0xFFFFC000  }
0x2b8: {  	[spmem:s3] =	stream.indirect.scatter.add.f32 [tilespmem:s12], [sflag:$0x2], $0x80, s20, s11, $0xb8;
	[tilespmem:$0x1DC00] =	vst v63  }
0x2b9: {  	_ =	swait.ge [sflag:s15], $0x4000  }
0x2ba: {  	[sflag:s15] =	ssyncset.done $0x0  }
0x2bb: {  	s21 =	simm.s32 $0x700;
	[sflag:s15] =	ssyncadd.s32 $0xFFFFC000  }
0x2bc: {  	[tilespmem:s12], [sflag:$0x1] =	stream.indirect.gather [hbm4b:s1+s11], $0x80, s21, s11, $0xb8;
	[tilespmem:$0x1DC00] =	vst v63  }
0x2bd: {  	_ =	swait.ge [sflag:s14], $0x4000  }
0x2be: {  	[sflag:s14] =	ssyncset.done $0x0  }
0x2bf: {  	s22 =	simm.s32 $0x1680;
	[sflag:s14] =	ssyncadd.s32 $0xFFFFC000  }
0x2c0: {  	[spmem:s3] =	stream.indirect.scatter.add.f32 [tilespmem:s13], [sflag:$0x2], $0x80, s22, s11, $0xb8;
	[tilespmem:$0x1DC00] =	vst v63  }
0x2c1: {  	_ =	swait.ge [sflag:s15], $0x4000  }
0x2c2: {  	[sflag:s15] =	ssyncset.done $0x0  }
0x2c3: {  	s23 =	simm.s32 $0x780;
	[sflag:s15] =	ssyncadd.s32 $0xFFFFC000  }
0x2c4: {  	[tilespmem:s13], [sflag:$0x1] =	stream.indirect.gather [hbm4b:s1+s11], $0x80, s23, s11, $0xb8;
	[tilespmem:$0x1DC00] =	vst v63  }
0x2c5: {  	_ =	swait.ge [sflag:s14], $0x4000  }
0x2c6: {  	[sflag:s14] =	ssyncset.done $0x0  }
0x2c7: {  	s24 =	simm.s32 $0x1700;
	[sflag:s14] =	ssyncadd.s32 $0xFFFFC000  }
0x2c8: {  	[spmem:s3] =	stream.indirect.scatter.add.f32 [tilespmem:s12], [sflag:$0x2], $0x80, s24, s11, $0xb8;
	[tilespmem:$0x1DC00] =	vst v63  }
0x2c9: {  	_ =	swait.ge [sflag:s15], $0x4000  }
0x2ca: {  	[sflag:s15] =	ssyncset.done $0x0  }
0x2cb: {  	[sflag:s15] =	ssyncadd.s32 $0xFFFFC000  }
0x2cc: {  	_ =	swait.ge [sflag:s14], $0x4000  }
0x2cd: {  	[sflag:s14] =	ssyncset.done $0x0  }
0x2ce: {  	s25 =	simm.s32 $0x1780;
	[sflag:s14] =	ssyncadd.s32 $0xFFFFC000  }
0x2cf: {  	[spmem:s3] =	stream.indirect.scatter.add.f32 [tilespmem:s13], [sflag:$0x2], $0x80, s25, s11, $0xb8;
	[tilespmem:$0x1DC00] =	vst v63  }
0x2d0: {  	_ =	swait.ge [sflag:s15], $0x4000  }
0x2d1: {  	[sflag:s15] =	ssyncset.done $0x0  }
0x2d2: {  	[sflag:s15] =	ssyncadd.s32 $0xFFFFC000  }
0x2d3: {  	[bflag:$0x0] =	sbarrier.arrive $0xFFFF  }
0x2d4: {  	s26 =	rddreg [dreg:$0x13]  }
0x2d5: {  	s0 =	ssub.s32 $0x2, s26  }
0x2d6: {  	s30 =	sshrl.u32 s0, $0x1  }
0x2d7: {  	s30 =	ssub.s32 s0, s30  }
0x2d8: {  	s30 =	smax.u32 s30, $0x1  }
0x2d9: {  	p0 =	sne.s32 s30, $0x1  }
.Ltmp0:
0x2da: {  	s31 =	rddreg [dreg:$0x10];
	(pc) =	sbr.rel @!p0 .LBB2_3-.Ltmp0, $4  }
0x2db: {  	[dreg:$0x11] =	wrdreg s28  }
0x2dc: {  	[dreg:$0x12] =	wrdreg s7  }
0x2dd: {  	[hbm:s31], [sflag:s28] =	dma.local [spmem:s7], $0x2780  }
0x2de: {  	_ =	swait.ge [sflag:s6], $0x2780;
	s30 =	sadd.s32 $0xFFFFFFFF, s30  }
0x2df: {  	s10 =	simm.s32 $0x800  }
0x2e0: {  	s8 =	simm.s32 $0x1800;
	s7 =	simm.s32 $0x900;
	s9 =	simm.s32 $0x1880  }
0x2e1: {  	s16 =	simm.s32 $0x980;
	s17 =	simm.s32 $0x1900;
	s18 =	simm.s32 $0xA00  }
0x2e2: {  	s19 =	simm.s32 $0x1980;
	s20 =	simm.s32 $0xA80;
	s21 =	simm.s32 $0x1A00  }
0x2e3: {  	s22 =	simm.s32 $0xB00;
	s23 =	simm.s32 $0x1A80;
	s24 =	simm.s32 $0xB80  }
0x2e4: {  	s25 =	simm.s32 $0x1B00;
	s26 =	simm.s32 $0xC00;
	s28 =	simm.s32 $0x1B80  }
.LBB2_2:
0x2e5: {  	s31 =	rddreg [dreg:$0x5]  }
0x2e6: {  	[sflag:s6] =	ssyncset.done $0x0;
	s0 =	rddreg [dreg:$0x11]  }
0x2e7: {  	s2 =	rddreg [dreg:$0x12];
	[sflag:s6] =	ssyncadd.s32 $0xFFFFD880  }
0x2e8: {  	[spmem:s2], [sflag:s0] =	dma.local [hbm:s31], $0x2780  }
0x2e9: {  	_ =	swait.ge [sflag:s6], $0x2780  }
0x2ea: {  	[sflag:s6] =	ssyncset.done $0x0  }
0x2eb: {  	[sflag:s6] =	ssyncadd.s32 $0xFFFFD880  }
0x2ec: {  	[bflag:$0x0] =	sbarrier.arrive $0xFFFF  }
0x2ed: {  	s2 =	rddreg [dreg:$0x6]  }
0x2ee: {  	[tilespmem:s4], [sflag:$0x4] =	stream.linear.gather [hbm4b:s2+s4], $0x800, $0x38;
	[tilespmem:$0x1DC00] =	vst v63  }
0x2ef: {  	_ =	swait.ge [sflag:s6], $0x800  }
0x2f0: {  	[sflag:s6] =	ssyncset.done $0x0  }
0x2f1: {  	s0 =	simm.s32 $0x1000;
	s5 =	rddreg [dreg:$0x7];
	[sflag:s6] =	ssyncadd.s32 $0xFFFFF800  }
0x2f2: {  	[tilespmem:s0], [sflag:$0x4] =	stream.linear.gather [hbm4b:s5+s4], $0x800, $0x38;
	[tilespmem:$0x1DC00] =	vst v63  }
0x2f3: {  	_ =	swait.ge [sflag:s6], $0x800  }
0x2f4: {  	[sflag:s6] =	ssyncset.done $0x0  }
0x2f5: {  	s2 =	rddreg [dreg:$0x8];
	[sflag:s6] =	ssyncadd.s32 $0xFFFFF800  }
0x2f6: {  	[tilespmem:s10], [sflag:$0x3] =	stream.linear.gather [hbm4b:s2+s4], $0x800, $0x38;
	[tilespmem:$0x1DC00] =	vst v63  }
0x2f7: {  	s5 =	rddreg [dreg:$0x9]  }
0x2f8: {  	[tilespmem:s8], [sflag:$0x3] =	stream.linear.gather [hbm4b:s5+s4], $0x800, $0x38;
	[tilespmem:$0x1DC00] =	vst v63  }
0x2f9: {  	_ = 	snop  }
0x2fa: {  	[tilespmem:s12], [sflag:$0x1] =	stream.indirect.gather [hbm4b:s1+s11], $0x80, s4, s11, $0xb8;
	[tilespmem:$0x1DC00] =	vst v63  }
0x2fb: {  	_ = 	snop  }
0x2fc: {  	[tilespmem:s13], [sflag:$0x1] =	stream.indirect.gather [hbm4b:s1+s11], $0x80, s11, s11, $0xb8;
	[tilespmem:$0x1DC00] =	vst v63  }
0x2fd: {  	_ =	swait.ge [sflag:s14], $0x4000  }
0x2fe: {  	[sflag:s14] =	ssyncset.done $0x0  }
0x2ff: {  	[sflag:s14] =	ssyncadd.s32 $0xFFFFC000  }
0x300: {  	[spmem:s3] =	stream.indirect.scatter.add.f32 [tilespmem:s12], [sflag:$0x2], $0x80, s0, s11, $0xb8;
	[tilespmem:$0x1DC00] =	vst v63  }
0x301: {  	_ =	swait.ge [sflag:s15], $0x4000  }
0x302: {  	[sflag:s15] =	ssyncset.done $0x0  }
0x303: {  	s31 =	simm.s32 $0x100;
	[sflag:s15] =	ssyncadd.s32 $0xFFFFC000  }
0x304: {  	[tilespmem:s12], [sflag:$0x1] =	stream.indirect.gather [hbm4b:s1+s11], $0x80, s31, s11, $0xb8;
	[tilespmem:$0x1DC00] =	vst v63  }
0x305: {  	_ =	swait.ge [sflag:s14], $0x4000  }
0x306: {  	[sflag:s14] =	ssyncset.done $0x0  }
0x307: {  	s5 =	simm.s32 $0x1080;
	[sflag:s14] =	ssyncadd.s32 $0xFFFFC000  }
0x308: {  	[spmem:s3] =	stream.indirect.scatter.add.f32 [tilespmem:s13], [sflag:$0x2], $0x80, s5, s11, $0xb8;
	[tilespmem:$0x1DC00] =	vst v63  }
0x309: {  	_ =	swait.ge [sflag:s15], $0x4000  }
0x30a: {  	[sflag:s15] =	ssyncset.done $0x0  }
0x30b: {  	s31 =	simm.s32 $0x180;
	[sflag:s15] =	ssyncadd.s32 $0xFFFFC000  }
0x30c: {  	[tilespmem:s13], [sflag:$0x1] =	stream.indirect.gather [hbm4b:s1+s11], $0x80, s31, s11, $0xb8;
	[tilespmem:$0x1DC00] =	vst v63  }
0x30d: {  	_ =	swait.ge [sflag:s14], $0x4000  }
0x30e: {  	[sflag:s14] =	ssyncset.done $0x0  }
0x30f: {  	s5 =	simm.s32 $0x1100;
	[sflag:s14] =	ssyncadd.s32 $0xFFFFC000  }
0x310: {  	[spmem:s3] =	stream.indirect.scatter.add.f32 [tilespmem:s12], [sflag:$0x2], $0x80, s5, s11, $0xb8;
	[tilespmem:$0x1DC00] =	vst v63  }
0x311: {  	_ =	swait.ge [sflag:s15], $0x4000  }
0x312: {  	[sflag:s15] =	ssyncset.done $0x0  }
0x313: {  	s31 =	simm.s32 $0x200;
	[sflag:s15] =	ssyncadd.s32 $0xFFFFC000  }
0x314: {  	[tilespmem:s12], [sflag:$0x1] =	stream.indirect.gather [hbm4b:s1+s11], $0x80, s31, s11, $0xb8;
	[tilespmem:$0x1DC00] =	vst v63  }
0x315: {  	_ =	swait.ge [sflag:s14], $0x4000  }
0x316: {  	[sflag:s14] =	ssyncset.done $0x0  }
0x317: {  	s5 =	simm.s32 $0x1180;
	[sflag:s14] =	ssyncadd.s32 $0xFFFFC000  }
0x318: {  	[spmem:s3] =	stream.indirect.scatter.add.f32 [tilespmem:s13], [sflag:$0x2], $0x80, s5, s11, $0xb8;
	[tilespmem:$0x1DC00] =	vst v63  }
0x319: {  	_ =	swait.ge [sflag:s15], $0x4000  }
0x31a: {  	[sflag:s15] =	ssyncset.done $0x0  }
0x31b: {  	s31 =	simm.s32 $0x280;
	[sflag:s15] =	ssyncadd.s32 $0xFFFFC000  }
0x31c: {  	[tilespmem:s13], [sflag:$0x1] =	stream.indirect.gather [hbm4b:s1+s11], $0x80, s31, s11, $0xb8;
	[tilespmem:$0x1DC00] =	vst v63  }
0x31d: {  	_ =	swait.ge [sflag:s14], $0x4000  }
0x31e: {  	[sflag:s14] =	ssyncset.done $0x0  }
0x31f: {  	s5 =	simm.s32 $0x1200;
	[sflag:s14] =	ssyncadd.s32 $0xFFFFC000  }
0x320: {  	[spmem:s3] =	stream.indirect.scatter.add.f32 [tilespmem:s12], [sflag:$0x2], $0x80, s5, s11, $0xb8;
	[tilespmem:$0x1DC00] =	vst v63  }
0x321: {  	_ =	swait.ge [sflag:s15], $0x4000  }
0x322: {  	[sflag:s15] =	ssyncset.done $0x0  }
0x323: {  	s31 =	simm.s32 $0x300;
	[sflag:s15] =	ssyncadd.s32 $0xFFFFC000  }
0x324: {  	[tilespmem:s12], [sflag:$0x1] =	stream.indirect.gather [hbm4b:s1+s11], $0x80, s31, s11, $0xb8;
	[tilespmem:$0x1DC00] =	vst v63  }
0x325: {  	_ =	swait.ge [sflag:s14], $0x4000  }
0x326: {  	[sflag:s14] =	ssyncset.done $0x0  }
0x327: {  	s5 =	simm.s32 $0x1280;
	[sflag:s14] =	ssyncadd.s32 $0xFFFFC000  }
0x328: {  	[spmem:s3] =	stream.indirect.scatter.add.f32 [tilespmem:s13], [sflag:$0x2], $0x80, s5, s11, $0xb8;
	[tilespmem:$0x1DC00] =	vst v63  }
0x329: {  	_ =	swait.ge [sflag:s15], $0x4000  }
0x32a: {  	[sflag:s15] =	ssyncset.done $0x0  }
0x32b: {  	s31 =	simm.s32 $0x380;
	[sflag:s15] =	ssyncadd.s32 $0xFFFFC000  }
0x32c: {  	[tilespmem:s13], [sflag:$0x1] =	stream.indirect.gather [hbm4b:s1+s11], $0x80, s31, s11, $0xb8;
	[tilespmem:$0x1DC00] =	vst v63  }
0x32d: {  	_ =	swait.ge [sflag:s14], $0x4000  }
0x32e: {  	[sflag:s14] =	ssyncset.done $0x0  }
0x32f: {  	s5 =	simm.s32 $0x1300;
	[sflag:s14] =	ssyncadd.s32 $0xFFFFC000  }
0x330: {  	[spmem:s3] =	stream.indirect.scatter.add.f32 [tilespmem:s12], [sflag:$0x2], $0x80, s5, s11, $0xb8;
	[tilespmem:$0x1DC00] =	vst v63  }
0x331: {  	_ =	swait.ge [sflag:s15], $0x4000  }
0x332: {  	[sflag:s15] =	ssyncset.done $0x0  }
0x333: {  	s31 =	simm.s32 $0x400;
	[sflag:s15] =	ssyncadd.s32 $0xFFFFC000  }
0x334: {  	[tilespmem:s12], [sflag:$0x1] =	stream.indirect.gather [hbm4b:s1+s11], $0x80, s31, s11, $0xb8;
	[tilespmem:$0x1DC00] =	vst v63  }
0x335: {  	_ =	swait.ge [sflag:s14], $0x4000  }
0x336: {  	[sflag:s14] =	ssyncset.done $0x0  }
0x337: {  	s5 =	simm.s32 $0x1380;
	[sflag:s14] =	ssyncadd.s32 $0xFFFFC000  }
0x338: {  	[spmem:s3] =	stream.indirect.scatter.add.f32 [tilespmem:s13], [sflag:$0x2], $0x80, s5, s11, $0xb8;
	[tilespmem:$0x1DC00] =	vst v63  }
0x339: {  	_ =	swait.ge [sflag:s15], $0x4000  }
0x33a: {  	[sflag:s15] =	ssyncset.done $0x0  }
0x33b: {  	s31 =	simm.s32 $0x480;
	[sflag:s15] =	ssyncadd.s32 $0xFFFFC000  }
0x33c: {  	[tilespmem:s13], [sflag:$0x1] =	stream.indirect.gather [hbm4b:s1+s11], $0x80, s31, s11, $0xb8;
	[tilespmem:$0x1DC00] =	vst v63  }
0x33d: {  	_ =	swait.ge [sflag:s14], $0x4000  }
0x33e: {  	[sflag:s14] =	ssyncset.done $0x0  }
0x33f: {  	s5 =	simm.s32 $0x1400;
	[sflag:s14] =	ssyncadd.s32 $0xFFFFC000  }
0x340: {  	[spmem:s3] =	stream.indirect.scatter.add.f32 [tilespmem:s12], [sflag:$0x2], $0x80, s5, s11, $0xb8;
	[tilespmem:$0x1DC00] =	vst v63  }
0x341: {  	_ =	swait.ge [sflag:s15], $0x4000  }
0x342: {  	[sflag:s15] =	ssyncset.done $0x0  }
0x343: {  	s31 =	simm.s32 $0x500;
	[sflag:s15] =	ssyncadd.s32 $0xFFFFC000  }
0x344: {  	[tilespmem:s12], [sflag:$0x1] =	stream.indirect.gather [hbm4b:s1+s11], $0x80, s31, s11, $0xb8;
	[tilespmem:$0x1DC00] =	vst v63  }
0x345: {  	_ =	swait.ge [sflag:s14], $0x4000  }
0x346: {  	[sflag:s14] =	ssyncset.done $0x0  }
0x347: {  	s5 =	simm.s32 $0x1480;
	[sflag:s14] =	ssyncadd.s32 $0xFFFFC000  }
0x348: {  	[spmem:s3] =	stream.indirect.scatter.add.f32 [tilespmem:s13], [sflag:$0x2], $0x80, s5, s11, $0xb8;
	[tilespmem:$0x1DC00] =	vst v63  }
0x349: {  	_ =	swait.ge [sflag:s15], $0x4000  }
0x34a: {  	[sflag:s15] =	ssyncset.done $0x0  }
0x34b: {  	s31 =	simm.s32 $0x580;
	[sflag:s15] =	ssyncadd.s32 $0xFFFFC000  }
0x34c: {  	[tilespmem:s13], [sflag:$0x1] =	stream.indirect.gather [hbm4b:s1+s11], $0x80, s31, s11, $0xb8;
	[tilespmem:$0x1DC00] =	vst v63  }
0x34d: {  	_ =	swait.ge [sflag:s14], $0x4000  }
0x34e: {  	[sflag:s14] =	ssyncset.done $0x0  }
0x34f: {  	s5 =	simm.s32 $0x1500;
	[sflag:s14] =	ssyncadd.s32 $0xFFFFC000  }
0x350: {  	[spmem:s3] =	stream.indirect.scatter.add.f32 [tilespmem:s12], [sflag:$0x2], $0x80, s5, s11, $0xb8;
	[tilespmem:$0x1DC00] =	vst v63  }
0x351: {  	_ =	swait.ge [sflag:s15], $0x4000  }
0x352: {  	[sflag:s15] =	ssyncset.done $0x0  }
0x353: {  	s31 =	simm.s32 $0x600;
	[sflag:s15] =	ssyncadd.s32 $0xFFFFC000  }
0x354: {  	[tilespmem:s12], [sflag:$0x1] =	stream.indirect.gather [hbm4b:s1+s11], $0x80, s31, s11, $0xb8;
	[tilespmem:$0x1DC00] =	vst v63  }
0x355: {  	_ =	swait.ge [sflag:s14], $0x4000  }
0x356: {  	[sflag:s14] =	ssyncset.done $0x0  }
0x357: {  	s5 =	simm.s32 $0x1580;
	[sflag:s14] =	ssyncadd.s32 $0xFFFFC000  }
0x358: {  	[spmem:s3] =	stream.indirect.scatter.add.f32 [tilespmem:s13], [sflag:$0x2], $0x80, s5, s11, $0xb8;
	[tilespmem:$0x1DC00] =	vst v63  }
0x359: {  	_ =	swait.ge [sflag:s15], $0x4000  }
0x35a: {  	[sflag:s15] =	ssyncset.done $0x0  }
0x35b: {  	s31 =	simm.s32 $0x680;
	[sflag:s15] =	ssyncadd.s32 $0xFFFFC000  }
0x35c: {  	[tilespmem:s13], [sflag:$0x1] =	stream.indirect.gather [hbm4b:s1+s11], $0x80, s31, s11, $0xb8;
	[tilespmem:$0x1DC00] =	vst v63  }
0x35d: {  	_ =	swait.ge [sflag:s14], $0x4000  }
0x35e: {  	[sflag:s14] =	ssyncset.done $0x0  }
0x35f: {  	s5 =	simm.s32 $0x1600;
	[sflag:s14] =	ssyncadd.s32 $0xFFFFC000  }
0x360: {  	[spmem:s3] =	stream.indirect.scatter.add.f32 [tilespmem:s12], [sflag:$0x2], $0x80, s5, s11, $0xb8;
	[tilespmem:$0x1DC00] =	vst v63  }
0x361: {  	_ =	swait.ge [sflag:s15], $0x4000  }
0x362: {  	[sflag:s15] =	ssyncset.done $0x0  }
0x363: {  	s31 =	simm.s32 $0x700;
	[sflag:s15] =	ssyncadd.s32 $0xFFFFC000  }
0x364: {  	[tilespmem:s12], [sflag:$0x1] =	stream.indirect.gather [hbm4b:s1+s11], $0x80, s31, s11, $0xb8;
	[tilespmem:$0x1DC00] =	vst v63  }
0x365: {  	_ =	swait.ge [sflag:s14], $0x4000  }
0x366: {  	[sflag:s14] =	ssyncset.done $0x0  }
0x367: {  	s5 =	simm.s32 $0x1680;
	[sflag:s14] =	ssyncadd.s32 $0xFFFFC000  }
0x368: {  	[spmem:s3] =	stream.indirect.scatter.add.f32 [tilespmem:s13], [sflag:$0x2], $0x80, s5, s11, $0xb8;
	[tilespmem:$0x1DC00] =	vst v63  }
0x369: {  	_ =	swait.ge [sflag:s15], $0x4000  }
0x36a: {  	[sflag:s15] =	ssyncset.done $0x0  }
0x36b: {  	s31 =	simm.s32 $0x780;
	[sflag:s15] =	ssyncadd.s32 $0xFFFFC000  }
0x36c: {  	[tilespmem:s13], [sflag:$0x1] =	stream.indirect.gather [hbm4b:s1+s11], $0x80, s31, s11, $0xb8;
	[tilespmem:$0x1DC00] =	vst v63  }
0x36d: {  	_ =	swait.ge [sflag:s14], $0x4000  }
0x36e: {  	[sflag:s14] =	ssyncset.done $0x0  }
0x36f: {  	s5 =	simm.s32 $0x1700;
	[sflag:s14] =	ssyncadd.s32 $0xFFFFC000  }
0x370: {  	[spmem:s3] =	stream.indirect.scatter.add.f32 [tilespmem:s12], [sflag:$0x2], $0x80, s5, s11, $0xb8;
	[tilespmem:$0x1DC00] =	vst v63  }
0x371: {  	_ =	swait.ge [sflag:s15], $0x4000  }
0x372: {  	[sflag:s15] =	ssyncset.done $0x0  }
0x373: {  	[sflag:s15] =	ssyncadd.s32 $0xFFFFC000  }
0x374: {  	_ =	swait.ge [sflag:s14], $0x4000  }
0x375: {  	[sflag:s14] =	ssyncset.done $0x0  }
0x376: {  	s31 =	simm.s32 $0x1780;
	[sflag:s14] =	ssyncadd.s32 $0xFFFFC000  }
0x377: {  	[spmem:s3] =	stream.indirect.scatter.add.f32 [tilespmem:s13], [sflag:$0x2], $0x80, s31, s11, $0xb8;
	[tilespmem:$0x1DC00] =	vst v63  }
0x378: {  	_ =	swait.ge [sflag:s15], $0x4000  }
0x379: {  	[sflag:s15] =	ssyncset.done $0x0  }
0x37a: {  	[sflag:s15] =	ssyncadd.s32 $0xFFFFC000  }
0x37b: {  	_ =	swait.ge [sflag:s29], $0x800  }
0x37c: {  	[sflag:s29] =	ssyncset.done $0x0  }
0x37d: {  	[sflag:s29] =	ssyncadd.s32 $0xFFFFF800  }
0x37e: {  	_ =	swait.ge [sflag:s29], $0x800  }
0x37f: {  	[sflag:s29] =	ssyncset.done $0x0  }
0x380: {  	s2 =	rddreg [dreg:$0xa];
	[sflag:s29] =	ssyncadd.s32 $0xFFFFF800  }
0x381: {  	[tilespmem:s4], [sflag:$0x3] =	stream.linear.gather [hbm4b:s2+s4], $0x800, $0x38;
	[tilespmem:$0x1DC00] =	vst v63  }
0x382: {  	s5 =	rddreg [dreg:$0xb]  }
0x383: {  	[tilespmem:s0], [sflag:$0x3] =	stream.linear.gather [hbm4b:s5+s4], $0x800, $0x38;
	[tilespmem:$0x1DC00] =	vst v63  }
0x384: {  	_ = 	snop  }
0x385: {  	[tilespmem:s12], [sflag:$0x1] =	stream.indirect.gather [hbm4b:s1+s11], $0x80, s10, s11, $0xb8;
	[tilespmem:$0x1DC00] =	vst v63  }
0x386: {  	s5 =	simm.s32 $0x880  }
0x387: {  	[tilespmem:s13], [sflag:$0x1] =	stream.indirect.gather [hbm4b:s1+s11], $0x80, s5, s11, $0xb8;
	[tilespmem:$0x1DC00] =	vst v63  }
0x388: {  	_ =	swait.ge [sflag:s14], $0x4000  }
0x389: {  	[sflag:s14] =	ssyncset.done $0x0  }
0x38a: {  	[sflag:s14] =	ssyncadd.s32 $0xFFFFC000  }
0x38b: {  	[spmem:s3] =	stream.indirect.scatter.add.f32 [tilespmem:s12], [sflag:$0x2], $0x80, s8, s11, $0xb8;
	[tilespmem:$0x1DC00] =	vst v63  }
0x38c: {  	_ =	swait.ge [sflag:s15], $0x4000  }
0x38d: {  	[sflag:s15] =	ssyncset.done $0x0  }
0x38e: {  	[sflag:s15] =	ssyncadd.s32 $0xFFFFC000  }
0x38f: {  	[tilespmem:s12], [sflag:$0x1] =	stream.indirect.gather [hbm4b:s1+s11], $0x80, s7, s11, $0xb8;
	[tilespmem:$0x1DC00] =	vst v63  }
0x390: {  	_ =	swait.ge [sflag:s14], $0x4000  }
0x391: {  	[sflag:s14] =	ssyncset.done $0x0  }
0x392: {  	[sflag:s14] =	ssyncadd.s32 $0xFFFFC000  }
0x393: {  	[spmem:s3] =	stream.indirect.scatter.add.f32 [tilespmem:s13], [sflag:$0x2], $0x80, s9, s11, $0xb8;
	[tilespmem:$0x1DC00] =	vst v63  }
0x394: {  	_ =	swait.ge [sflag:s15], $0x4000  }
0x395: {  	[sflag:s15] =	ssyncset.done $0x0  }
0x396: {  	[sflag:s15] =	ssyncadd.s32 $0xFFFFC000  }
0x397: {  	[tilespmem:s13], [sflag:$0x1] =	stream.indirect.gather [hbm4b:s1+s11], $0x80, s16, s11, $0xb8;
	[tilespmem:$0x1DC00] =	vst v63  }
0x398: {  	_ =	swait.ge [sflag:s14], $0x4000  }
0x399: {  	[sflag:s14] =	ssyncset.done $0x0  }
0x39a: {  	[sflag:s14] =	ssyncadd.s32 $0xFFFFC000  }
0x39b: {  	[spmem:s3] =	stream.indirect.scatter.add.f32 [tilespmem:s12], [sflag:$0x2], $0x80, s17, s11, $0xb8;
	[tilespmem:$0x1DC00] =	vst v63  }
0x39c: {  	_ =	swait.ge [sflag:s15], $0x4000  }
0x39d: {  	[sflag:s15] =	ssyncset.done $0x0  }
0x39e: {  	[sflag:s15] =	ssyncadd.s32 $0xFFFFC000  }
0x39f: {  	[tilespmem:s12], [sflag:$0x1] =	stream.indirect.gather [hbm4b:s1+s11], $0x80, s18, s11, $0xb8;
	[tilespmem:$0x1DC00] =	vst v63  }
0x3a0: {  	_ =	swait.ge [sflag:s14], $0x4000  }
0x3a1: {  	[sflag:s14] =	ssyncset.done $0x0  }
0x3a2: {  	[sflag:s14] =	ssyncadd.s32 $0xFFFFC000  }
0x3a3: {  	[spmem:s3] =	stream.indirect.scatter.add.f32 [tilespmem:s13], [sflag:$0x2], $0x80, s19, s11, $0xb8;
	[tilespmem:$0x1DC00] =	vst v63  }
0x3a4: {  	_ =	swait.ge [sflag:s15], $0x4000  }
0x3a5: {  	[sflag:s15] =	ssyncset.done $0x0  }
0x3a6: {  	[sflag:s15] =	ssyncadd.s32 $0xFFFFC000  }
0x3a7: {  	[tilespmem:s13], [sflag:$0x1] =	stream.indirect.gather [hbm4b:s1+s11], $0x80, s20, s11, $0xb8;
	[tilespmem:$0x1DC00] =	vst v63  }
0x3a8: {  	_ =	swait.ge [sflag:s14], $0x4000  }
0x3a9: {  	[sflag:s14] =	ssyncset.done $0x0  }
0x3aa: {  	[sflag:s14] =	ssyncadd.s32 $0xFFFFC000  }
0x3ab: {  	[spmem:s3] =	stream.indirect.scatter.add.f32 [tilespmem:s12], [sflag:$0x2], $0x80, s21, s11, $0xb8;
	[tilespmem:$0x1DC00] =	vst v63  }
0x3ac: {  	_ =	swait.ge [sflag:s15], $0x4000  }
0x3ad: {  	[sflag:s15] =	ssyncset.done $0x0  }
0x3ae: {  	[sflag:s15] =	ssyncadd.s32 $0xFFFFC000  }
0x3af: {  	[tilespmem:s12], [sflag:$0x1] =	stream.indirect.gather [hbm4b:s1+s11], $0x80, s22, s11, $0xb8;
	[tilespmem:$0x1DC00] =	vst v63  }
0x3b0: {  	_ =	swait.ge [sflag:s14], $0x4000  }
0x3b1: {  	[sflag:s14] =	ssyncset.done $0x0  }
0x3b2: {  	[sflag:s14] =	ssyncadd.s32 $0xFFFFC000  }
0x3b3: {  	[spmem:s3] =	stream.indirect.scatter.add.f32 [tilespmem:s13], [sflag:$0x2], $0x80, s23, s11, $0xb8;
	[tilespmem:$0x1DC00] =	vst v63  }
0x3b4: {  	_ =	swait.ge [sflag:s15], $0x4000  }
0x3b5: {  	[sflag:s15] =	ssyncset.done $0x0  }
0x3b6: {  	[sflag:s15] =	ssyncadd.s32 $0xFFFFC000  }
0x3b7: {  	[tilespmem:s13], [sflag:$0x1] =	stream.indirect.gather [hbm4b:s1+s11], $0x80, s24, s11, $0xb8;
	[tilespmem:$0x1DC00] =	vst v63  }
0x3b8: {  	_ =	swait.ge [sflag:s14], $0x4000  }
0x3b9: {  	[sflag:s14] =	ssyncset.done $0x0  }
0x3ba: {  	[sflag:s14] =	ssyncadd.s32 $0xFFFFC000  }
0x3bb: {  	[spmem:s3] =	stream.indirect.scatter.add.f32 [tilespmem:s12], [sflag:$0x2], $0x80, s25, s11, $0xb8;
	[tilespmem:$0x1DC00] =	vst v63  }
0x3bc: {  	_ =	swait.ge [sflag:s15], $0x4000  }
0x3bd: {  	[sflag:s15] =	ssyncset.done $0x0  }
0x3be: {  	[sflag:s15] =	ssyncadd.s32 $0xFFFFC000  }
0x3bf: {  	[tilespmem:s12], [sflag:$0x1] =	stream.indirect.gather [hbm4b:s1+s11], $0x80, s26, s11, $0xb8;
	[tilespmem:$0x1DC00] =	vst v63  }
0x3c0: {  	_ =	swait.ge [sflag:s14], $0x4000  }
0x3c1: {  	[sflag:s14] =	ssyncset.done $0x0  }
0x3c2: {  	[sflag:s14] =	ssyncadd.s32 $0xFFFFC000  }
0x3c3: {  	[spmem:s3] =	stream.indirect.scatter.add.f32 [tilespmem:s13], [sflag:$0x2], $0x80, s28, s11, $0xb8;
	[tilespmem:$0x1DC00] =	vst v63  }
0x3c4: {  	_ =	swait.ge [sflag:s15], $0x4000  }
0x3c5: {  	[sflag:s15] =	ssyncset.done $0x0  }
0x3c6: {  	s31 =	simm.s32 $0xC80;
	[sflag:s15] =	ssyncadd.s32 $0xFFFFC000  }
0x3c7: {  	[tilespmem:s13], [sflag:$0x1] =	stream.indirect.gather [hbm4b:s1+s11], $0x80, s31, s11, $0xb8;
	[tilespmem:$0x1DC00] =	vst v63  }
0x3c8: {  	_ =	swait.ge [sflag:s14], $0x4000  }
0x3c9: {  	[sflag:s14] =	ssyncset.done $0x0  }
0x3ca: {  	s31 =	simm.s32 $0x1C00;
	[sflag:s14] =	ssyncadd.s32 $0xFFFFC000  }
0x3cb: {  	[spmem:s3] =	stream.indirect.scatter.add.f32 [tilespmem:s12], [sflag:$0x2], $0x80, s31, s11, $0xb8;
	[tilespmem:$0x1DC00] =	vst v63  }
0x3cc: {  	_ =	swait.ge [sflag:s15], $0x4000  }
0x3cd: {  	[sflag:s15] =	ssyncset.done $0x0  }
0x3ce: {  	s31 =	simm.s32 $0xD00;
	[sflag:s15] =	ssyncadd.s32 $0xFFFFC000  }
0x3cf: {  	[tilespmem:s12], [sflag:$0x1] =	stream.indirect.gather [hbm4b:s1+s11], $0x80, s31, s11, $0xb8;
	[tilespmem:$0x1DC00] =	vst v63  }
0x3d0: {  	_ =	swait.ge [sflag:s14], $0x4000  }
0x3d1: {  	[sflag:s14] =	ssyncset.done $0x0  }
0x3d2: {  	s31 =	simm.s32 $0x1C80;
	[sflag:s14] =	ssyncadd.s32 $0xFFFFC000  }
0x3d3: {  	[spmem:s3] =	stream.indirect.scatter.add.f32 [tilespmem:s13], [sflag:$0x2], $0x80, s31, s11, $0xb8;
	[tilespmem:$0x1DC00] =	vst v63  }
0x3d4: {  	_ =	swait.ge [sflag:s15], $0x4000  }
0x3d5: {  	[sflag:s15] =	ssyncset.done $0x0  }
0x3d6: {  	s31 =	simm.s32 $0xD80;
	[sflag:s15] =	ssyncadd.s32 $0xFFFFC000  }
0x3d7: {  	[tilespmem:s13], [sflag:$0x1] =	stream.indirect.gather [hbm4b:s1+s11], $0x80, s31, s11, $0xb8;
	[tilespmem:$0x1DC00] =	vst v63  }
0x3d8: {  	_ =	swait.ge [sflag:s14], $0x4000  }
0x3d9: {  	[sflag:s14] =	ssyncset.done $0x0  }
0x3da: {  	s31 =	simm.s32 $0x1D00;
	[sflag:s14] =	ssyncadd.s32 $0xFFFFC000  }
0x3db: {  	[spmem:s3] =	stream.indirect.scatter.add.f32 [tilespmem:s12], [sflag:$0x2], $0x80, s31, s11, $0xb8;
	[tilespmem:$0x1DC00] =	vst v63  }
0x3dc: {  	_ =	swait.ge [sflag:s15], $0x4000  }
0x3dd: {  	[sflag:s15] =	ssyncset.done $0x0  }
0x3de: {  	s31 =	simm.s32 $0xE00;
	[sflag:s15] =	ssyncadd.s32 $0xFFFFC000  }
0x3df: {  	[tilespmem:s12], [sflag:$0x1] =	stream.indirect.gather [hbm4b:s1+s11], $0x80, s31, s11, $0xb8;
	[tilespmem:$0x1DC00] =	vst v63  }
0x3e0: {  	_ =	swait.ge [sflag:s14], $0x4000  }
0x3e1: {  	[sflag:s14] =	ssyncset.done $0x0  }
0x3e2: {  	s31 =	simm.s32 $0x1D80;
	[sflag:s14] =	ssyncadd.s32 $0xFFFFC000  }
0x3e3: {  	[spmem:s3] =	stream.indirect.scatter.add.f32 [tilespmem:s13], [sflag:$0x2], $0x80, s31, s11, $0xb8;
	[tilespmem:$0x1DC00] =	vst v63  }
0x3e4: {  	_ =	swait.ge [sflag:s15], $0x4000  }
0x3e5: {  	[sflag:s15] =	ssyncset.done $0x0  }
0x3e6: {  	s31 =	simm.s32 $0xE80;
	[sflag:s15] =	ssyncadd.s32 $0xFFFFC000  }
0x3e7: {  	[tilespmem:s13], [sflag:$0x1] =	stream.indirect.gather [hbm4b:s1+s11], $0x80, s31, s11, $0xb8;
	[tilespmem:$0x1DC00] =	vst v63  }
0x3e8: {  	_ =	swait.ge [sflag:s14], $0x4000  }
0x3e9: {  	[sflag:s14] =	ssyncset.done $0x0  }
0x3ea: {  	s31 =	simm.s32 $0x1E00;
	[sflag:s14] =	ssyncadd.s32 $0xFFFFC000  }
0x3eb: {  	[spmem:s3] =	stream.indirect.scatter.add.f32 [tilespmem:s12], [sflag:$0x2], $0x80, s31, s11, $0xb8;
	[tilespmem:$0x1DC00] =	vst v63  }
0x3ec: {  	_ =	swait.ge [sflag:s15], $0x4000  }
0x3ed: {  	[sflag:s15] =	ssyncset.done $0x0  }
0x3ee: {  	s31 =	simm.s32 $0xF00;
	[sflag:s15] =	ssyncadd.s32 $0xFFFFC000  }
0x3ef: {  	[tilespmem:s12], [sflag:$0x1] =	stream.indirect.gather [hbm4b:s1+s11], $0x80, s31, s11, $0xb8;
	[tilespmem:$0x1DC00] =	vst v63  }
0x3f0: {  	_ =	swait.ge [sflag:s14], $0x4000  }
0x3f1: {  	[sflag:s14] =	ssyncset.done $0x0  }
0x3f2: {  	s31 =	simm.s32 $0x1E80;
	[sflag:s14] =	ssyncadd.s32 $0xFFFFC000  }
0x3f3: {  	[spmem:s3] =	stream.indirect.scatter.add.f32 [tilespmem:s13], [sflag:$0x2], $0x80, s31, s11, $0xb8;
	[tilespmem:$0x1DC00] =	vst v63  }
0x3f4: {  	_ =	swait.ge [sflag:s15], $0x4000  }
0x3f5: {  	[sflag:s15] =	ssyncset.done $0x0  }
0x3f6: {  	s31 =	simm.s32 $0xF80;
	[sflag:s15] =	ssyncadd.s32 $0xFFFFC000  }
0x3f7: {  	[tilespmem:s13], [sflag:$0x1] =	stream.indirect.gather [hbm4b:s1+s11], $0x80, s31, s11, $0xb8;
	[tilespmem:$0x1DC00] =	vst v63  }
0x3f8: {  	_ =	swait.ge [sflag:s14], $0x4000  }
0x3f9: {  	[sflag:s14] =	ssyncset.done $0x0  }
0x3fa: {  	s31 =	simm.s32 $0x1F00;
	[sflag:s14] =	ssyncadd.s32 $0xFFFFC000  }
0x3fb: {  	[spmem:s3] =	stream.indirect.scatter.add.f32 [tilespmem:s12], [sflag:$0x2], $0x80, s31, s11, $0xb8;
	[tilespmem:$0x1DC00] =	vst v63  }
0x3fc: {  	_ =	swait.ge [sflag:s15], $0x4000  }
0x3fd: {  	[sflag:s15] =	ssyncset.done $0x0  }
0x3fe: {  	[sflag:s15] =	ssyncadd.s32 $0xFFFFC000  }
0x3ff: {  	_ =	swait.ge [sflag:s14], $0x4000  }
0x400: {  	[sflag:s14] =	ssyncset.done $0x0  }
0x401: {  	s31 =	simm.s32 $0x1F80;
	[sflag:s14] =	ssyncadd.s32 $0xFFFFC000  }
0x402: {  	[spmem:s3] =	stream.indirect.scatter.add.f32 [tilespmem:s13], [sflag:$0x2], $0x80, s31, s11, $0xb8;
	[tilespmem:$0x1DC00] =	vst v63  }
0x403: {  	_ =	swait.ge [sflag:s15], $0x4000  }
0x404: {  	[sflag:s15] =	ssyncset.done $0x0  }
0x405: {  	[sflag:s15] =	ssyncadd.s32 $0xFFFFC000  }
0x406: {  	_ =	swait.ge [sflag:s29], $0x800  }
0x407: {  	[sflag:s29] =	ssyncset.done $0x0  }
0x408: {  	[sflag:s29] =	ssyncadd.s32 $0xFFFFF800  }
0x409: {  	_ =	swait.ge [sflag:s29], $0x800  }
0x40a: {  	[sflag:s29] =	ssyncset.done $0x0  }
0x40b: {  	s2 =	rddreg [dreg:$0xc];
	[sflag:s29] =	ssyncadd.s32 $0xFFFFF800  }
0x40c: {  	[tilespmem:s10], [sflag:$0x3] =	stream.linear.gather [hbm4b:s2+s4], $0x800, $0x38;
	[tilespmem:$0x1DC00] =	vst v63  }
0x40d: {  	s31 =	rddreg [dreg:$0xd]  }
0x40e: {  	[tilespmem:s8], [sflag:$0x3] =	stream.linear.gather [hbm4b:s31+s4], $0x800, $0x38;
	[tilespmem:$0x1DC00] =	vst v63  }
0x40f: {  	_ = 	snop  }
0x410: {  	[tilespmem:s12], [sflag:$0x1] =	stream.indirect.gather [hbm4b:s1+s11], $0x80, s4, s11, $0xb8;
	[tilespmem:$0x1DC00] =	vst v63  }
0x411: {  	_ = 	snop  }
0x412: {  	[tilespmem:s13], [sflag:$0x1] =	stream.indirect.gather [hbm4b:s1+s11], $0x80, s11, s11, $0xb8;
	[tilespmem:$0x1DC00] =	vst v63  }
0x413: {  	_ =	swait.ge [sflag:s14], $0x4000  }
0x414: {  	[sflag:s14] =	ssyncset.done $0x0  }
0x415: {  	[sflag:s14] =	ssyncadd.s32 $0xFFFFC000  }
0x416: {  	[spmem:s3] =	stream.indirect.scatter.add.f32 [tilespmem:s12], [sflag:$0x2], $0x80, s0, s11, $0xb8;
	[tilespmem:$0x1DC00] =	vst v63  }
0x417: {  	_ =	swait.ge [sflag:s15], $0x4000  }
0x418: {  	[sflag:s15] =	ssyncset.done $0x0  }
0x419: {  	s31 =	simm.s32 $0x100;
	[sflag:s15] =	ssyncadd.s32 $0xFFFFC000  }
0x41a: {  	[tilespmem:s12], [sflag:$0x1] =	stream.indirect.gather [hbm4b:s1+s11], $0x80, s31, s11, $0xb8;
	[tilespmem:$0x1DC00] =	vst v63  }
0x41b: {  	_ =	swait.ge [sflag:s14], $0x4000  }
0x41c: {  	[sflag:s14] =	ssyncset.done $0x0  }
0x41d: {  	s31 =	simm.s32 $0x1080;
	[sflag:s14] =	ssyncadd.s32 $0xFFFFC000  }
0x41e: {  	[spmem:s3] =	stream.indirect.scatter.add.f32 [tilespmem:s13], [sflag:$0x2], $0x80, s31, s11, $0xb8;
	[tilespmem:$0x1DC00] =	vst v63  }
0x41f: {  	_ =	swait.ge [sflag:s15], $0x4000  }
0x420: {  	[sflag:s15] =	ssyncset.done $0x0  }
0x421: {  	s31 =	simm.s32 $0x180;
	[sflag:s15] =	ssyncadd.s32 $0xFFFFC000  }
0x422: {  	[tilespmem:s13], [sflag:$0x1] =	stream.indirect.gather [hbm4b:s1+s11], $0x80, s31, s11, $0xb8;
	[tilespmem:$0x1DC00] =	vst v63  }
0x423: {  	_ =	swait.ge [sflag:s14], $0x4000  }
0x424: {  	[sflag:s14] =	ssyncset.done $0x0  }
0x425: {  	s31 =	simm.s32 $0x1100;
	[sflag:s14] =	ssyncadd.s32 $0xFFFFC000  }
0x426: {  	[spmem:s3] =	stream.indirect.scatter.add.f32 [tilespmem:s12], [sflag:$0x2], $0x80, s31, s11, $0xb8;
	[tilespmem:$0x1DC00] =	vst v63  }
0x427: {  	_ =	swait.ge [sflag:s15], $0x4000  }
0x428: {  	[sflag:s15] =	ssyncset.done $0x0  }
0x429: {  	s31 =	simm.s32 $0x200;
	[sflag:s15] =	ssyncadd.s32 $0xFFFFC000  }
0x42a: {  	[tilespmem:s12], [sflag:$0x1] =	stream.indirect.gather [hbm4b:s1+s11], $0x80, s31, s11, $0xb8;
	[tilespmem:$0x1DC00] =	vst v63  }
0x42b: {  	_ =	swait.ge [sflag:s14], $0x4000  }
0x42c: {  	[sflag:s14] =	ssyncset.done $0x0  }
0x42d: {  	s31 =	simm.s32 $0x1180;
	[sflag:s14] =	ssyncadd.s32 $0xFFFFC000  }
0x42e: {  	[spmem:s3] =	stream.indirect.scatter.add.f32 [tilespmem:s13], [sflag:$0x2], $0x80, s31, s11, $0xb8;
	[tilespmem:$0x1DC00] =	vst v63  }
0x42f: {  	_ =	swait.ge [sflag:s15], $0x4000  }
0x430: {  	[sflag:s15] =	ssyncset.done $0x0  }
0x431: {  	s31 =	simm.s32 $0x280;
	[sflag:s15] =	ssyncadd.s32 $0xFFFFC000  }
0x432: {  	[tilespmem:s13], [sflag:$0x1] =	stream.indirect.gather [hbm4b:s1+s11], $0x80, s31, s11, $0xb8;
	[tilespmem:$0x1DC00] =	vst v63  }
0x433: {  	_ =	swait.ge [sflag:s14], $0x4000  }
0x434: {  	[sflag:s14] =	ssyncset.done $0x0  }
0x435: {  	s31 =	simm.s32 $0x1200;
	[sflag:s14] =	ssyncadd.s32 $0xFFFFC000  }
0x436: {  	[spmem:s3] =	stream.indirect.scatter.add.f32 [tilespmem:s12], [sflag:$0x2], $0x80, s31, s11, $0xb8;
	[tilespmem:$0x1DC00] =	vst v63  }
0x437: {  	_ =	swait.ge [sflag:s15], $0x4000  }
0x438: {  	[sflag:s15] =	ssyncset.done $0x0  }
0x439: {  	s31 =	simm.s32 $0x300;
	[sflag:s15] =	ssyncadd.s32 $0xFFFFC000  }
0x43a: {  	[tilespmem:s12], [sflag:$0x1] =	stream.indirect.gather [hbm4b:s1+s11], $0x80, s31, s11, $0xb8;
	[tilespmem:$0x1DC00] =	vst v63  }
0x43b: {  	_ =	swait.ge [sflag:s14], $0x4000  }
0x43c: {  	[sflag:s14] =	ssyncset.done $0x0  }
0x43d: {  	s31 =	simm.s32 $0x1280;
	[sflag:s14] =	ssyncadd.s32 $0xFFFFC000  }
0x43e: {  	[spmem:s3] =	stream.indirect.scatter.add.f32 [tilespmem:s13], [sflag:$0x2], $0x80, s31, s11, $0xb8;
	[tilespmem:$0x1DC00] =	vst v63  }
0x43f: {  	_ =	swait.ge [sflag:s15], $0x4000  }
0x440: {  	[sflag:s15] =	ssyncset.done $0x0  }
0x441: {  	s31 =	simm.s32 $0x380;
	[sflag:s15] =	ssyncadd.s32 $0xFFFFC000  }
0x442: {  	[tilespmem:s13], [sflag:$0x1] =	stream.indirect.gather [hbm4b:s1+s11], $0x80, s31, s11, $0xb8;
	[tilespmem:$0x1DC00] =	vst v63  }
0x443: {  	_ =	swait.ge [sflag:s14], $0x4000  }
0x444: {  	[sflag:s14] =	ssyncset.done $0x0  }
0x445: {  	s31 =	simm.s32 $0x1300;
	[sflag:s14] =	ssyncadd.s32 $0xFFFFC000  }
0x446: {  	[spmem:s3] =	stream.indirect.scatter.add.f32 [tilespmem:s12], [sflag:$0x2], $0x80, s31, s11, $0xb8;
	[tilespmem:$0x1DC00] =	vst v63  }
0x447: {  	_ =	swait.ge [sflag:s15], $0x4000  }
0x448: {  	[sflag:s15] =	ssyncset.done $0x0  }
0x449: {  	s31 =	simm.s32 $0x400;
	[sflag:s15] =	ssyncadd.s32 $0xFFFFC000  }
0x44a: {  	[tilespmem:s12], [sflag:$0x1] =	stream.indirect.gather [hbm4b:s1+s11], $0x80, s31, s11, $0xb8;
	[tilespmem:$0x1DC00] =	vst v63  }
0x44b: {  	_ =	swait.ge [sflag:s14], $0x4000  }
0x44c: {  	[sflag:s14] =	ssyncset.done $0x0  }
0x44d: {  	s31 =	simm.s32 $0x1380;
	[sflag:s14] =	ssyncadd.s32 $0xFFFFC000  }
0x44e: {  	[spmem:s3] =	stream.indirect.scatter.add.f32 [tilespmem:s13], [sflag:$0x2], $0x80, s31, s11, $0xb8;
	[tilespmem:$0x1DC00] =	vst v63  }
0x44f: {  	_ =	swait.ge [sflag:s15], $0x4000  }
0x450: {  	[sflag:s15] =	ssyncset.done $0x0  }
0x451: {  	s31 =	simm.s32 $0x480;
	[sflag:s15] =	ssyncadd.s32 $0xFFFFC000  }
0x452: {  	[tilespmem:s13], [sflag:$0x1] =	stream.indirect.gather [hbm4b:s1+s11], $0x80, s31, s11, $0xb8;
	[tilespmem:$0x1DC00] =	vst v63  }
0x453: {  	_ =	swait.ge [sflag:s14], $0x4000  }
0x454: {  	[sflag:s14] =	ssyncset.done $0x0  }
0x455: {  	s31 =	simm.s32 $0x1400;
	[sflag:s14] =	ssyncadd.s32 $0xFFFFC000  }
0x456: {  	[spmem:s3] =	stream.indirect.scatter.add.f32 [tilespmem:s12], [sflag:$0x2], $0x80, s31, s11, $0xb8;
	[tilespmem:$0x1DC00] =	vst v63  }
0x457: {  	_ =	swait.ge [sflag:s15], $0x4000  }
0x458: {  	[sflag:s15] =	ssyncset.done $0x0  }
0x459: {  	s31 =	simm.s32 $0x500;
	[sflag:s15] =	ssyncadd.s32 $0xFFFFC000  }
0x45a: {  	[tilespmem:s12], [sflag:$0x1] =	stream.indirect.gather [hbm4b:s1+s11], $0x80, s31, s11, $0xb8;
	[tilespmem:$0x1DC00] =	vst v63  }
0x45b: {  	_ =	swait.ge [sflag:s14], $0x4000  }
0x45c: {  	[sflag:s14] =	ssyncset.done $0x0  }
0x45d: {  	s31 =	simm.s32 $0x1480;
	[sflag:s14] =	ssyncadd.s32 $0xFFFFC000  }
0x45e: {  	[spmem:s3] =	stream.indirect.scatter.add.f32 [tilespmem:s13], [sflag:$0x2], $0x80, s31, s11, $0xb8;
	[tilespmem:$0x1DC00] =	vst v63  }
0x45f: {  	_ =	swait.ge [sflag:s15], $0x4000  }
0x460: {  	[sflag:s15] =	ssyncset.done $0x0  }
0x461: {  	s31 =	simm.s32 $0x580;
	[sflag:s15] =	ssyncadd.s32 $0xFFFFC000  }
0x462: {  	[tilespmem:s13], [sflag:$0x1] =	stream.indirect.gather [hbm4b:s1+s11], $0x80, s31, s11, $0xb8;
	[tilespmem:$0x1DC00] =	vst v63  }
0x463: {  	_ =	swait.ge [sflag:s14], $0x4000  }
0x464: {  	[sflag:s14] =	ssyncset.done $0x0  }
0x465: {  	s31 =	simm.s32 $0x1500;
	[sflag:s14] =	ssyncadd.s32 $0xFFFFC000  }
0x466: {  	[spmem:s3] =	stream.indirect.scatter.add.f32 [tilespmem:s12], [sflag:$0x2], $0x80, s31, s11, $0xb8;
	[tilespmem:$0x1DC00] =	vst v63  }
0x467: {  	_ =	swait.ge [sflag:s15], $0x4000  }
0x468: {  	[sflag:s15] =	ssyncset.done $0x0  }
0x469: {  	s31 =	simm.s32 $0x600;
	[sflag:s15] =	ssyncadd.s32 $0xFFFFC000  }
0x46a: {  	[tilespmem:s12], [sflag:$0x1] =	stream.indirect.gather [hbm4b:s1+s11], $0x80, s31, s11, $0xb8;
	[tilespmem:$0x1DC00] =	vst v63  }
0x46b: {  	_ =	swait.ge [sflag:s14], $0x4000  }
0x46c: {  	[sflag:s14] =	ssyncset.done $0x0  }
0x46d: {  	s31 =	simm.s32 $0x1580;
	[sflag:s14] =	ssyncadd.s32 $0xFFFFC000  }
0x46e: {  	[spmem:s3] =	stream.indirect.scatter.add.f32 [tilespmem:s13], [sflag:$0x2], $0x80, s31, s11, $0xb8;
	[tilespmem:$0x1DC00] =	vst v63  }
0x46f: {  	_ =	swait.ge [sflag:s15], $0x4000  }
0x470: {  	[sflag:s15] =	ssyncset.done $0x0  }
0x471: {  	s31 =	simm.s32 $0x680;
	[sflag:s15] =	ssyncadd.s32 $0xFFFFC000  }
0x472: {  	[tilespmem:s13], [sflag:$0x1] =	stream.indirect.gather [hbm4b:s1+s11], $0x80, s31, s11, $0xb8;
	[tilespmem:$0x1DC00] =	vst v63  }
0x473: {  	_ =	swait.ge [sflag:s14], $0x4000  }
0x474: {  	[sflag:s14] =	ssyncset.done $0x0  }
0x475: {  	s31 =	simm.s32 $0x1600;
	[sflag:s14] =	ssyncadd.s32 $0xFFFFC000  }
0x476: {  	[spmem:s3] =	stream.indirect.scatter.add.f32 [tilespmem:s12], [sflag:$0x2], $0x80, s31, s11, $0xb8;
	[tilespmem:$0x1DC00] =	vst v63  }
0x477: {  	_ =	swait.ge [sflag:s15], $0x4000  }
0x478: {  	[sflag:s15] =	ssyncset.done $0x0  }
0x479: {  	s31 =	simm.s32 $0x700;
	[sflag:s15] =	ssyncadd.s32 $0xFFFFC000  }
0x47a: {  	[tilespmem:s12], [sflag:$0x1] =	stream.indirect.gather [hbm4b:s1+s11], $0x80, s31, s11, $0xb8;
	[tilespmem:$0x1DC00] =	vst v63  }
0x47b: {  	_ =	swait.ge [sflag:s14], $0x4000  }
0x47c: {  	[sflag:s14] =	ssyncset.done $0x0  }
0x47d: {  	s31 =	simm.s32 $0x1680;
	[sflag:s14] =	ssyncadd.s32 $0xFFFFC000  }
0x47e: {  	[spmem:s3] =	stream.indirect.scatter.add.f32 [tilespmem:s13], [sflag:$0x2], $0x80, s31, s11, $0xb8;
	[tilespmem:$0x1DC00] =	vst v63  }
0x47f: {  	_ =	swait.ge [sflag:s15], $0x4000  }
0x480: {  	[sflag:s15] =	ssyncset.done $0x0  }
0x481: {  	s31 =	simm.s32 $0x780;
	[sflag:s15] =	ssyncadd.s32 $0xFFFFC000  }
0x482: {  	[tilespmem:s13], [sflag:$0x1] =	stream.indirect.gather [hbm4b:s1+s11], $0x80, s31, s11, $0xb8;
	[tilespmem:$0x1DC00] =	vst v63  }
0x483: {  	_ =	swait.ge [sflag:s14], $0x4000  }
0x484: {  	[sflag:s14] =	ssyncset.done $0x0  }
0x485: {  	s31 =	simm.s32 $0x1700;
	[sflag:s14] =	ssyncadd.s32 $0xFFFFC000  }
0x486: {  	[spmem:s3] =	stream.indirect.scatter.add.f32 [tilespmem:s12], [sflag:$0x2], $0x80, s31, s11, $0xb8;
	[tilespmem:$0x1DC00] =	vst v63  }
0x487: {  	_ =	swait.ge [sflag:s15], $0x4000  }
0x488: {  	[sflag:s15] =	ssyncset.done $0x0  }
0x489: {  	[sflag:s15] =	ssyncadd.s32 $0xFFFFC000  }
0x48a: {  	_ =	swait.ge [sflag:s14], $0x4000  }
0x48b: {  	[sflag:s14] =	ssyncset.done $0x0  }
0x48c: {  	s31 =	simm.s32 $0x1780;
	[sflag:s14] =	ssyncadd.s32 $0xFFFFC000  }
0x48d: {  	[spmem:s3] =	stream.indirect.scatter.add.f32 [tilespmem:s13], [sflag:$0x2], $0x80, s31, s11, $0xb8;
	[tilespmem:$0x1DC00] =	vst v63  }
0x48e: {  	_ =	swait.ge [sflag:s15], $0x4000  }
0x48f: {  	[sflag:s15] =	ssyncset.done $0x0  }
0x490: {  	[sflag:s15] =	ssyncadd.s32 $0xFFFFC000  }
0x491: {  	_ =	swait.ge [sflag:s29], $0x800  }
0x492: {  	[sflag:s29] =	ssyncset.done $0x0  }
0x493: {  	[sflag:s29] =	ssyncadd.s32 $0xFFFFF800  }
0x494: {  	_ =	swait.ge [sflag:s29], $0x800  }
0x495: {  	[sflag:s29] =	ssyncset.done $0x0  }
0x496: {  	s2 =	rddreg [dreg:$0xe];
	[sflag:s29] =	ssyncadd.s32 $0xFFFFF800  }
0x497: {  	[tilespmem:s4], [sflag:$0x3] =	stream.linear.gather [hbm4b:s2+s4], $0x800, $0x38;
	[tilespmem:$0x1DC00] =	vst v63  }
0x498: {  	s31 =	rddreg [dreg:$0xf]  }
0x499: {  	[tilespmem:s0], [sflag:$0x3] =	stream.linear.gather [hbm4b:s31+s4], $0x800, $0x38;
	[tilespmem:$0x1DC00] =	vst v63  }
0x49a: {  	_ = 	snop  }
0x49b: {  	[tilespmem:s12], [sflag:$0x1] =	stream.indirect.gather [hbm4b:s1+s11], $0x80, s10, s11, $0xb8;
	[tilespmem:$0x1DC00] =	vst v63  }
0x49c: {  	_ = 	snop  }
0x49d: {  	[tilespmem:s13], [sflag:$0x1] =	stream.indirect.gather [hbm4b:s1+s11], $0x80, s5, s11, $0xb8;
	[tilespmem:$0x1DC00] =	vst v63  }
0x49e: {  	_ =	swait.ge [sflag:s14], $0x4000  }
0x49f: {  	[sflag:s14] =	ssyncset.done $0x0  }
0x4a0: {  	[sflag:s14] =	ssyncadd.s32 $0xFFFFC000  }
0x4a1: {  	[spmem:s3] =	stream.indirect.scatter.add.f32 [tilespmem:s12], [sflag:$0x2], $0x80, s8, s11, $0xb8;
	[tilespmem:$0x1DC00] =	vst v63  }
0x4a2: {  	_ =	swait.ge [sflag:s15], $0x4000  }
0x4a3: {  	[sflag:s15] =	ssyncset.done $0x0  }
0x4a4: {  	[sflag:s15] =	ssyncadd.s32 $0xFFFFC000  }
0x4a5: {  	[tilespmem:s12], [sflag:$0x1] =	stream.indirect.gather [hbm4b:s1+s11], $0x80, s7, s11, $0xb8;
	[tilespmem:$0x1DC00] =	vst v63  }
0x4a6: {  	_ =	swait.ge [sflag:s14], $0x4000  }
0x4a7: {  	[sflag:s14] =	ssyncset.done $0x0  }
0x4a8: {  	[sflag:s14] =	ssyncadd.s32 $0xFFFFC000  }
0x4a9: {  	[spmem:s3] =	stream.indirect.scatter.add.f32 [tilespmem:s13], [sflag:$0x2], $0x80, s9, s11, $0xb8;
	[tilespmem:$0x1DC00] =	vst v63  }
0x4aa: {  	_ =	swait.ge [sflag:s15], $0x4000  }
0x4ab: {  	[sflag:s15] =	ssyncset.done $0x0  }
0x4ac: {  	[sflag:s15] =	ssyncadd.s32 $0xFFFFC000  }
0x4ad: {  	[tilespmem:s13], [sflag:$0x1] =	stream.indirect.gather [hbm4b:s1+s11], $0x80, s16, s11, $0xb8;
	[tilespmem:$0x1DC00] =	vst v63  }
0x4ae: {  	_ =	swait.ge [sflag:s14], $0x4000  }
0x4af: {  	[sflag:s14] =	ssyncset.done $0x0  }
0x4b0: {  	[sflag:s14] =	ssyncadd.s32 $0xFFFFC000  }
0x4b1: {  	[spmem:s3] =	stream.indirect.scatter.add.f32 [tilespmem:s12], [sflag:$0x2], $0x80, s17, s11, $0xb8;
	[tilespmem:$0x1DC00] =	vst v63  }
0x4b2: {  	_ =	swait.ge [sflag:s15], $0x4000  }
0x4b3: {  	[sflag:s15] =	ssyncset.done $0x0  }
0x4b4: {  	[sflag:s15] =	ssyncadd.s32 $0xFFFFC000  }
0x4b5: {  	[tilespmem:s12], [sflag:$0x1] =	stream.indirect.gather [hbm4b:s1+s11], $0x80, s18, s11, $0xb8;
	[tilespmem:$0x1DC00] =	vst v63  }
0x4b6: {  	_ =	swait.ge [sflag:s14], $0x4000  }
0x4b7: {  	[sflag:s14] =	ssyncset.done $0x0  }
0x4b8: {  	[sflag:s14] =	ssyncadd.s32 $0xFFFFC000  }
0x4b9: {  	[spmem:s3] =	stream.indirect.scatter.add.f32 [tilespmem:s13], [sflag:$0x2], $0x80, s19, s11, $0xb8;
	[tilespmem:$0x1DC00] =	vst v63  }
0x4ba: {  	_ =	swait.ge [sflag:s15], $0x4000  }
0x4bb: {  	[sflag:s15] =	ssyncset.done $0x0  }
0x4bc: {  	[sflag:s15] =	ssyncadd.s32 $0xFFFFC000  }
0x4bd: {  	[tilespmem:s13], [sflag:$0x1] =	stream.indirect.gather [hbm4b:s1+s11], $0x80, s20, s11, $0xb8;
	[tilespmem:$0x1DC00] =	vst v63  }
0x4be: {  	_ =	swait.ge [sflag:s14], $0x4000  }
0x4bf: {  	[sflag:s14] =	ssyncset.done $0x0  }
0x4c0: {  	[sflag:s14] =	ssyncadd.s32 $0xFFFFC000  }
0x4c1: {  	[spmem:s3] =	stream.indirect.scatter.add.f32 [tilespmem:s12], [sflag:$0x2], $0x80, s21, s11, $0xb8;
	[tilespmem:$0x1DC00] =	vst v63  }
0x4c2: {  	_ =	swait.ge [sflag:s15], $0x4000  }
0x4c3: {  	[sflag:s15] =	ssyncset.done $0x0  }
0x4c4: {  	[sflag:s15] =	ssyncadd.s32 $0xFFFFC000  }
0x4c5: {  	[tilespmem:s12], [sflag:$0x1] =	stream.indirect.gather [hbm4b:s1+s11], $0x80, s22, s11, $0xb8;
	[tilespmem:$0x1DC00] =	vst v63  }
0x4c6: {  	_ =	swait.ge [sflag:s14], $0x4000  }
0x4c7: {  	[sflag:s14] =	ssyncset.done $0x0  }
0x4c8: {  	[sflag:s14] =	ssyncadd.s32 $0xFFFFC000  }
0x4c9: {  	[spmem:s3] =	stream.indirect.scatter.add.f32 [tilespmem:s13], [sflag:$0x2], $0x80, s23, s11, $0xb8;
	[tilespmem:$0x1DC00] =	vst v63  }
0x4ca: {  	_ =	swait.ge [sflag:s15], $0x4000  }
0x4cb: {  	[sflag:s15] =	ssyncset.done $0x0  }
0x4cc: {  	[sflag:s15] =	ssyncadd.s32 $0xFFFFC000  }
0x4cd: {  	[tilespmem:s13], [sflag:$0x1] =	stream.indirect.gather [hbm4b:s1+s11], $0x80, s24, s11, $0xb8;
	[tilespmem:$0x1DC00] =	vst v63  }
0x4ce: {  	_ =	swait.ge [sflag:s14], $0x4000  }
0x4cf: {  	[sflag:s14] =	ssyncset.done $0x0  }
0x4d0: {  	[sflag:s14] =	ssyncadd.s32 $0xFFFFC000  }
0x4d1: {  	[spmem:s3] =	stream.indirect.scatter.add.f32 [tilespmem:s12], [sflag:$0x2], $0x80, s25, s11, $0xb8;
	[tilespmem:$0x1DC00] =	vst v63  }
0x4d2: {  	_ =	swait.ge [sflag:s15], $0x4000  }
0x4d3: {  	[sflag:s15] =	ssyncset.done $0x0  }
0x4d4: {  	[sflag:s15] =	ssyncadd.s32 $0xFFFFC000  }
0x4d5: {  	[tilespmem:s12], [sflag:$0x1] =	stream.indirect.gather [hbm4b:s1+s11], $0x80, s26, s11, $0xb8;
	[tilespmem:$0x1DC00] =	vst v63  }
0x4d6: {  	_ =	swait.ge [sflag:s14], $0x4000  }
0x4d7: {  	[sflag:s14] =	ssyncset.done $0x0  }
0x4d8: {  	[sflag:s14] =	ssyncadd.s32 $0xFFFFC000  }
0x4d9: {  	[spmem:s3] =	stream.indirect.scatter.add.f32 [tilespmem:s13], [sflag:$0x2], $0x80, s28, s11, $0xb8;
	[tilespmem:$0x1DC00] =	vst v63  }
0x4da: {  	_ =	swait.ge [sflag:s15], $0x4000  }
0x4db: {  	[sflag:s15] =	ssyncset.done $0x0  }
0x4dc: {  	s31 =	simm.s32 $0xC80;
	[sflag:s15] =	ssyncadd.s32 $0xFFFFC000  }
0x4dd: {  	[tilespmem:s13], [sflag:$0x1] =	stream.indirect.gather [hbm4b:s1+s11], $0x80, s31, s11, $0xb8;
	[tilespmem:$0x1DC00] =	vst v63  }
0x4de: {  	_ =	swait.ge [sflag:s14], $0x4000  }
0x4df: {  	[sflag:s14] =	ssyncset.done $0x0  }
0x4e0: {  	s5 =	simm.s32 $0x1C00;
	[sflag:s14] =	ssyncadd.s32 $0xFFFFC000  }
0x4e1: {  	[spmem:s3] =	stream.indirect.scatter.add.f32 [tilespmem:s12], [sflag:$0x2], $0x80, s5, s11, $0xb8;
	[tilespmem:$0x1DC00] =	vst v63  }
0x4e2: {  	_ =	swait.ge [sflag:s15], $0x4000  }
0x4e3: {  	[sflag:s15] =	ssyncset.done $0x0  }
0x4e4: {  	s31 =	simm.s32 $0xD00;
	[sflag:s15] =	ssyncadd.s32 $0xFFFFC000  }
0x4e5: {  	[tilespmem:s12], [sflag:$0x1] =	stream.indirect.gather [hbm4b:s1+s11], $0x80, s31, s11, $0xb8;
	[tilespmem:$0x1DC00] =	vst v63  }
0x4e6: {  	_ =	swait.ge [sflag:s14], $0x4000  }
0x4e7: {  	[sflag:s14] =	ssyncset.done $0x0  }
0x4e8: {  	s5 =	simm.s32 $0x1C80;
	[sflag:s14] =	ssyncadd.s32 $0xFFFFC000  }
0x4e9: {  	[spmem:s3] =	stream.indirect.scatter.add.f32 [tilespmem:s13], [sflag:$0x2], $0x80, s5, s11, $0xb8;
	[tilespmem:$0x1DC00] =	vst v63  }
0x4ea: {  	_ =	swait.ge [sflag:s15], $0x4000  }
0x4eb: {  	[sflag:s15] =	ssyncset.done $0x0  }
0x4ec: {  	s31 =	simm.s32 $0xD80;
	[sflag:s15] =	ssyncadd.s32 $0xFFFFC000  }
0x4ed: {  	[tilespmem:s13], [sflag:$0x1] =	stream.indirect.gather [hbm4b:s1+s11], $0x80, s31, s11, $0xb8;
	[tilespmem:$0x1DC00] =	vst v63  }
0x4ee: {  	_ =	swait.ge [sflag:s14], $0x4000  }
0x4ef: {  	[sflag:s14] =	ssyncset.done $0x0  }
0x4f0: {  	s5 =	simm.s32 $0x1D00;
	[sflag:s14] =	ssyncadd.s32 $0xFFFFC000  }
0x4f1: {  	[spmem:s3] =	stream.indirect.scatter.add.f32 [tilespmem:s12], [sflag:$0x2], $0x80, s5, s11, $0xb8;
	[tilespmem:$0x1DC00] =	vst v63  }
0x4f2: {  	_ =	swait.ge [sflag:s15], $0x4000  }
0x4f3: {  	[sflag:s15] =	ssyncset.done $0x0  }
0x4f4: {  	s31 =	simm.s32 $0xE00;
	[sflag:s15] =	ssyncadd.s32 $0xFFFFC000  }
0x4f5: {  	[tilespmem:s12], [sflag:$0x1] =	stream.indirect.gather [hbm4b:s1+s11], $0x80, s31, s11, $0xb8;
	[tilespmem:$0x1DC00] =	vst v63  }
0x4f6: {  	_ =	swait.ge [sflag:s14], $0x4000  }
0x4f7: {  	[sflag:s14] =	ssyncset.done $0x0  }
0x4f8: {  	s5 =	simm.s32 $0x1D80;
	[sflag:s14] =	ssyncadd.s32 $0xFFFFC000  }
0x4f9: {  	[spmem:s3] =	stream.indirect.scatter.add.f32 [tilespmem:s13], [sflag:$0x2], $0x80, s5, s11, $0xb8;
	[tilespmem:$0x1DC00] =	vst v63  }
0x4fa: {  	_ =	swait.ge [sflag:s15], $0x4000  }
0x4fb: {  	[sflag:s15] =	ssyncset.done $0x0  }
0x4fc: {  	s31 =	simm.s32 $0xE80;
	[sflag:s15] =	ssyncadd.s32 $0xFFFFC000  }
0x4fd: {  	[tilespmem:s13], [sflag:$0x1] =	stream.indirect.gather [hbm4b:s1+s11], $0x80, s31, s11, $0xb8;
	[tilespmem:$0x1DC00] =	vst v63  }
0x4fe: {  	_ =	swait.ge [sflag:s14], $0x4000  }
0x4ff: {  	[sflag:s14] =	ssyncset.done $0x0  }
0x500: {  	s5 =	simm.s32 $0x1E00;
	[sflag:s14] =	ssyncadd.s32 $0xFFFFC000  }
0x501: {  	[spmem:s3] =	stream.indirect.scatter.add.f32 [tilespmem:s12], [sflag:$0x2], $0x80, s5, s11, $0xb8;
	[tilespmem:$0x1DC00] =	vst v63  }
0x502: {  	_ =	swait.ge [sflag:s15], $0x4000  }
0x503: {  	[sflag:s15] =	ssyncset.done $0x0  }
0x504: {  	s31 =	simm.s32 $0xF00;
	[sflag:s15] =	ssyncadd.s32 $0xFFFFC000  }
0x505: {  	[tilespmem:s12], [sflag:$0x1] =	stream.indirect.gather [hbm4b:s1+s11], $0x80, s31, s11, $0xb8;
	[tilespmem:$0x1DC00] =	vst v63  }
0x506: {  	_ =	swait.ge [sflag:s14], $0x4000  }
0x507: {  	[sflag:s14] =	ssyncset.done $0x0  }
0x508: {  	s5 =	simm.s32 $0x1E80;
	[sflag:s14] =	ssyncadd.s32 $0xFFFFC000  }
0x509: {  	[spmem:s3] =	stream.indirect.scatter.add.f32 [tilespmem:s13], [sflag:$0x2], $0x80, s5, s11, $0xb8;
	[tilespmem:$0x1DC00] =	vst v63  }
0x50a: {  	_ =	swait.ge [sflag:s15], $0x4000  }
0x50b: {  	[sflag:s15] =	ssyncset.done $0x0  }
0x50c: {  	s31 =	simm.s32 $0xF80;
	[sflag:s15] =	ssyncadd.s32 $0xFFFFC000  }
0x50d: {  	[tilespmem:s13], [sflag:$0x1] =	stream.indirect.gather [hbm4b:s1+s11], $0x80, s31, s11, $0xb8;
	[tilespmem:$0x1DC00] =	vst v63  }
0x50e: {  	_ =	swait.ge [sflag:s14], $0x4000  }
0x50f: {  	[sflag:s14] =	ssyncset.done $0x0  }
0x510: {  	s5 =	simm.s32 $0x1F00;
	[sflag:s14] =	ssyncadd.s32 $0xFFFFC000  }
0x511: {  	[spmem:s3] =	stream.indirect.scatter.add.f32 [tilespmem:s12], [sflag:$0x2], $0x80, s5, s11, $0xb8;
	[tilespmem:$0x1DC00] =	vst v63  }
0x512: {  	_ =	swait.ge [sflag:s15], $0x4000  }
0x513: {  	[sflag:s15] =	ssyncset.done $0x0  }
0x514: {  	[sflag:s15] =	ssyncadd.s32 $0xFFFFC000  }
0x515: {  	_ =	swait.ge [sflag:s14], $0x4000  }
0x516: {  	[sflag:s14] =	ssyncset.done $0x0  }
0x517: {  	s31 =	simm.s32 $0x1F80;
	[sflag:s14] =	ssyncadd.s32 $0xFFFFC000  }
0x518: {  	[spmem:s3] =	stream.indirect.scatter.add.f32 [tilespmem:s13], [sflag:$0x2], $0x80, s31, s11, $0xb8;
	[tilespmem:$0x1DC00] =	vst v63  }
0x519: {  	_ =	swait.ge [sflag:s15], $0x4000  }
0x51a: {  	[sflag:s15] =	ssyncset.done $0x0  }
0x51b: {  	[sflag:s15] =	ssyncadd.s32 $0xFFFFC000  }
0x51c: {  	_ =	swait.ge [sflag:s29], $0x800  }
0x51d: {  	[sflag:s29] =	ssyncset.done $0x0  }
0x51e: {  	[sflag:s29] =	ssyncadd.s32 $0xFFFFF800  }
0x51f: {  	_ =	swait.ge [sflag:s29], $0x800  }
0x520: {  	[sflag:s29] =	ssyncset.done $0x0  }
0x521: {  	[sflag:s29] =	ssyncadd.s32 $0xFFFFF800  }
0x522: {  	[tilespmem:s12], [sflag:$0x1] =	stream.indirect.gather [hbm4b:s1+s11], $0x80, s4, s11, $0xb8;
	[tilespmem:$0x1DC00] =	vst v63  }
0x523: {  	_ = 	snop  }
0x524: {  	[tilespmem:s13], [sflag:$0x1] =	stream.indirect.gather [hbm4b:s1+s11], $0x80, s11, s11, $0xb8;
	[tilespmem:$0x1DC00] =	vst v63  }
0x525: {  	_ =	swait.ge [sflag:s14], $0x4000  }
0x526: {  	[sflag:s14] =	ssyncset.done $0x0  }
0x527: {  	[sflag:s14] =	ssyncadd.s32 $0xFFFFC000  }
0x528: {  	[spmem:s3] =	stream.indirect.scatter.add.f32 [tilespmem:s12], [sflag:$0x2], $0x80, s0, s11, $0xb8;
	[tilespmem:$0x1DC00] =	vst v63  }
0x529: {  	_ =	swait.ge [sflag:s15], $0x4000  }
0x52a: {  	[sflag:s15] =	ssyncset.done $0x0  }
0x52b: {  	s5 =	simm.s32 $0x100;
	[sflag:s15] =	ssyncadd.s32 $0xFFFFC000  }
0x52c: {  	[tilespmem:s12], [sflag:$0x1] =	stream.indirect.gather [hbm4b:s1+s11], $0x80, s5, s11, $0xb8;
	[tilespmem:$0x1DC00] =	vst v63  }
0x52d: {  	_ =	swait.ge [sflag:s14], $0x4000  }
0x52e: {  	[sflag:s14] =	ssyncset.done $0x0  }
0x52f: {  	s31 =	simm.s32 $0x1080;
	[sflag:s14] =	ssyncadd.s32 $0xFFFFC000  }
0x530: {  	[spmem:s3] =	stream.indirect.scatter.add.f32 [tilespmem:s13], [sflag:$0x2], $0x80, s31, s11, $0xb8;
	[tilespmem:$0x1DC00] =	vst v63  }
0x531: {  	_ =	swait.ge [sflag:s15], $0x4000  }
0x532: {  	[sflag:s15] =	ssyncset.done $0x0  }
0x533: {  	s2 =	simm.s32 $0x180;
	[sflag:s15] =	ssyncadd.s32 $0xFFFFC000  }
0x534: {  	[tilespmem:s13], [sflag:$0x1] =	stream.indirect.gather [hbm4b:s1+s11], $0x80, s2, s11, $0xb8;
	[tilespmem:$0x1DC00] =	vst v63  }
0x535: {  	_ =	swait.ge [sflag:s14], $0x4000  }
0x536: {  	[sflag:s14] =	ssyncset.done $0x0  }
0x537: {  	s5 =	simm.s32 $0x1100;
	[sflag:s14] =	ssyncadd.s32 $0xFFFFC000  }
0x538: {  	[spmem:s3] =	stream.indirect.scatter.add.f32 [tilespmem:s12], [sflag:$0x2], $0x80, s5, s11, $0xb8;
	[tilespmem:$0x1DC00] =	vst v63  }
0x539: {  	_ =	swait.ge [sflag:s15], $0x4000  }
0x53a: {  	[sflag:s15] =	ssyncset.done $0x0  }
0x53b: {  	s31 =	simm.s32 $0x200;
	[sflag:s15] =	ssyncadd.s32 $0xFFFFC000  }
0x53c: {  	[tilespmem:s12], [sflag:$0x1] =	stream.indirect.gather [hbm4b:s1+s11], $0x80, s31, s11, $0xb8;
	[tilespmem:$0x1DC00] =	vst v63  }
0x53d: {  	_ =	swait.ge [sflag:s14], $0x4000  }
0x53e: {  	[sflag:s14] =	ssyncset.done $0x0  }
0x53f: {  	s2 =	simm.s32 $0x1180;
	[sflag:s14] =	ssyncadd.s32 $0xFFFFC000  }
0x540: {  	[spmem:s3] =	stream.indirect.scatter.add.f32 [tilespmem:s13], [sflag:$0x2], $0x80, s2, s11, $0xb8;
	[tilespmem:$0x1DC00] =	vst v63  }
0x541: {  	_ =	swait.ge [sflag:s15], $0x4000  }
0x542: {  	[sflag:s15] =	ssyncset.done $0x0  }
0x543: {  	s5 =	simm.s32 $0x280;
	[sflag:s15] =	ssyncadd.s32 $0xFFFFC000  }
0x544: {  	[tilespmem:s13], [sflag:$0x1] =	stream.indirect.gather [hbm4b:s1+s11], $0x80, s5, s11, $0xb8;
	[tilespmem:$0x1DC00] =	vst v63  }
0x545: {  	_ =	swait.ge [sflag:s14], $0x4000  }
0x546: {  	[sflag:s14] =	ssyncset.done $0x0  }
0x547: {  	s31 =	simm.s32 $0x1200;
	[sflag:s14] =	ssyncadd.s32 $0xFFFFC000  }
0x548: {  	[spmem:s3] =	stream.indirect.scatter.add.f32 [tilespmem:s12], [sflag:$0x2], $0x80, s31, s11, $0xb8;
	[tilespmem:$0x1DC00] =	vst v63  }
0x549: {  	_ =	swait.ge [sflag:s15], $0x4000  }
0x54a: {  	[sflag:s15] =	ssyncset.done $0x0  }
0x54b: {  	s2 =	simm.s32 $0x300;
	[sflag:s15] =	ssyncadd.s32 $0xFFFFC000  }
0x54c: {  	[tilespmem:s12], [sflag:$0x1] =	stream.indirect.gather [hbm4b:s1+s11], $0x80, s2, s11, $0xb8;
	[tilespmem:$0x1DC00] =	vst v63  }
0x54d: {  	_ =	swait.ge [sflag:s14], $0x4000  }
0x54e: {  	[sflag:s14] =	ssyncset.done $0x0  }
0x54f: {  	s5 =	simm.s32 $0x1280;
	[sflag:s14] =	ssyncadd.s32 $0xFFFFC000  }
0x550: {  	[spmem:s3] =	stream.indirect.scatter.add.f32 [tilespmem:s13], [sflag:$0x2], $0x80, s5, s11, $0xb8;
	[tilespmem:$0x1DC00] =	vst v63  }
0x551: {  	_ =	swait.ge [sflag:s15], $0x4000  }
0x552: {  	[sflag:s15] =	ssyncset.done $0x0  }
0x553: {  	s31 =	simm.s32 $0x380;
	[sflag:s15] =	ssyncadd.s32 $0xFFFFC000  }
0x554: {  	[tilespmem:s13], [sflag:$0x1] =	stream.indirect.gather [hbm4b:s1+s11], $0x80, s31, s11, $0xb8;
	[tilespmem:$0x1DC00] =	vst v63  }
0x555: {  	_ =	swait.ge [sflag:s14], $0x4000  }
0x556: {  	[sflag:s14] =	ssyncset.done $0x0  }
0x557: {  	s2 =	simm.s32 $0x1300;
	[sflag:s14] =	ssyncadd.s32 $0xFFFFC000  }
0x558: {  	[spmem:s3] =	stream.indirect.scatter.add.f32 [tilespmem:s12], [sflag:$0x2], $0x80, s2, s11, $0xb8;
	[tilespmem:$0x1DC00] =	vst v63  }
0x559: {  	_ =	swait.ge [sflag:s15], $0x4000  }
0x55a: {  	[sflag:s15] =	ssyncset.done $0x0  }
0x55b: {  	s5 =	simm.s32 $0x400;
	[sflag:s15] =	ssyncadd.s32 $0xFFFFC000  }
0x55c: {  	[tilespmem:s12], [sflag:$0x1] =	stream.indirect.gather [hbm4b:s1+s11], $0x80, s5, s11, $0xb8;
	[tilespmem:$0x1DC00] =	vst v63  }
0x55d: {  	_ =	swait.ge [sflag:s14], $0x4000  }
0x55e: {  	[sflag:s14] =	ssyncset.done $0x0  }
0x55f: {  	s31 =	simm.s32 $0x1380;
	[sflag:s14] =	ssyncadd.s32 $0xFFFFC000  }
0x560: {  	[spmem:s3] =	stream.indirect.scatter.add.f32 [tilespmem:s13], [sflag:$0x2], $0x80, s31, s11, $0xb8;
	[tilespmem:$0x1DC00] =	vst v63  }
0x561: {  	_ =	swait.ge [sflag:s15], $0x4000  }
0x562: {  	[sflag:s15] =	ssyncset.done $0x0  }
0x563: {  	s2 =	simm.s32 $0x480;
	[sflag:s15] =	ssyncadd.s32 $0xFFFFC000  }
0x564: {  	[tilespmem:s13], [sflag:$0x1] =	stream.indirect.gather [hbm4b:s1+s11], $0x80, s2, s11, $0xb8;
	[tilespmem:$0x1DC00] =	vst v63  }
0x565: {  	_ =	swait.ge [sflag:s14], $0x4000  }
0x566: {  	[sflag:s14] =	ssyncset.done $0x0  }
0x567: {  	s5 =	simm.s32 $0x1400;
	[sflag:s14] =	ssyncadd.s32 $0xFFFFC000  }
0x568: {  	[spmem:s3] =	stream.indirect.scatter.add.f32 [tilespmem:s12], [sflag:$0x2], $0x80, s5, s11, $0xb8;
	[tilespmem:$0x1DC00] =	vst v63  }
0x569: {  	_ =	swait.ge [sflag:s15], $0x4000  }
0x56a: {  	[sflag:s15] =	ssyncset.done $0x0  }
0x56b: {  	s31 =	simm.s32 $0x500;
	[sflag:s15] =	ssyncadd.s32 $0xFFFFC000  }
0x56c: {  	[tilespmem:s12], [sflag:$0x1] =	stream.indirect.gather [hbm4b:s1+s11], $0x80, s31, s11, $0xb8;
	[tilespmem:$0x1DC00] =	vst v63  }
0x56d: {  	_ =	swait.ge [sflag:s14], $0x4000  }
0x56e: {  	[sflag:s14] =	ssyncset.done $0x0  }
0x56f: {  	s2 =	simm.s32 $0x1480;
	[sflag:s14] =	ssyncadd.s32 $0xFFFFC000  }
0x570: {  	[spmem:s3] =	stream.indirect.scatter.add.f32 [tilespmem:s13], [sflag:$0x2], $0x80, s2, s11, $0xb8;
	[tilespmem:$0x1DC00] =	vst v63  }
0x571: {  	_ =	swait.ge [sflag:s15], $0x4000  }
0x572: {  	[sflag:s15] =	ssyncset.done $0x0  }
0x573: {  	s5 =	simm.s32 $0x580;
	[sflag:s15] =	ssyncadd.s32 $0xFFFFC000  }
0x574: {  	[tilespmem:s13], [sflag:$0x1] =	stream.indirect.gather [hbm4b:s1+s11], $0x80, s5, s11, $0xb8;
	[tilespmem:$0x1DC00] =	vst v63  }
0x575: {  	_ =	swait.ge [sflag:s14], $0x4000  }
0x576: {  	[sflag:s14] =	ssyncset.done $0x0  }
0x577: {  	s31 =	simm.s32 $0x1500;
	[sflag:s14] =	ssyncadd.s32 $0xFFFFC000  }
0x578: {  	[spmem:s3] =	stream.indirect.scatter.add.f32 [tilespmem:s12], [sflag:$0x2], $0x80, s31, s11, $0xb8;
	[tilespmem:$0x1DC00] =	vst v63  }
0x579: {  	_ =	swait.ge [sflag:s15], $0x4000  }
0x57a: {  	[sflag:s15] =	ssyncset.done $0x0  }
0x57b: {  	s2 =	simm.s32 $0x600;
	[sflag:s15] =	ssyncadd.s32 $0xFFFFC000  }
0x57c: {  	[tilespmem:s12], [sflag:$0x1] =	stream.indirect.gather [hbm4b:s1+s11], $0x80, s2, s11, $0xb8;
	[tilespmem:$0x1DC00] =	vst v63  }
0x57d: {  	_ =	swait.ge [sflag:s14], $0x4000  }
0x57e: {  	[sflag:s14] =	ssyncset.done $0x0  }
0x57f: {  	s5 =	simm.s32 $0x1580;
	[sflag:s14] =	ssyncadd.s32 $0xFFFFC000  }
0x580: {  	[spmem:s3] =	stream.indirect.scatter.add.f32 [tilespmem:s13], [sflag:$0x2], $0x80, s5, s11, $0xb8;
	[tilespmem:$0x1DC00] =	vst v63  }
0x581: {  	_ =	swait.ge [sflag:s15], $0x4000  }
0x582: {  	[sflag:s15] =	ssyncset.done $0x0  }
0x583: {  	s31 =	simm.s32 $0x680;
	[sflag:s15] =	ssyncadd.s32 $0xFFFFC000  }
0x584: {  	[tilespmem:s13], [sflag:$0x1] =	stream.indirect.gather [hbm4b:s1+s11], $0x80, s31, s11, $0xb8;
	[tilespmem:$0x1DC00] =	vst v63  }
0x585: {  	_ =	swait.ge [sflag:s14], $0x4000  }
0x586: {  	[sflag:s14] =	ssyncset.done $0x0  }
0x587: {  	s2 =	simm.s32 $0x1600;
	[sflag:s14] =	ssyncadd.s32 $0xFFFFC000  }
0x588: {  	[spmem:s3] =	stream.indirect.scatter.add.f32 [tilespmem:s12], [sflag:$0x2], $0x80, s2, s11, $0xb8;
	[tilespmem:$0x1DC00] =	vst v63  }
0x589: {  	_ =	swait.ge [sflag:s15], $0x4000  }
0x58a: {  	[sflag:s15] =	ssyncset.done $0x0  }
0x58b: {  	s5 =	simm.s32 $0x700;
	[sflag:s15] =	ssyncadd.s32 $0xFFFFC000  }
0x58c: {  	[tilespmem:s12], [sflag:$0x1] =	stream.indirect.gather [hbm4b:s1+s11], $0x80, s5, s11, $0xb8;
	[tilespmem:$0x1DC00] =	vst v63  }
0x58d: {  	_ =	swait.ge [sflag:s14], $0x4000  }
0x58e: {  	[sflag:s14] =	ssyncset.done $0x0  }
0x58f: {  	s31 =	simm.s32 $0x1680;
	[sflag:s14] =	ssyncadd.s32 $0xFFFFC000  }
0x590: {  	[spmem:s3] =	stream.indirect.scatter.add.f32 [tilespmem:s13], [sflag:$0x2], $0x80, s31, s11, $0xb8;
	[tilespmem:$0x1DC00] =	vst v63  }
0x591: {  	_ =	swait.ge [sflag:s15], $0x4000  }
0x592: {  	[sflag:s15] =	ssyncset.done $0x0  }
0x593: {  	s2 =	simm.s32 $0x780;
	[sflag:s15] =	ssyncadd.s32 $0xFFFFC000  }
0x594: {  	[tilespmem:s13], [sflag:$0x1] =	stream.indirect.gather [hbm4b:s1+s11], $0x80, s2, s11, $0xb8;
	[tilespmem:$0x1DC00] =	vst v63  }
0x595: {  	_ =	swait.ge [sflag:s14], $0x4000  }
0x596: {  	[sflag:s14] =	ssyncset.done $0x0  }
0x597: {  	s5 =	simm.s32 $0x1700;
	[sflag:s14] =	ssyncadd.s32 $0xFFFFC000  }
0x598: {  	[spmem:s3] =	stream.indirect.scatter.add.f32 [tilespmem:s12], [sflag:$0x2], $0x80, s5, s11, $0xb8;
	[tilespmem:$0x1DC00] =	vst v63  }
0x599: {  	_ =	swait.ge [sflag:s15], $0x4000  }
0x59a: {  	[sflag:s15] =	ssyncset.done $0x0  }
0x59b: {  	[sflag:s15] =	ssyncadd.s32 $0xFFFFC000  }
0x59c: {  	_ =	swait.ge [sflag:s14], $0x4000  }
0x59d: {  	[sflag:s14] =	ssyncset.done $0x0  }
0x59e: {  	s31 =	simm.s32 $0x1780;
	[sflag:s14] =	ssyncadd.s32 $0xFFFFC000  }
0x59f: {  	[spmem:s3] =	stream.indirect.scatter.add.f32 [tilespmem:s13], [sflag:$0x2], $0x80, s31, s11, $0xb8;
	[tilespmem:$0x1DC00] =	vst v63  }
0x5a0: {  	_ =	swait.ge [sflag:s15], $0x4000  }
0x5a1: {  	[sflag:s15] =	ssyncset.done $0x0  }
0x5a2: {  	[sflag:s15] =	ssyncadd.s32 $0xFFFFC000  }
0x5a3: {  	p0 =	sne.s32 s30, $0x1;
	[bflag:$0x0] =	sbarrier.arrive $0xFFFF  }
.Ltmp1:
0x5a4: {  	s0 =	rddreg [dreg:$0x10];
	(pc) =	sbr.rel @p0 .LBB2_2-.Ltmp1, $4  }
0x5a5: {  	s5 =	rddreg [dreg:$0x12]  }
0x5a6: {  	s31 =	rddreg [dreg:$0x11]  }
0x5a7: {  	[hbm:s0], [sflag:s31] =	dma.local [spmem:s5], $0x2780  }
0x5a8: {  	s30 =	sadd.s32 $0xFFFFFFFF, s30;
	_ =	swait.ge [sflag:s6], $0x2780  }
.LBB2_3:
0x5a9: {  	[sflag:s6] =	ssyncset.done $0x0  }
0x5aa: {  	[sflag:s6] =	ssyncadd.s32 $0xFFFFD880  }
0x5ab: {  	_ =	sfence.sel $0x180000  }
0x5ac: {  	[bflag:$0x0] =	sbarrier.arrive $0xFFFF  }
0x5ad: {  	_ =	strace $0x90000047  }
0x5ae: {  	s0 =	stileid.u32;
	[bflag:$0x2] =	sbarrier.arrive $0xFFFF  }
0x5af: {  	p0 =	sne.s32 s0, $0x0;
	s0 =	rddreg [dreg:$0x4]  }
0x5b0: {  	s0 =	sadd.s32 @!p0 $0x100000, s0  }
0x5b1: {  	[sflag:s0] =	ssyncadd.tile.s32 @!p0 $0x1;
	_ =	shalt  }
.Lfunc_end2:
_tile_overlayer_lowered:
.L_overlay_start_2:
0x5b2: {  	(tag) =	ssettag $0x2  }
0x5b3: {  	s0 =	rddreg [dreg:$0x0];
	s2 =	stileid.u32  }
0x5b4: {  	s1 =	rddreg [dreg:$0x1];
	p0 =	sne.s32 s2, $0x0  }
0x5b5: {  	s3 =	rddreg [dreg:$0x2];
	[bflag:$0x3] =	sbarrier.arrive $0xFFFF;
	s2 =	simm.s32 @!p0 $0x1C04  }
0x5b6: {  	[timem:s3], [sflag:s2] =	dma.local @!p0 [hbm:s0], s1  }
0x5b7: {  	s0 =	simm.s32 @!p0 $0x4  }
0x5b8: {  	_ =	swait.ge @!p0 [sflag:s0], s1  }
0x5b9: {  	s1 =	ssub.s32 @!p0 $0x0, s1;
	[sflag:s0] =	ssyncset.done @!p0 $0x0  }
0x5ba: {  	[sflag:s0] =	ssyncadd.s32 @!p0 s1  }
0x5bb: {  	[bflag:$0x3] =	sbarrier.arrive $0xFFFF  }
0x5bc: {  	_ =	shalt  }

</sc_bundles>
